<compile_context>
chip_gen: v7x
topology: tpu7x:2x2x1
jax: 0.10.2.dev20260603
libtpu: 0.0.44.dev20260713+nightly
codegen_flags: <defaults>
</compile_context>

<pallas_src>
import functools

import jax
import jax.numpy as jnp
from jax import lax
from jax.experimental import pallas as pl
from jax.experimental.pallas import tpu as pltpu
from jax.experimental.pallas import tpu_sc as plsc

N = 10000
E = 320000
D = 128
E_CHARGE = 1.602176634e-19
EPS0 = 8.8541878128e-12

NC = 2
NS = 16
NW = NC * NS
EPW = E // NW
CH = 80
NCHUNK = EPW // CH
NPAD = 10240
RPT = NPAD // NS
ZR = 64

_C_E2 = E_CHARGE ** 2
_C_4PIEPS = 4.0 * 3.141592653589793 * EPS0
_C_1EM10 = 1e-10


def _mish(v):
    u = jnp.exp(jnp.minimum(v, 30.0))
    t = u * (u + 2.0)
    return v * (t / (t + 2.0))


def _mlp(v, w1, b1, w2, b2):
    h = jnp.dot(v, w1, preferred_element_type=jnp.float32) + b1
    return jnp.dot(_mish(h), w2, preferred_element_type=jnp.float32) + b2


BN = 1000


def _node_body(x_ref, ws1, bs1, ws2, bs2, wd1, bd1, wd2, bd2, hs_ref, hd_ref):
    xb = x_ref[...]
    hs_ref[...] = _mlp(xb, ws1[...], bs1[...], ws2[...], bs2[...])
    hd_ref[...] = _mlp(xb, wd1[...], bd1[...], wd2[...], bd2[...])


def _node_mlps(x, ws1, bs1, ws2, bs2, wd1, bd1, wd2, bd2):
    wspec = pl.BlockSpec((D, D), lambda i: (0, 0))
    bspec = pl.BlockSpec((1, D), lambda i: (0, 0))
    nspec = pl.BlockSpec((BN, D), lambda i: (i, 0))
    return pl.pallas_call(
        _node_body,
        grid=(N // BN,),
        in_specs=[nspec, wspec, bspec, wspec, bspec, wspec, bspec, wspec, bspec],
        out_specs=[nspec, nspec],
        out_shape=[jax.ShapeDtypeStruct((N, D), jnp.float32)] * 2,
    )(x, ws1, bs1, ws2, bs2, wd1, bd1, wd2, bd2)


@functools.cache
def _sc_mesh():
    return plsc.VectorSubcoreMesh(
        core_axis_name="c", subcore_axis_name="s",
        num_cores=NC, num_subcores=NS)


@functools.cache
def _gather_mul_kernel():
    return functools.partial(
        pl.kernel,
        out_type=jax.ShapeDtypeStruct((E, D), jnp.float32),
        mesh=_sc_mesh(),
        scratch_types=[
            pltpu.VMEM((NCHUNK, CH), jnp.int32),
            pltpu.VMEM((NCHUNK, CH), jnp.int32),
            pltpu.VMEM((CH, D), jnp.float32),
            pltpu.VMEM((CH, D), jnp.float32),
            pltpu.VMEM((CH, D), jnp.float32),
            pltpu.VMEM((CH, D), jnp.float32),
            pltpu.VMEM((CH, D), jnp.float32),
            pltpu.VMEM((CH, D), jnp.float32),
            pltpu.SemaphoreType.DMA,
            pltpu.SemaphoreType.DMA,
            pltpu.SemaphoreType.DMA,
            pltpu.SemaphoreType.DMA,
        ],
    )(_gather_mul_body)


def _gather_mul_body(hsrc_hbm, hdst_hbm, src_hbm, dst_hbm, g_hbm,
                     ia_v, ib_v, ra0, rb0, ra1, rb1, wa0, wa1,
                     sem0, sem1, wsem0, wsem1):
    wid = lax.axis_index("s") * NC + lax.axis_index("c")
    base = wid * EPW
    pltpu.sync_copy(src_hbm.at[wid], ia_v)
    pltpu.sync_copy(dst_hbm.at[wid], ib_v)
    gbufs = ((ra0, rb0, sem0), (ra1, rb1, sem1))
    wbufs = ((wa0, wsem0), (wa1, wsem1))

    def fire(c, ra, rb, sem):
        pltpu.async_copy(hsrc_hbm.at[ia_v.at[c]], ra, sem)
        pltpu.async_copy(hdst_hbm.at[ib_v.at[c]], rb, sem)

    def process(c, p):
        ra, rb, sem = gbufs[p]
        wa, wsem = wbufs[p]
        pltpu.make_async_copy(hsrc_hbm.at[ia_v.at[c]], ra, sem).wait()
        pltpu.make_async_copy(hdst_hbm.at[ib_v.at[c]], rb, sem).wait()

        @pl.when(c >= 2)
        def _():
            pltpu.make_async_copy(
                wa, g_hbm.at[pl.ds(base + (c - 2) * CH, CH)], wsem).wait()

        @plsc.parallel_loop(0, CH, unroll=4)
        def _(i):
            for r in range(D // 16):
                sl = pl.ds(r * 16, 16)
                wa[i, sl] = ra[i, sl] * rb[i, sl]
        nc = c + 2

        @pl.when(nc < NCHUNK)
        def _():
            fire(nc, ra, rb, sem)

        pltpu.async_copy(wa, g_hbm.at[pl.ds(base + c * CH, CH)], wsem)

    fire(0, *gbufs[0])
    fire(1, *gbufs[1])

    def body(k, carry):
        for p in range(2):
            process(2 * k + p, p)
        return carry

    lax.fori_loop(0, NCHUNK // 2, body, 0)
    lastp = (NCHUNK - 1) % 2
    process(jnp.int32(NCHUNK - 1), lastp)
    for p in range(2):
        wa, wsem = wbufs[p]
        c = NCHUNK - 1 if p == lastp else NCHUNK - 2
        pltpu.make_async_copy(
            wa, g_hbm.at[pl.ds(base + c * CH, CH)], wsem).wait()


BE = 2000


def _edge_body(ef_ref, g_ref, we1, be1, we2, be2, wm1, bm1, wm2, bm2, m_ref):
    ef = _mlp(ef_ref[...], we1[...], be1[...], we2[...], be2[...])
    num = g_ref[...] * _C_E2
    den = (_C_4PIEPS * ef) * _C_1EM10
    hn = num / den
    m_ref[...] = _mlp(hn, wm1[...], bm1[...], wm2[...], bm2[...])


def _edge_mlps(edge_feats, g, we1, be1, we2, be2, wm1, bm1, wm2, bm2):
    wspec = pl.BlockSpec((D, D), lambda i: (0, 0))
    bspec = pl.BlockSpec((1, D), lambda i: (0, 0))
    espec = pl.BlockSpec((BE, D), lambda i: (i, 0))
    return pl.pallas_call(
        _edge_body,
        grid=(E // BE,),
        in_specs=[espec, espec, wspec, bspec, wspec, bspec,
                  wspec, bspec, wspec, bspec],
        out_specs=espec,
        out_shape=jax.ShapeDtypeStruct((E, D), jnp.float32),
    )(edge_feats, g, we1, be1, we2, be2, wm1, bm1, wm2, bm2)


@functools.cache
def _scatter_add_kernel():
    return functools.partial(
        pl.kernel,
        out_type=jax.ShapeDtypeStruct((NC * NPAD, D), jnp.float32),
        mesh=_sc_mesh(),
        scratch_types=[
            pltpu.VMEM((NCHUNK, CH), jnp.int32),
            pltpu.VMEM((CH, D), jnp.float32),
            pltpu.VMEM((CH, D), jnp.float32),
            pltpu.VMEM((ZR, D), jnp.float32),
            pltpu.VMEM_SHARED((NPAD, D), jnp.float32),
            pltpu.SemaphoreType.DMA,
            pltpu.SemaphoreType.DMA,
        ],
    )(_scatter_add_body)


def _scatter_add_body(m_hbm, dst_hbm, h_hbm, idx_v, rows0, rows1, zb_v,
                      shared, sem0, sem1):
    cid = lax.axis_index("c")
    sid = lax.axis_index("s")
    wid = sid * NC + cid
    base = wid * EPW
    pltpu.sync_copy(dst_hbm.at[wid], idx_v)
    bufs = ((rows0, sem0), (rows1, sem1))

    def fire(c, rows, sem):
        pltpu.async_copy(m_hbm.at[pl.ds(base + c * CH, CH)], rows, sem)

    def process(c, rows, sem):
        pltpu.make_async_copy(m_hbm.at[pl.ds(base + c * CH, CH)], rows,
                              sem).wait()
        pltpu.sync_copy(rows, shared.at[idx_v.at[c]], add=True)

    fire(0, *bufs[0])
    fire(1, *bufs[1])

    def zrow(i, carry):
        for r in range(D // 16):
            zb_v[i, pl.ds(r * 16, 16)] = jnp.zeros((16,), jnp.float32)
        return carry

    lax.fori_loop(0, ZR, zrow, 0)
    for k in range(RPT // ZR):
        pltpu.sync_copy(zb_v, shared.at[pl.ds(sid * RPT + k * ZR, ZR)])
    plsc.subcore_barrier()

    def chunk(k, carry):
        for p in range(2):
            c = 2 * k + p
            rows, sem = bufs[p]
            process(c, rows, sem)
            nc = c + 2

            @pl.when(nc < NCHUNK)
            def _():
                fire(nc, rows, sem)
        return carry

    lax.fori_loop(0, NCHUNK // 2, chunk, 0)
    process(NCHUNK - 1, *bufs[(NCHUNK - 1) % 2])
    plsc.subcore_barrier()
    pltpu.sync_copy(shared.at[pl.ds(sid * RPT, RPT)],
                    h_hbm.at[pl.ds(cid * NPAD + sid * RPT, RPT)])


def _final_body(x_ref, h0_ref, h1_ref, out_ref):
    out_ref[...] = jax.nn.softplus(x_ref[...] + (h0_ref[...] + h1_ref[...]))


def _finalize(x, h0, h1):
    nspec = pl.BlockSpec((BN, D), lambda i: (i, 0))
    return pl.pallas_call(
        _final_body,
        grid=(N // BN,),
        in_specs=[nspec, nspec, nspec],
        out_specs=nspec,
        out_shape=jax.ShapeDtypeStruct((N, D), jnp.float32),
    )(x, h0, h1)


def kernel(x, edge_index, edge_feats,
           W_src_1, b_src_1, W_src_2, b_src_2,
           W_dst_1, b_dst_1, W_dst_2, b_dst_2,
           W_edge_1, b_edge_1, W_edge_2, b_edge_2,
           W_m_1, b_m_1, W_m_2, b_m_2):
    src = edge_index[0].reshape(NW, NCHUNK, CH)
    dst = edge_index[1].reshape(NW, NCHUNK, CH)
    b2 = lambda b: b.reshape(1, D)
    h_src, h_dst = _node_mlps(x, W_src_1, b2(b_src_1), W_src_2, b2(b_src_2),
                              W_dst_1, b2(b_dst_1), W_dst_2, b2(b_dst_2))
    g = _gather_mul_kernel()(h_src, h_dst, src, dst)
    m = _edge_mlps(edge_feats, g, W_edge_1, b2(b_edge_1), W_edge_2, b2(b_edge_2),
                   W_m_1, b2(b_m_1), W_m_2, b2(b_m_2))
    h_parts = _scatter_add_kernel()(m, dst)
    return _finalize(x, h_parts[:N], h_parts[NPAD:NPAD + N])

# --- scband reference (transcript-rebuilt; emitter-appended) ---
"""Pipeline reference for scband-gnn-32117765440105 (READ-ONLY COPY).

The authoritative reference and input builder live on the scoring server;
editing this copy changes nothing except your own understanding.
"""

import jax, jax.numpy as jnp
import numpy as np

N = 10000
E = 320000
D = 128
E_CHARGE = 1.602176634e-19
EPS0 = 8.8541878128e-12


def mish(x):
    return x * jnp.tanh(jax.nn.softplus(x))


def mlp(x, W1, b1, W2, b2):
    return mish(x @ W1 + b1) @ W2 + b2


def setup_inputs(seed: int = 0) -> dict:
    key = jax.random.key(seed)
    ks = jax.random.split(key, 24)
    inp = {}
    inp['x'] = jax.random.normal(ks[0], (N, D), dtype=jnp.float32)
    inp['edge_index'] = jax.random.randint(ks[1], (2, E), 0, N, dtype=jnp.int32)
    inp['edge_feats'] = jax.random.uniform(ks[2], (E, D), dtype=jnp.float32)
    names = ['src', 'dst', 'edge', 'm']
    for i, nm in enumerate(names):
        inp[f'W_{nm}_1'] = jax.random.normal(ks[3 + 4 * i], (D, D), dtype=jnp.float32) * 0.05
        inp[f'b_{nm}_1'] = jnp.zeros((D,), dtype=jnp.float32)
        inp[f'W_{nm}_2'] = jax.random.normal(ks[4 + 4 * i], (D, D), dtype=jnp.float32) * 0.05
        inp[f'b_{nm}_2'] = jnp.zeros((D,), dtype=jnp.float32)
    return inp


def reference(x, edge_index, edge_feats,
              W_src_1, b_src_1, W_src_2, b_src_2,
              W_dst_1, b_dst_1, W_dst_2, b_dst_2,
              W_edge_1, b_edge_1, W_edge_2, b_edge_2,
              W_m_1, b_m_1, W_m_2, b_m_2):
    # GNNConv forward (Xie & Grossman style with Coulomb-like edge scaling)
    h_src = mlp(x, W_src_1, b_src_1, W_src_2, b_src_2)
    h_dst = mlp(x, W_dst_1, b_dst_1, W_dst_2, b_dst_2)
    ef = mlp(edge_feats, W_edge_1, b_edge_1, W_edge_2, b_edge_2)
    src = edge_index[0]
    dst = edge_index[1]
    # u_mul_v: per-edge elementwise product of gathered src/dst node features
    h_nodes = h_src[src] * h_dst[dst]
    h_nodes = h_nodes * (E_CHARGE ** 2) / (4.0 * jnp.pi * EPS0 * ef * 1e-10)
    m = mlp(h_nodes, W_m_1, b_m_1, W_m_2, b_m_2)
    # copy_e + sum reduce onto destination nodes (scatter-add)
    h = jnp.zeros((N, D), dtype=m.dtype).at[dst].add(m)
    out = jax.nn.softplus(x + h)
    return out

if __name__ == "__main__":
    import jax
    _d = setup_inputs()
    print(jax.jit(kernel)(*tuple(_d.values())))

</pallas_src>

<mosaic_0001>
#map = affine_map<(d0, d1) -> (0, 0)>
#map1 = affine_map<(d0, d1) -> (0, 0, 0)>
module attributes {stable_mosaic.version = 14 : i64} {
  func.func @_gather_mul_body(%arg0: i32, %arg1: i32, %arg2: memref<10000x128xf32, #tpu.memory_space<hbm>>, %arg3: memref<10000x128xf32, #tpu.memory_space<hbm>>, %arg4: memref<32x125x80xi32, #tpu.memory_space<hbm>>, %arg5: memref<32x125x80xi32, #tpu.memory_space<hbm>>, %arg6: memref<320000x128xf32, #tpu.memory_space<hbm>>, %arg7: memref<125x80xi32, #tpu.memory_space<vmem>>, %arg8: memref<125x80xi32, #tpu.memory_space<vmem>>, %arg9: memref<80x128xf32, #tpu.memory_space<vmem>>, %arg10: memref<80x128xf32, #tpu.memory_space<vmem>>, %arg11: memref<80x128xf32, #tpu.memory_space<vmem>>, %arg12: memref<80x128xf32, #tpu.memory_space<vmem>>, %arg13: memref<80x128xf32, #tpu.memory_space<vmem>>, %arg14: memref<80x128xf32, #tpu.memory_space<vmem>>, %arg15: memref<!tpu.dma_semaphore, #tpu.memory_space<semaphore_mem>>, %arg16: memref<!tpu.dma_semaphore, #tpu.memory_space<semaphore_mem>>, %arg17: memref<!tpu.dma_semaphore, #tpu.memory_space<semaphore_mem>>, %arg18: memref<!tpu.dma_semaphore, #tpu.memory_space<semaphore_mem>>) attributes {dimension_semantics = [#tpu.dimension_semantics<core_parallel>, #tpu.dimension_semantics<subcore_parallel>], iteration_bounds = array<i64: 2, 16>, scalar_prefetch = 0 : i64, scratch_operands = 12 : i64, tpu.core_type = #tpu.core_type<sc_vector_subcore>, window_params = [{transform_indices = #map}, {transform_indices = #map}, {transform_indices = #map1}, {transform_indices = #map1}, {transform_indices = #map}]} {
    %mul3A = arith.constant 2 : i32
    %mul3A_0 = arith.muli %arg1, %mul3A : i32
    %add3A = arith.addi %mul3A_0, %arg0 : i32
    %mul3A_1 = arith.constant 10000 : i32
    %mul3A_2 = arith.muli %add3A, %mul3A_1 : i32
    "tpu.region"() ({
      %run_scoped3A = tpu.sem_alloc : memref<!tpu.dma_semaphore, #tpu.memory_space<semaphore_mem>>
      %dma_start3A_81 = arith.constant 0 : i32
      %dma_start3A_82 = arith.constant 0 : i32
      %dma_start3A_83 = tpu.memref_slice %arg4[%add3A, %dma_start3A_81, %dma_start3A_82] : memref<32x125x80xi32, #tpu.memory_space<hbm>> -> memref<1x125x80xi32, #tpu.memory_space<hbm>>
      %dma_start3A_84 = tpu.memref_squeeze %dma_start3A_83 : memref<1x125x80xi32, #tpu.memory_space<hbm>> -> memref<125x80xi32, #tpu.memory_space<hbm>>
      %dma_start3A_85 = arith.constant 0 : i32
      %dma_start3A_86 = arith.constant 0 : i32
      %dma_start3A_87 = tpu.memref_slice %arg4[%add3A, %dma_start3A_85, %dma_start3A_86] : memref<32x125x80xi32, #tpu.memory_space<hbm>> -> memref<1x125x80xi32, #tpu.memory_space<hbm>>
      %dma_start3A_88 = tpu.memref_squeeze %dma_start3A_87 : memref<1x125x80xi32, #tpu.memory_space<hbm>> -> memref<125x80xi32, #tpu.memory_space<hbm>>
      tpu.enqueue_dma source(%dma_start3A_88 : memref<125x80xi32, #tpu.memory_space<hbm>>) target(%arg7 : memref<125x80xi32, #tpu.memory_space<vmem>>) target_semaphore(%run_scoped3A : memref<!tpu.dma_semaphore, #tpu.memory_space<semaphore_mem>>)
      %dma_wait3A_89 = arith.constant 0 : i32
      %dma_wait3A_90 = arith.constant 0 : i32
      %dma_wait3A_91 = tpu.memref_slice %arg4[%add3A, %dma_wait3A_89, %dma_wait3A_90] : memref<32x125x80xi32, #tpu.memory_space<hbm>> -> memref<1x125x80xi32, #tpu.memory_space<hbm>>
      %dma_wait3A_92 = tpu.memref_squeeze %dma_wait3A_91 : memref<1x125x80xi32, #tpu.memory_space<hbm>> -> memref<125x80xi32, #tpu.memory_space<hbm>>
      %dma_wait3A_93 = arith.constant 0 : i32
      %dma_wait3A_94 = arith.constant 0 : i32
      %dma_wait3A_95 = tpu.memref_slice %arg4[%add3A, %dma_wait3A_93, %dma_wait3A_94] : memref<32x125x80xi32, #tpu.memory_space<hbm>> -> memref<1x125x80xi32, #tpu.memory_space<hbm>>
      %dma_wait3A_96 = tpu.memref_squeeze %dma_wait3A_95 : memref<1x125x80xi32, #tpu.memory_space<hbm>> -> memref<125x80xi32, #tpu.memory_space<hbm>>
      tpu.wait_dma2 semaphore(%run_scoped3A : memref<!tpu.dma_semaphore, #tpu.memory_space<semaphore_mem>>) src(%dma_wait3A_96 : memref<125x80xi32, #tpu.memory_space<hbm>>) dst(%arg7 : memref<125x80xi32, #tpu.memory_space<vmem>>)
      tpu.yield
    }) : () -> ()
    "tpu.region"() ({
      %run_scoped3A = tpu.sem_alloc : memref<!tpu.dma_semaphore, #tpu.memory_space<semaphore_mem>>
      %dma_start3A_81 = arith.constant 0 : i32
      %dma_start3A_82 = arith.constant 0 : i32
      %dma_start3A_83 = tpu.memref_slice %arg5[%add3A, %dma_start3A_81, %dma_start3A_82] : memref<32x125x80xi32, #tpu.memory_space<hbm>> -> memref<1x125x80xi32, #tpu.memory_space<hbm>>
      %dma_start3A_84 = tpu.memref_squeeze %dma_start3A_83 : memref<1x125x80xi32, #tpu.memory_space<hbm>> -> memref<125x80xi32, #tpu.memory_space<hbm>>
      %dma_start3A_85 = arith.constant 0 : i32
      %dma_start3A_86 = arith.constant 0 : i32
      %dma_start3A_87 = tpu.memref_slice %arg5[%add3A, %dma_start3A_85, %dma_start3A_86] : memref<32x125x80xi32, #tpu.memory_space<hbm>> -> memref<1x125x80xi32, #tpu.memory_space<hbm>>
      %dma_start3A_88 = tpu.memref_squeeze %dma_start3A_87 : memref<1x125x80xi32, #tpu.memory_space<hbm>> -> memref<125x80xi32, #tpu.memory_space<hbm>>
      tpu.enqueue_dma source(%dma_start3A_88 : memref<125x80xi32, #tpu.memory_space<hbm>>) target(%arg8 : memref<125x80xi32, #tpu.memory_space<vmem>>) target_semaphore(%run_scoped3A : memref<!tpu.dma_semaphore, #tpu.memory_space<semaphore_mem>>)
      %dma_wait3A_89 = arith.constant 0 : i32
      %dma_wait3A_90 = arith.constant 0 : i32
      %dma_wait3A_91 = tpu.memref_slice %arg5[%add3A, %dma_wait3A_89, %dma_wait3A_90] : memref<32x125x80xi32, #tpu.memory_space<hbm>> -> memref<1x125x80xi32, #tpu.memory_space<hbm>>
      %dma_wait3A_92 = tpu.memref_squeeze %dma_wait3A_91 : memref<1x125x80xi32, #tpu.memory_space<hbm>> -> memref<125x80xi32, #tpu.memory_space<hbm>>
      %dma_wait3A_93 = arith.constant 0 : i32
      %dma_wait3A_94 = arith.constant 0 : i32
      %dma_wait3A_95 = tpu.memref_slice %arg5[%add3A, %dma_wait3A_93, %dma_wait3A_94] : memref<32x125x80xi32, #tpu.memory_space<hbm>> -> memref<1x125x80xi32, #tpu.memory_space<hbm>>
      %dma_wait3A_96 = tpu.memref_squeeze %dma_wait3A_95 : memref<1x125x80xi32, #tpu.memory_space<hbm>> -> memref<125x80xi32, #tpu.memory_space<hbm>>
      tpu.wait_dma2 semaphore(%run_scoped3A : memref<!tpu.dma_semaphore, #tpu.memory_space<semaphore_mem>>) src(%dma_wait3A_96 : memref<125x80xi32, #tpu.memory_space<hbm>>) dst(%arg8 : memref<125x80xi32, #tpu.memory_space<vmem>>)
      tpu.yield
    }) : () -> ()
    %dma_start3A = arith.constant 0 : i32
    %dma_start3A_3 = arith.constant 0 : i32
    %dma_start3A_4 = tpu.memref_slice %arg7[%dma_start3A, %dma_start3A_3] : memref<125x80xi32, #tpu.memory_space<vmem>> -> memref<1x80xi32, #tpu.memory_space<vmem>>
    %dma_start3A_5 = tpu.memref_squeeze %dma_start3A_4 : memref<1x80xi32, #tpu.memory_space<vmem>> -> memref<80xi32, #tpu.memory_space<vmem>>
    %dma_start3A_6 = arith.constant 0 : i32
    %dma_start3A_7 = arith.constant 0 : i32
    %dma_start3A_8 = tpu.memref_slice %arg2[%dma_start3A_6, %dma_start3A_7] : memref<10000x128xf32, #tpu.memory_space<hbm>> -> memref<10000x128xf32, #tpu.memory_space<hbm>>
    tpu.enqueue_indirect_dma source(%dma_start3A_8 : memref<10000x128xf32, #tpu.memory_space<hbm>>) target(%arg9 : memref<80x128xf32, #tpu.memory_space<vmem>>) offsets(%dma_start3A_5 : memref<80xi32, #tpu.memory_space<vmem>>) semaphore(%arg15 : memref<!tpu.dma_semaphore, #tpu.memory_space<semaphore_mem>>)
    %dma_start3A_9 = arith.constant 0 : i32
    %dma_start3A_10 = arith.constant 0 : i32
    %dma_start3A_11 = tpu.memref_slice %arg8[%dma_start3A_9, %dma_start3A_10] : memref<125x80xi32, #tpu.memory_space<vmem>> -> memref<1x80xi32, #tpu.memory_space<vmem>>
    %dma_start3A_12 = tpu.memref_squeeze %dma_start3A_11 : memref<1x80xi32, #tpu.memory_space<vmem>> -> memref<80xi32, #tpu.memory_space<vmem>>
    %dma_start3A_13 = arith.constant 0 : i32
    %dma_start3A_14 = arith.constant 0 : i32
    %dma_start3A_15 = tpu.memref_slice %arg3[%dma_start3A_13, %dma_start3A_14] : memref<10000x128xf32, #tpu.memory_space<hbm>> -> memref<10000x128xf32, #tpu.memory_space<hbm>>
    tpu.enqueue_indirect_dma source(%dma_start3A_15 : memref<10000x128xf32, #tpu.memory_space<hbm>>) target(%arg10 : memref<80x128xf32, #tpu.memory_space<vmem>>) offsets(%dma_start3A_12 : memref<80xi32, #tpu.memory_space<vmem>>) semaphore(%arg15 : memref<!tpu.dma_semaphore, #tpu.memory_space<semaphore_mem>>)
    %dma_start3A_16 = arith.constant 1 : i32
    %dma_start3A_17 = arith.constant 0 : i32
    %dma_start3A_18 = tpu.memref_slice %arg7[%dma_start3A_16, %dma_start3A_17] : memref<125x80xi32, #tpu.memory_space<vmem>> -> memref<1x80xi32, #tpu.memory_space<vmem>>
    %dma_start3A_19 = tpu.memref_squeeze %dma_start3A_18 : memref<1x80xi32, #tpu.memory_space<vmem>> -> memref<80xi32, #tpu.memory_space<vmem>>
    %dma_start3A_20 = arith.constant 0 : i32
    %dma_start3A_21 = arith.constant 0 : i32
    %dma_start3A_22 = tpu.memref_slice %arg2[%dma_start3A_20, %dma_start3A_21] : memref<10000x128xf32, #tpu.memory_space<hbm>> -> memref<10000x128xf32, #tpu.memory_space<hbm>>
    tpu.enqueue_indirect_dma source(%dma_start3A_22 : memref<10000x128xf32, #tpu.memory_space<hbm>>) target(%arg11 : memref<80x128xf32, #tpu.memory_space<vmem>>) offsets(%dma_start3A_19 : memref<80xi32, #tpu.memory_space<vmem>>) semaphore(%arg16 : memref<!tpu.dma_semaphore, #tpu.memory_space<semaphore_mem>>)
    %dma_start3A_23 = arith.constant 1 : i32
    %dma_start3A_24 = arith.constant 0 : i32
    %dma_start3A_25 = tpu.memref_slice %arg8[%dma_start3A_23, %dma_start3A_24] : memref<125x80xi32, #tpu.memory_space<vmem>> -> memref<1x80xi32, #tpu.memory_space<vmem>>
    %dma_start3A_26 = tpu.memref_squeeze %dma_start3A_25 : memref<1x80xi32, #tpu.memory_space<vmem>> -> memref<80xi32, #tpu.memory_space<vmem>>
    %dma_start3A_27 = arith.constant 0 : i32
    %dma_start3A_28 = arith.constant 0 : i32
    %dma_start3A_29 = tpu.memref_slice %arg3[%dma_start3A_27, %dma_start3A_28] : memref<10000x128xf32, #tpu.memory_space<hbm>> -> memref<10000x128xf32, #tpu.memory_space<hbm>>
    tpu.enqueue_indirect_dma source(%dma_start3A_29 : memref<10000x128xf32, #tpu.memory_space<hbm>>) target(%arg12 : memref<80x128xf32, #tpu.memory_space<vmem>>) offsets(%dma_start3A_26 : memref<80xi32, #tpu.memory_space<vmem>>) semaphore(%arg16 : memref<!tpu.dma_semaphore, #tpu.memory_space<semaphore_mem>>)
    %scan3A = arith.constant 0 : i32
    %scan3A_30 = arith.constant 0 : i32
    %scan3A_31 = arith.constant 62 : i32
    %scan3A_32 = arith.addi %scan3A_30, %scan3A_31 : i32
    %scan3A_33 = arith.constant 1 : i32
    scf.for %scan3A_81 = %scan3A_30 to %scan3A_32 step %scan3A_33  : i32 {
      %mul3A_82 = arith.constant 2 : i32
      %mul3A_83 = arith.muli %mul3A_82, %scan3A_81 : i32
      %add3A_84 = arith.constant 0 : i32
      %add3A_85 = arith.addi %mul3A_83, %add3A_84 : i32
      %dma_wait3A_86 = arith.constant 0 : i32
      %dma_wait3A_87 = tpu.memref_slice %arg7[%add3A_85, %dma_wait3A_86] : memref<125x80xi32, #tpu.memory_space<vmem>> -> memref<1x80xi32, #tpu.memory_space<vmem>>
      %dma_wait3A_88 = tpu.memref_squeeze %dma_wait3A_87 : memref<1x80xi32, #tpu.memory_space<vmem>> -> memref<80xi32, #tpu.memory_space<vmem>>
      %dma_wait3A_89 = arith.constant 0 : i32
      %dma_wait3A_90 = arith.constant 0 : i32
      %dma_wait3A_91 = tpu.memref_slice %arg2[%dma_wait3A_89, %dma_wait3A_90] : memref<10000x128xf32, #tpu.memory_space<hbm>> -> memref<10000x128xf32, #tpu.memory_space<hbm>>
      tpu.wait_indirect_dma semaphore(%arg15 : memref<!tpu.dma_semaphore, #tpu.memory_space<semaphore_mem>>) src(%dma_wait3A_91 : memref<10000x128xf32, #tpu.memory_space<hbm>>) dst(%arg9 : memref<80x128xf32, #tpu.memory_space<vmem>>)
      %dma_wait3A_92 = arith.constant 0 : i32
      %dma_wait3A_93 = tpu.memref_slice %arg8[%add3A_85, %dma_wait3A_92] : memref<125x80xi32, #tpu.memory_space<vmem>> -> memref<1x80xi32, #tpu.memory_space<vmem>>
      %dma_wait3A_94 = tpu.memref_squeeze %dma_wait3A_93 : memref<1x80xi32, #tpu.memory_space<vmem>> -> memref<80xi32, #tpu.memory_space<vmem>>
      %dma_wait3A_95 = arith.constant 0 : i32
      %dma_wait3A_96 = arith.constant 0 : i32
      %dma_wait3A_97 = tpu.memref_slice %arg3[%dma_wait3A_95, %dma_wait3A_96] : memref<10000x128xf32, #tpu.memory_space<hbm>> -> memref<10000x128xf32, #tpu.memory_space<hbm>>
      tpu.wait_indirect_dma semaphore(%arg15 : memref<!tpu.dma_semaphore, #tpu.memory_space<semaphore_mem>>) src(%dma_wait3A_97 : memref<10000x128xf32, #tpu.memory_space<hbm>>) dst(%arg10 : memref<80x128xf32, #tpu.memory_space<vmem>>)
      %ge3A_98 = arith.constant 2 : i32
      %ge3A_99 = arith.cmpi sge, %add3A_85, %ge3A_98 : i32
      %convert_element_type3A_100 = arith.extui %ge3A_99 : i1 to i32
      %cond3A_101 = arith.constant 0 : i32
      %cond3A_102 = arith.cmpi ne, %convert_element_type3A_100, %cond3A_101 : i32
      scf.if %cond3A_102 {
        %sub3A = arith.constant 2 : i32
        %sub3A_158 = arith.subi %add3A_85, %sub3A : i32
        %mul3A_159 = arith.constant 80 : i32
        %mul3A_160 = arith.muli %sub3A_158, %mul3A_159 : i32
        %add3A_161 = arith.addi %mul3A_2, %mul3A_160 : i32
        %dma_wait3A_162 = arith.constant 0 : i32
        %dma_wait3A_163 = tpu.memref_slice %arg6[%add3A_161, %dma_wait3A_162] : memref<320000x128xf32, #tpu.memory_space<hbm>> -> memref<80x128xf32, #tpu.memory_space<hbm>>
        %dma_wait3A_164 = arith.constant 0 : i32
        %dma_wait3A_165 = tpu.memref_slice %arg6[%add3A_161, %dma_wait3A_164] : memref<320000x128xf32, #tpu.memory_space<hbm>> -> memref<80x128xf32, #tpu.memory_space<hbm>>
        tpu.wait_dma2 semaphore(%arg17 : memref<!tpu.dma_semaphore, #tpu.memory_space<semaphore_mem>>) src(%arg13 : memref<80x128xf32, #tpu.memory_space<vmem>>) dst(%dma_wait3A_165 : memref<80x128xf32, #tpu.memory_space<hbm>>)
      } else {
      }
      %parallel_loop3A_103 = arith.constant 0 : i32
      %parallel_loop3A_104 = arith.constant 80 : i32
      %parallel_loop3A_105 = arith.constant 1 : i32
      scf.for %parallel_loop3A_158 = %parallel_loop3A_103 to %parallel_loop3A_104 step %parallel_loop3A_105  : i32 {
        %parallel_loop3A_159 = arith.index_cast %parallel_loop3A_158 : i32 to index
        %parallel_loop3A_160 = arith.constant 0 : index
        %parallel_loop3A_161 = tpu.vector_load %arg9[%parallel_loop3A_159, %parallel_loop3A_160] {strides = array<i32>} : memref<80x128xf32, #tpu.memory_space<vmem>>, vector<1x16xf32>,
        %parallel_loop3A_162 = vector.shape_cast %parallel_loop3A_161 : vector<1x16xf32> to vector<16xf32>
        %parallel_loop3A_163 = arith.index_cast %parallel_loop3A_158 : i32 to index
        %parallel_loop3A_164 = arith.constant 0 : index
        %parallel_loop3A_165 = tpu.vector_load %arg10[%parallel_loop3A_163, %parallel_loop3A_164] {strides = array<i32>} : memref<80x128xf32, #tpu.memory_space<vmem>>, vector<1x16xf32>,
        %parallel_loop3A_166 = vector.shape_cast %parallel_loop3A_165 : vector<1x16xf32> to vector<16xf32>
        %parallel_loop3A_167 = arith.mulf %parallel_loop3A_162, %parallel_loop3A_166 : vector<16xf32>
        %parallel_loop3A_168 = arith.index_cast %parallel_loop3A_158 : i32 to index
        %parallel_loop3A_169 = arith.constant 0 : index
        %parallel_loop3A_170 = tpu.vector_load %arg13[%parallel_loop3A_168, %parallel_loop3A_169] {strides = array<i32>} : memref<80x128xf32, #tpu.memory_space<vmem>>, vector<1x16xf32>,
        %parallel_loop3A_171 = vector.shape_cast %parallel_loop3A_170 : vector<1x16xf32> to vector<16xf32>
        %parallel_loop3A_172 = vector.shape_cast %parallel_loop3A_167 : vector<16xf32> to vector<1x16xf32>
        tpu.vector_store %arg13[%parallel_loop3A_168, %parallel_loop3A_169], %parallel_loop3A_172 {strides = array<i32>} : memref<80x128xf32, #tpu.memory_space<vmem>>, vector<1x16xf32>,
        %parallel_loop3A_173 = arith.index_cast %parallel_loop3A_158 : i32 to index
        %parallel_loop3A_174 = arith.constant 16 : index
        %parallel_loop3A_175 = tpu.vector_load %arg9[%parallel_loop3A_173, %parallel_loop3A_174] {strides = array<i32>} : memref<80x128xf32, #tpu.memory_space<vmem>>, vector<1x16xf32>,
        %parallel_loop3A_176 = vector.shape_cast %parallel_loop3A_175 : vector<1x16xf32> to vector<16xf32>
        %parallel_loop3A_177 = arith.index_cast %parallel_loop3A_158 : i32 to index
        %parallel_loop3A_178 = arith.constant 16 : index
        %parallel_loop3A_179 = tpu.vector_load %arg10[%parallel_loop3A_177, %parallel_loop3A_178] {strides = array<i32>} : memref<80x128xf32, #tpu.memory_space<vmem>>, vector<1x16xf32>,
        %parallel_loop3A_180 = vector.shape_cast %parallel_loop3A_179 : vector<1x16xf32> to vector<16xf32>
        %parallel_loop3A_181 = arith.mulf %parallel_loop3A_176, %parallel_loop3A_180 : vector<16xf32>
        %parallel_loop3A_182 = arith.index_cast %parallel_loop3A_158 : i32 to index
        %parallel_loop3A_183 = arith.constant 16 : index
        %parallel_loop3A_184 = tpu.vector_load %arg13[%parallel_loop3A_182, %parallel_loop3A_183] {strides = array<i32>} : memref<80x128xf32, #tpu.memory_space<vmem>>, vector<1x16xf32>,
        %parallel_loop3A_185 = vector.shape_cast %parallel_loop3A_184 : vector<1x16xf32> to vector<16xf32>
        %parallel_loop3A_186 = vector.shape_cast %parallel_loop3A_181 : vector<16xf32> to vector<1x16xf32>
        tpu.vector_store %arg13[%parallel_loop3A_182, %parallel_loop3A_183], %parallel_loop3A_186 {strides = array<i32>} : memref<80x128xf32, #tpu.memory_space<vmem>>, vector<1x16xf32>,
        %parallel_loop3A_187 = arith.index_cast %parallel_loop3A_158 : i32 to index
        %parallel_loop3A_188 = arith.constant 32 : index
        %parallel_loop3A_189 = tpu.vector_load %arg9[%parallel_loop3A_187, %parallel_loop3A_188] {strides = array<i32>} : memref<80x128xf32, #tpu.memory_space<vmem>>, vector<1x16xf32>,
        %parallel_loop3A_190 = vector.shape_cast %parallel_loop3A_189 : vector<1x16xf32> to vector<16xf32>
        %parallel_loop3A_191 = arith.index_cast %parallel_loop3A_158 : i32 to index
        %parallel_loop3A_192 = arith.constant 32 : index
        %parallel_loop3A_193 = tpu.vector_load %arg10[%parallel_loop3A_191, %parallel_loop3A_192] {strides = array<i32>} : memref<80x128xf32, #tpu.memory_space<vmem>>, vector<1x16xf32>,
        %parallel_loop3A_194 = vector.shape_cast %parallel_loop3A_193 : vector<1x16xf32> to vector<16xf32>
        %parallel_loop3A_195 = arith.mulf %parallel_loop3A_190, %parallel_loop3A_194 : vector<16xf32>
        %parallel_loop3A_196 = arith.index_cast %parallel_loop3A_158 : i32 to index
        %parallel_loop3A_197 = arith.constant 32 : index
        %parallel_loop3A_198 = tpu.vector_load %arg13[%parallel_loop3A_196, %parallel_loop3A_197] {strides = array<i32>} : memref<80x128xf32, #tpu.memory_space<vmem>>, vector<1x16xf32>,
        %parallel_loop3A_199 = vector.shape_cast %parallel_loop3A_198 : vector<1x16xf32> to vector<16xf32>
        %parallel_loop3A_200 = vector.shape_cast %parallel_loop3A_195 : vector<16xf32> to vector<1x16xf32>
        tpu.vector_store %arg13[%parallel_loop3A_196, %parallel_loop3A_197], %parallel_loop3A_200 {strides = array<i32>} : memref<80x128xf32, #tpu.memory_space<vmem>>, vector<1x16xf32>,
        %parallel_loop3A_201 = arith.index_cast %parallel_loop3A_158 : i32 to index
        %parallel_loop3A_202 = arith.constant 48 : index
        %parallel_loop3A_203 = tpu.vector_load %arg9[%parallel_loop3A_201, %parallel_loop3A_202] {strides = array<i32>} : memref<80x128xf32, #tpu.memory_space<vmem>>, vector<1x16xf32>,
        %parallel_loop3A_204 = vector.shape_cast %parallel_loop3A_203 : vector<1x16xf32> to vector<16xf32>
        %parallel_loop3A_205 = arith.index_cast %parallel_loop3A_158 : i32 to index
        %parallel_loop3A_206 = arith.constant 48 : index
        %parallel_loop3A_207 = tpu.vector_load %arg10[%parallel_loop3A_205, %parallel_loop3A_206] {strides = array<i32>} : memref<80x128xf32, #tpu.memory_space<vmem>>, vector<1x16xf32>,
        %parallel_loop3A_208 = vector.shape_cast %parallel_loop3A_207 : vector<1x16xf32> to vector<16xf32>
        %parallel_loop3A_209 = arith.mulf %parallel_loop3A_204, %parallel_loop3A_208 : vector<16xf32>
        %parallel_loop3A_210 = arith.index_cast %parallel_loop3A_158 : i32 to index
        %parallel_loop3A_211 = arith.constant 48 : index
        %parallel_loop3A_212 = tpu.vector_load %arg13[%parallel_loop3A_210, %parallel_loop3A_211] {strides = array<i32>} : memref<80x128xf32, #tpu.memory_space<vmem>>, vector<1x16xf32>,
        %parallel_loop3A_213 = vector.shape_cast %parallel_loop3A_212 : vector<1x16xf32> to vector<16xf32>
        %parallel_loop3A_214 = vector.shape_cast %parallel_loop3A_209 : vector<16xf32> to vector<1x16xf32>
        tpu.vector_store %arg13[%parallel_loop3A_210, %parallel_loop3A_211], %parallel_loop3A_214 {strides = array<i32>} : memref<80x128xf32, #tpu.memory_space<vmem>>, vector<1x16xf32>,
        %parallel_loop3A_215 = arith.index_cast %parallel_loop3A_158 : i32 to index
        %parallel_loop3A_216 = arith.constant 64 : index
        %parallel_loop3A_217 = tpu.vector_load %arg9[%parallel_loop3A_215, %parallel_loop3A_216] {strides = array<i32>} : memref<80x128xf32, #tpu.memory_space<vmem>>, vector<1x16xf32>,
        %parallel_loop3A_218 = vector.shape_cast %parallel_loop3A_217 : vector<1x16xf32> to vector<16xf32>
        %parallel_loop3A_219 = arith.index_cast %parallel_loop3A_158 : i32 to index
        %parallel_loop3A_220 = arith.constant 64 : index
        %parallel_loop3A_221 = tpu.vector_load %arg10[%parallel_loop3A_219, %parallel_loop3A_220] {strides = array<i32>} : memref<80x128xf32, #tpu.memory_space<vmem>>, vector<1x16xf32>,
        %parallel_loop3A_222 = vector.shape_cast %parallel_loop3A_221 : vector<1x16xf32> to vector<16xf32>
        %parallel_loop3A_223 = arith.mulf %parallel_loop3A_218, %parallel_loop3A_222 : vector<16xf32>
        %parallel_loop3A_224 = arith.index_cast %parallel_loop3A_158 : i32 to index
        %parallel_loop3A_225 = arith.constant 64 : index
        %parallel_loop3A_226 = tpu.vector_load %arg13[%parallel_loop3A_224, %parallel_loop3A_225] {strides = array<i32>} : memref<80x128xf32, #tpu.memory_space<vmem>>, vector<1x16xf32>,
        %parallel_loop3A_227 = vector.shape_cast %parallel_loop3A_226 : vector<1x16xf32> to vector<16xf32>
        %parallel_loop3A_228 = vector.shape_cast %parallel_loop3A_223 : vector<16xf32> to vector<1x16xf32>
        tpu.vector_store %arg13[%parallel_loop3A_224, %parallel_loop3A_225], %parallel_loop3A_228 {strides = array<i32>} : memref<80x128xf32, #tpu.memory_space<vmem>>, vector<1x16xf32>,
        %parallel_loop3A_229 = arith.index_cast %parallel_loop3A_158 : i32 to index
        %parallel_loop3A_230 = arith.constant 80 : index
        %parallel_loop3A_231 = tpu.vector_load %arg9[%parallel_loop3A_229, %parallel_loop3A_230] {strides = array<i32>} : memref<80x128xf32, #tpu.memory_space<vmem>>, vector<1x16xf32>,
        %parallel_loop3A_232 = vector.shape_cast %parallel_loop3A_231 : vector<1x16xf32> to vector<16xf32>
        %parallel_loop3A_233 = arith.index_cast %parallel_loop3A_158 : i32 to index
        %parallel_loop3A_234 = arith.constant 80 : index
        %parallel_loop3A_235 = tpu.vector_load %arg10[%parallel_loop3A_233, %parallel_loop3A_234] {strides = array<i32>} : memref<80x128xf32, #tpu.memory_space<vmem>>, vector<1x16xf32>,
        %parallel_loop3A_236 = vector.shape_cast %parallel_loop3A_235 : vector<1x16xf32> to vector<16xf32>
        %parallel_loop3A_237 = arith.mulf %parallel_loop3A_232, %parallel_loop3A_236 : vector<16xf32>
        %parallel_loop3A_238 = arith.index_cast %parallel_loop3A_158 : i32 to index
        %parallel_loop3A_239 = arith.constant 80 : index
        %parallel_loop3A_240 = tpu.vector_load %arg13[%parallel_loop3A_238, %parallel_loop3A_239] {strides = array<i32>} : memref<80x128xf32, #tpu.memory_space<vmem>>, vector<1x16xf32>,
        %parallel_loop3A_241 = vector.shape_cast %parallel_loop3A_240 : vector<1x16xf32> to vector<16xf32>
        %parallel_loop3A_242 = vector.shape_cast %parallel_loop3A_237 : vector<16xf32> to vector<1x16xf32>
        tpu.vector_store %arg13[%parallel_loop3A_238, %parallel_loop3A_239], %parallel_loop3A_242 {strides = array<i32>} : memref<80x128xf32, #tpu.memory_space<vmem>>, vector<1x16xf32>,
        %parallel_loop3A_243 = arith.index_cast %parallel_loop3A_158 : i32 to index
        %parallel_loop3A_244 = arith.constant 96 : index
        %parallel_loop3A_245 = tpu.vector_load %arg9[%parallel_loop3A_243, %parallel_loop3A_244] {strides = array<i32>} : memref<80x128xf32, #tpu.memory_space<vmem>>, vector<1x16xf32>,
        %parallel_loop3A_246 = vector.shape_cast %parallel_loop3A_245 : vector<1x16xf32> to vector<16xf32>
        %parallel_loop3A_247 = arith.index_cast %parallel_loop3A_158 : i32 to index
        %parallel_loop3A_248 = arith.constant 96 : index
        %parallel_loop3A_249 = tpu.vector_load %arg10[%parallel_loop3A_247, %parallel_loop3A_248] {strides = array<i32>} : memref<80x128xf32, #tpu.memory_space<vmem>>, vector<1x16xf32>,
        %parallel_loop3A_250 = vector.shape_cast %parallel_loop3A_249 : vector<1x16xf32> to vector<16xf32>
        %parallel_loop3A_251 = arith.mulf %parallel_loop3A_246, %parallel_loop3A_250 : vector<16xf32>
        %parallel_loop3A_252 = arith.index_cast %parallel_loop3A_158 : i32 to index
        %parallel_loop3A_253 = arith.constant 96 : index
        %parallel_loop3A_254 = tpu.vector_load %arg13[%parallel_loop3A_252, %parallel_loop3A_253] {strides = array<i32>} : memref<80x128xf32, #tpu.memory_space<vmem>>, vector<1x16xf32>,
        %parallel_loop3A_255 = vector.shape_cast %parallel_loop3A_254 : vector<1x16xf32> to vector<16xf32>
        %parallel_loop3A_256 = vector.shape_cast %parallel_loop3A_251 : vector<16xf32> to vector<1x16xf32>
        tpu.vector_store %arg13[%parallel_loop3A_252, %parallel_loop3A_253], %parallel_loop3A_256 {strides = array<i32>} : memref<80x128xf32, #tpu.memory_space<vmem>>, vector<1x16xf32>,
        %parallel_loop3A_257 = arith.index_cast %parallel_loop3A_158 : i32 to index
        %parallel_loop3A_258 = arith.constant 112 : index
        %parallel_loop3A_259 = tpu.vector_load %arg9[%parallel_loop3A_257, %parallel_loop3A_258] {strides = array<i32>} : memref<80x128xf32, #tpu.memory_space<vmem>>, vector<1x16xf32>,
        %parallel_loop3A_260 = vector.shape_cast %parallel_loop3A_259 : vector<1x16xf32> to vector<16xf32>
        %parallel_loop3A_261 = arith.index_cast %parallel_loop3A_158 : i32 to index
        %parallel_loop3A_262 = arith.constant 112 : index
        %parallel_loop3A_263 = tpu.vector_load %arg10[%parallel_loop3A_261, %parallel_loop3A_262] {strides = array<i32>} : memref<80x128xf32, #tpu.memory_space<vmem>>, vector<1x16xf32>,
        %parallel_loop3A_264 = vector.shape_cast %parallel_loop3A_263 : vector<1x16xf32> to vector<16xf32>
        %parallel_loop3A_265 = arith.mulf %parallel_loop3A_260, %parallel_loop3A_264 : vector<16xf32>
        %parallel_loop3A_266 = arith.index_cast %parallel_loop3A_158 : i32 to index
        %parallel_loop3A_267 = arith.constant 112 : index
        %parallel_loop3A_268 = tpu.vector_load %arg13[%parallel_loop3A_266, %parallel_loop3A_267] {strides = array<i32>} : memref<80x128xf32, #tpu.memory_space<vmem>>, vector<1x16xf32>,
        %parallel_loop3A_269 = vector.shape_cast %parallel_loop3A_268 : vector<1x16xf32> to vector<16xf32>
        %parallel_loop3A_270 = vector.shape_cast %parallel_loop3A_265 : vector<16xf32> to vector<1x16xf32>
        tpu.vector_store %arg13[%parallel_loop3A_266, %parallel_loop3A_267], %parallel_loop3A_270 {strides = array<i32>} : memref<80x128xf32, #tpu.memory_space<vmem>>, vector<1x16xf32>,
      } {sc.loop_unroll_factor = 4 : i64, sc.parallel_access}
      %add3A_106 = arith.constant 2 : i32
      %add3A_107 = arith.addi %add3A_85, %add3A_106 : i32
      %lt3A_108 = arith.constant 125 : i32
      %lt3A_109 = arith.cmpi slt, %add3A_107, %lt3A_108 : i32
      %convert_element_type3A_110 = arith.extui %lt3A_109 : i1 to i32
      %cond3A_111 = arith.constant 0 : i32
      %cond3A_112 = arith.cmpi ne, %convert_element_type3A_110, %cond3A_111 : i32
      scf.if %cond3A_112 {
        %dma_start3A_158 = arith.constant 0 : i32
        %dma_start3A_159 = tpu.memref_slice %arg7[%add3A_107, %dma_start3A_158] : memref<125x80xi32, #tpu.memory_space<vmem>> -> memref<1x80xi32, #tpu.memory_space<vmem>>
        %dma_start3A_160 = tpu.memref_squeeze %dma_start3A_159 : memref<1x80xi32, #tpu.memory_space<vmem>> -> memref<80xi32, #tpu.memory_space<vmem>>
        %dma_start3A_161 = arith.constant 0 : i32
        %dma_start3A_162 = arith.constant 0 : i32
        %dma_start3A_163 = tpu.memref_slice %arg2[%dma_start3A_161, %dma_start3A_162] : memref<10000x128xf32, #tpu.memory_space<hbm>> -> memref<10000x128xf32, #tpu.memory_space<hbm>>
        tpu.enqueue_indirect_dma source(%dma_start3A_163 : memref<10000x128xf32, #tpu.memory_space<hbm>>) target(%arg9 : memref<80x128xf32, #tpu.memory_space<vmem>>) offsets(%dma_start3A_160 : memref<80xi32, #tpu.memory_space<vmem>>) semaphore(%arg15 : memref<!tpu.dma_semaphore, #tpu.memory_space<semaphore_mem>>)
        %dma_start3A_164 = arith.constant 0 : i32
        %dma_start3A_165 = tpu.memref_slice %arg8[%add3A_107, %dma_start3A_164] : memref<125x80xi32, #tpu.memory_space<vmem>> -> memref<1x80xi32, #tpu.memory_space<vmem>>
        %dma_start3A_166 = tpu.memref_squeeze %dma_start3A_165 : memref<1x80xi32, #tpu.memory_space<vmem>> -> memref<80xi32, #tpu.memory_space<vmem>>
        %dma_start3A_167 = arith.constant 0 : i32
        %dma_start3A_168 = arith.constant 0 : i32
        %dma_start3A_169 = tpu.memref_slice %arg3[%dma_start3A_167, %dma_start3A_168] : memref<10000x128xf32, #tpu.memory_space<hbm>> -> memref<10000x128xf32, #tpu.memory_space<hbm>>
        tpu.enqueue_indirect_dma source(%dma_start3A_169 : memref<10000x128xf32, #tpu.memory_space<hbm>>) target(%arg10 : memref<80x128xf32, #tpu.memory_space<vmem>>) offsets(%dma_start3A_166 : memref<80xi32, #tpu.memory_space<vmem>>) semaphore(%arg15 : memref<!tpu.dma_semaphore, #tpu.memory_space<semaphore_mem>>)
      } else {
      }
      %mul3A_113 = arith.constant 80 : i32
      %mul3A_114 = arith.muli %add3A_85, %mul3A_113 : i32
      %add3A_115 = arith.addi %mul3A_2, %mul3A_114 : i32
      %dma_start3A_116 = arith.constant 0 : i32
      %dma_start3A_117 = tpu.memref_slice %arg6[%add3A_115, %dma_start3A_116] : memref<320000x128xf32, #tpu.memory_space<hbm>> -> memref<80x128xf32, #tpu.memory_space<hbm>>
      %dma_start3A_118 = arith.constant 0 : i32
      %dma_start3A_119 = tpu.memref_slice %arg6[%add3A_115, %dma_start3A_118] : memref<320000x128xf32, #tpu.memory_space<hbm>> -> memref<80x128xf32, #tpu.memory_space<hbm>>
      tpu.enqueue_dma source(%arg13 : memref<80x128xf32, #tpu.memory_space<vmem>>) target(%dma_start3A_119 : memref<80x128xf32, #tpu.memory_space<hbm>>) target_semaphore(%arg17 : memref<!tpu.dma_semaphore, #tpu.memory_space<semaphore_mem>>)
      %mul3A_120 = arith.constant 2 : i32
      %mul3A_121 = arith.muli %mul3A_120, %scan3A_81 : i32
      %add3A_122 = arith.constant 1 : i32
      %add3A_123 = arith.addi %mul3A_121, %add3A_122 : i32
      %dma_wait3A_124 = arith.constant 0 : i32
      %dma_wait3A_125 = tpu.memref_slice %arg7[%add3A_123, %dma_wait3A_124] : memref<125x80xi32, #tpu.memory_space<vmem>> -> memref<1x80xi32, #tpu.memory_space<vmem>>
      %dma_wait3A_126 = tpu.memref_squeeze %dma_wait3A_125 : memref<1x80xi32, #tpu.memory_space<vmem>> -> memref<80xi32, #tpu.memory_space<vmem>>
      %dma_wait3A_127 = arith.constant 0 : i32
      %dma_wait3A_128 = arith.constant 0 : i32
      %dma_wait3A_129 = tpu.memref_slice %arg2[%dma_wait3A_127, %dma_wait3A_128] : memref<10000x128xf32, #tpu.memory_space<hbm>> -> memref<10000x128xf32, #tpu.memory_space<hbm>>
      tpu.wait_indirect_dma semaphore(%arg16 : memref<!tpu.dma_semaphore, #tpu.memory_space<semaphore_mem>>) src(%dma_wait3A_129 : memref<10000x128xf32, #tpu.memory_space<hbm>>) dst(%arg11 : memref<80x128xf32, #tpu.memory_space<vmem>>)
      %dma_wait3A_130 = arith.constant 0 : i32
      %dma_wait3A_131 = tpu.memref_slice %arg8[%add3A_123, %dma_wait3A_130] : memref<125x80xi32, #tpu.memory_space<vmem>> -> memref<1x80xi32, #tpu.memory_space<vmem>>
      %dma_wait3A_132 = tpu.memref_squeeze %dma_wait3A_131 : memref<1x80xi32, #tpu.memory_space<vmem>> -> memref<80xi32, #tpu.memory_space<vmem>>
      %dma_wait3A_133 = arith.constant 0 : i32
      %dma_wait3A_134 = arith.constant 0 : i32
      %dma_wait3A_135 = tpu.memref_slice %arg3[%dma_wait3A_133, %dma_wait3A_134] : memref<10000x128xf32, #tpu.memory_space<hbm>> -> memref<10000x128xf32, #tpu.memory_space<hbm>>
      tpu.wait_indirect_dma semaphore(%arg16 : memref<!tpu.dma_semaphore, #tpu.memory_space<semaphore_mem>>) src(%dma_wait3A_135 : memref<10000x128xf32, #tpu.memory_space<hbm>>) dst(%arg12 : memref<80x128xf32, #tpu.memory_space<vmem>>)
      %ge3A_136 = arith.constant 2 : i32
      %ge3A_137 = arith.cmpi sge, %add3A_123, %ge3A_136 : i32
      %convert_element_type3A_138 = arith.extui %ge3A_137 : i1 to i32
      %cond3A_139 = arith.constant 0 : i32
      %cond3A_140 = arith.cmpi ne, %convert_element_type3A_138, %cond3A_139 : i32
      scf.if %cond3A_140 {
        %sub3A = arith.constant 2 : i32
        %sub3A_158 = arith.subi %add3A_123, %sub3A : i32
        %mul3A_159 = arith.constant 80 : i32
        %mul3A_160 = arith.muli %sub3A_158, %mul3A_159 : i32
        %add3A_161 = arith.addi %mul3A_2, %mul3A_160 : i32
        %dma_wait3A_162 = arith.constant 0 : i32
        %dma_wait3A_163 = tpu.memref_slice %arg6[%add3A_161, %dma_wait3A_162] : memref<320000x128xf32, #tpu.memory_space<hbm>> -> memref<80x128xf32, #tpu.memory_space<hbm>>
        %dma_wait3A_164 = arith.constant 0 : i32
        %dma_wait3A_165 = tpu.memref_slice %arg6[%add3A_161, %dma_wait3A_164] : memref<320000x128xf32, #tpu.memory_space<hbm>> -> memref<80x128xf32, #tpu.memory_space<hbm>>
        tpu.wait_dma2 semaphore(%arg18 : memref<!tpu.dma_semaphore, #tpu.memory_space<semaphore_mem>>) src(%arg14 : memref<80x128xf32, #tpu.memory_space<vmem>>) dst(%dma_wait3A_165 : memref<80x128xf32, #tpu.memory_space<hbm>>)
      } else {
      }
      %parallel_loop3A_141 = arith.constant 0 : i32
      %parallel_loop3A_142 = arith.constant 80 : i32
      %parallel_loop3A_143 = arith.constant 1 : i32
      scf.for %parallel_loop3A_158 = %parallel_loop3A_141 to %parallel_loop3A_142 step %parallel_loop3A_143  : i32 {
        %parallel_loop3A_159 = arith.index_cast %parallel_loop3A_158 : i32 to index
        %parallel_loop3A_160 = arith.constant 0 : index
        %parallel_loop3A_161 = tpu.vector_load %arg11[%parallel_loop3A_159, %parallel_loop3A_160] {strides = array<i32>} : memref<80x128xf32, #tpu.memory_space<vmem>>, vector<1x16xf32>,
        %parallel_loop3A_162 = vector.shape_cast %parallel_loop3A_161 : vector<1x16xf32> to vector<16xf32>
        %parallel_loop3A_163 = arith.index_cast %parallel_loop3A_158 : i32 to index
        %parallel_loop3A_164 = arith.constant 0 : index
        %parallel_loop3A_165 = tpu.vector_load %arg12[%parallel_loop3A_163, %parallel_loop3A_164] {strides = array<i32>} : memref<80x128xf32, #tpu.memory_space<vmem>>, vector<1x16xf32>,
        %parallel_loop3A_166 = vector.shape_cast %parallel_loop3A_165 : vector<1x16xf32> to vector<16xf32>
        %parallel_loop3A_167 = arith.mulf %parallel_loop3A_162, %parallel_loop3A_166 : vector<16xf32>
        %parallel_loop3A_168 = arith.index_cast %parallel_loop3A_158 : i32 to index
        %parallel_loop3A_169 = arith.constant 0 : index
        %parallel_loop3A_170 = tpu.vector_load %arg14[%parallel_loop3A_168, %parallel_loop3A_169] {strides = array<i32>} : memref<80x128xf32, #tpu.memory_space<vmem>>, vector<1x16xf32>,
        %parallel_loop3A_171 = vector.shape_cast %parallel_loop3A_170 : vector<1x16xf32> to vector<16xf32>
        %parallel_loop3A_172 = vector.shape_cast %parallel_loop3A_167 : vector<16xf32> to vector<1x16xf32>
        tpu.vector_store %arg14[%parallel_loop3A_168, %parallel_loop3A_169], %parallel_loop3A_172 {strides = array<i32>} : memref<80x128xf32, #tpu.memory_space<vmem>>, vector<1x16xf32>,
        %parallel_loop3A_173 = arith.index_cast %parallel_loop3A_158 : i32 to index
        %parallel_loop3A_174 = arith.constant 16 : index
        %parallel_loop3A_175 = tpu.vector_load %arg11[%parallel_loop3A_173, %parallel_loop3A_174] {strides = array<i32>} : memref<80x128xf32, #tpu.memory_space<vmem>>, vector<1x16xf32>,
        %parallel_loop3A_176 = vector.shape_cast %parallel_loop3A_175 : vector<1x16xf32> to vector<16xf32>
        %parallel_loop3A_177 = arith.index_cast %parallel_loop3A_158 : i32 to index
        %parallel_loop3A_178 = arith.constant 16 : index
        %parallel_loop3A_179 = tpu.vector_load %arg12[%parallel_loop3A_177, %parallel_loop3A_178] {strides = array<i32>} : memref<80x128xf32, #tpu.memory_space<vmem>>, vector<1x16xf32>,
        %parallel_loop3A_180 = vector.shape_cast %parallel_loop3A_179 : vector<1x16xf32> to vector<16xf32>
        %parallel_loop3A_181 = arith.mulf %parallel_loop3A_176, %parallel_loop3A_180 : vector<16xf32>
        %parallel_loop3A_182 = arith.index_cast %parallel_loop3A_158 : i32 to index
        %parallel_loop3A_183 = arith.constant 16 : index
        %parallel_loop3A_184 = tpu.vector_load %arg14[%parallel_loop3A_182, %parallel_loop3A_183] {strides = array<i32>} : memref<80x128xf32, #tpu.memory_space<vmem>>, vector<1x16xf32>,
        %parallel_loop3A_185 = vector.shape_cast %parallel_loop3A_184 : vector<1x16xf32> to vector<16xf32>
        %parallel_loop3A_186 = vector.shape_cast %parallel_loop3A_181 : vector<16xf32> to vector<1x16xf32>
        tpu.vector_store %arg14[%parallel_loop3A_182, %parallel_loop3A_183], %parallel_loop3A_186 {strides = array<i32>} : memref<80x128xf32, #tpu.memory_space<vmem>>, vector<1x16xf32>,
        %parallel_loop3A_187 = arith.index_cast %parallel_loop3A_158 : i32 to index
        %parallel_loop3A_188 = arith.constant 32 : index
        %parallel_loop3A_189 = tpu.vector_load %arg11[%parallel_loop3A_187, %parallel_loop3A_188] {strides = array<i32>} : memref<80x128xf32, #tpu.memory_space<vmem>>, vector<1x16xf32>,
        %parallel_loop3A_190 = vector.shape_cast %parallel_loop3A_189 : vector<1x16xf32> to vector<16xf32>
        %parallel_loop3A_191 = arith.index_cast %parallel_loop3A_158 : i32 to index
        %parallel_loop3A_192 = arith.constant 32 : index
        %parallel_loop3A_193 = tpu.vector_load %arg12[%parallel_loop3A_191, %parallel_loop3A_192] {strides = array<i32>} : memref<80x128xf32, #tpu.memory_space<vmem>>, vector<1x16xf32>,
        %parallel_loop3A_194 = vector.shape_cast %parallel_loop3A_193 : vector<1x16xf32> to vector<16xf32>
        %parallel_loop3A_195 = arith.mulf %parallel_loop3A_190, %parallel_loop3A_194 : vector<16xf32>
        %parallel_loop3A_196 = arith.index_cast %parallel_loop3A_158 : i32 to index
        %parallel_loop3A_197 = arith.constant 32 : index
        %parallel_loop3A_198 = tpu.vector_load %arg14[%parallel_loop3A_196, %parallel_loop3A_197] {strides = array<i32>} : memref<80x128xf32, #tpu.memory_space<vmem>>, vector<1x16xf32>,
        %parallel_loop3A_199 = vector.shape_cast %parallel_loop3A_198 : vector<1x16xf32> to vector<16xf32>
        %parallel_loop3A_200 = vector.shape_cast %parallel_loop3A_195 : vector<16xf32> to vector<1x16xf32>
        tpu.vector_store %arg14[%parallel_loop3A_196, %parallel_loop3A_197], %parallel_loop3A_200 {strides = array<i32>} : memref<80x128xf32, #tpu.memory_space<vmem>>, vector<1x16xf32>,
        %parallel_loop3A_201 = arith.index_cast %parallel_loop3A_158 : i32 to index
        %parallel_loop3A_202 = arith.constant 48 : index
        %parallel_loop3A_203 = tpu.vector_load %arg11[%parallel_loop3A_201, %parallel_loop3A_202] {strides = array<i32>} : memref<80x128xf32, #tpu.memory_space<vmem>>, vector<1x16xf32>,
        %parallel_loop3A_204 = vector.shape_cast %parallel_loop3A_203 : vector<1x16xf32> to vector<16xf32>
        %parallel_loop3A_205 = arith.index_cast %parallel_loop3A_158 : i32 to index
        %parallel_loop3A_206 = arith.constant 48 : index
        %parallel_loop3A_207 = tpu.vector_load %arg12[%parallel_loop3A_205, %parallel_loop3A_206] {strides = array<i32>} : memref<80x128xf32, #tpu.memory_space<vmem>>, vector<1x16xf32>,
        %parallel_loop3A_208 = vector.shape_cast %parallel_loop3A_207 : vector<1x16xf32> to vector<16xf32>
        %parallel_loop3A_209 = arith.mulf %parallel_loop3A_204, %parallel_loop3A_208 : vector<16xf32>
        %parallel_loop3A_210 = arith.index_cast %parallel_loop3A_158 : i32 to index
        %parallel_loop3A_211 = arith.constant 48 : index
        %parallel_loop3A_212 = tpu.vector_load %arg14[%parallel_loop3A_210, %parallel_loop3A_211] {strides = array<i32>} : memref<80x128xf32, #tpu.memory_space<vmem>>, vector<1x16xf32>,
        %parallel_loop3A_213 = vector.shape_cast %parallel_loop3A_212 : vector<1x16xf32> to vector<16xf32>
        %parallel_loop3A_214 = vector.shape_cast %parallel_loop3A_209 : vector<16xf32> to vector<1x16xf32>
        tpu.vector_store %arg14[%parallel_loop3A_210, %parallel_loop3A_211], %parallel_loop3A_214 {strides = array<i32>} : memref<80x128xf32, #tpu.memory_space<vmem>>, vector<1x16xf32>,
        %parallel_loop3A_215 = arith.index_cast %parallel_loop3A_158 : i32 to index
        %parallel_loop3A_216 = arith.constant 64 : index
        %parallel_loop3A_217 = tpu.vector_load %arg11[%parallel_loop3A_215, %parallel_loop3A_216] {strides = array<i32>} : memref<80x128xf32, #tpu.memory_space<vmem>>, vector<1x16xf32>,
        %parallel_loop3A_218 = vector.shape_cast %parallel_loop3A_217 : vector<1x16xf32> to vector<16xf32>
        %parallel_loop3A_219 = arith.index_cast %parallel_loop3A_158 : i32 to index
        %parallel_loop3A_220 = arith.constant 64 : index
        %parallel_loop3A_221 = tpu.vector_load %arg12[%parallel_loop3A_219, %parallel_loop3A_220] {strides = array<i32>} : memref<80x128xf32, #tpu.memory_space<vmem>>, vector<1x16xf32>,
        %parallel_loop3A_222 = vector.shape_cast %parallel_loop3A_221 : vector<1x16xf32> to vector<16xf32>
        %parallel_loop3A_223 = arith.mulf %parallel_loop3A_218, %parallel_loop3A_222 : vector<16xf32>
        %parallel_loop3A_224 = arith.index_cast %parallel_loop3A_158 : i32 to index
        %parallel_loop3A_225 = arith.constant 64 : index
        %parallel_loop3A_226 = tpu.vector_load %arg14[%parallel_loop3A_224, %parallel_loop3A_225] {strides = array<i32>} : memref<80x128xf32, #tpu.memory_space<vmem>>, vector<1x16xf32>,
        %parallel_loop3A_227 = vector.shape_cast %parallel_loop3A_226 : vector<1x16xf32> to vector<16xf32>
        %parallel_loop3A_228 = vector.shape_cast %parallel_loop3A_223 : vector<16xf32> to vector<1x16xf32>
        tpu.vector_store %arg14[%parallel_loop3A_224, %parallel_loop3A_225], %parallel_loop3A_228 {strides = array<i32>} : memref<80x128xf32, #tpu.memory_space<vmem>>, vector<1x16xf32>,
        %parallel_loop3A_229 = arith.index_cast %parallel_loop3A_158 : i32 to index
        %parallel_loop3A_230 = arith.constant 80 : index
        %parallel_loop3A_231 = tpu.vector_load %arg11[%parallel_loop3A_229, %parallel_loop3A_230] {strides = array<i32>} : memref<80x128xf32, #tpu.memory_space<vmem>>, vector<1x16xf32>,
        %parallel_loop3A_232 = vector.shape_cast %parallel_loop3A_231 : vector<1x16xf32> to vector<16xf32>
        %parallel_loop3A_233 = arith.index_cast %parallel_loop3A_158 : i32 to index
        %parallel_loop3A_234 = arith.constant 80 : index
        %parallel_loop3A_235 = tpu.vector_load %arg12[%parallel_loop3A_233, %parallel_loop3A_234] {strides = array<i32>} : memref<80x128xf32, #tpu.memory_space<vmem>>, vector<1x16xf32>,
        %parallel_loop3A_236 = vector.shape_cast %parallel_loop3A_235 : vector<1x16xf32> to vector<16xf32>
        %parallel_loop3A_237 = arith.mulf %parallel_loop3A_232, %parallel_loop3A_236 : vector<16xf32>
        %parallel_loop3A_238 = arith.index_cast %parallel_loop3A_158 : i32 to index
        %parallel_loop3A_239 = arith.constant 80 : index
        %parallel_loop3A_240 = tpu.vector_load %arg14[%parallel_loop3A_238, %parallel_loop3A_239] {strides = array<i32>} : memref<80x128xf32, #tpu.memory_space<vmem>>, vector<1x16xf32>,
        %parallel_loop3A_241 = vector.shape_cast %parallel_loop3A_240 : vector<1x16xf32> to vector<16xf32>
        %parallel_loop3A_242 = vector.shape_cast %parallel_loop3A_237 : vector<16xf32> to vector<1x16xf32>
        tpu.vector_store %arg14[%parallel_loop3A_238, %parallel_loop3A_239], %parallel_loop3A_242 {strides = array<i32>} : memref<80x128xf32, #tpu.memory_space<vmem>>, vector<1x16xf32>,
        %parallel_loop3A_243 = arith.index_cast %parallel_loop3A_158 : i32 to index
        %parallel_loop3A_244 = arith.constant 96 : index
        %parallel_loop3A_245 = tpu.vector_load %arg11[%parallel_loop3A_243, %parallel_loop3A_244] {strides = array<i32>} : memref<80x128xf32, #tpu.memory_space<vmem>>, vector<1x16xf32>,
        %parallel_loop3A_246 = vector.shape_cast %parallel_loop3A_245 : vector<1x16xf32> to vector<16xf32>
        %parallel_loop3A_247 = arith.index_cast %parallel_loop3A_158 : i32 to index
        %parallel_loop3A_248 = arith.constant 96 : index
        %parallel_loop3A_249 = tpu.vector_load %arg12[%parallel_loop3A_247, %parallel_loop3A_248] {strides = array<i32>} : memref<80x128xf32, #tpu.memory_space<vmem>>, vector<1x16xf32>,
        %parallel_loop3A_250 = vector.shape_cast %parallel_loop3A_249 : vector<1x16xf32> to vector<16xf32>
        %parallel_loop3A_251 = arith.mulf %parallel_loop3A_246, %parallel_loop3A_250 : vector<16xf32>
        %parallel_loop3A_252 = arith.index_cast %parallel_loop3A_158 : i32 to index
        %parallel_loop3A_253 = arith.constant 96 : index
        %parallel_loop3A_254 = tpu.vector_load %arg14[%parallel_loop3A_252, %parallel_loop3A_253] {strides = array<i32>} : memref<80x128xf32, #tpu.memory_space<vmem>>, vector<1x16xf32>,
        %parallel_loop3A_255 = vector.shape_cast %parallel_loop3A_254 : vector<1x16xf32> to vector<16xf32>
        %parallel_loop3A_256 = vector.shape_cast %parallel_loop3A_251 : vector<16xf32> to vector<1x16xf32>
        tpu.vector_store %arg14[%parallel_loop3A_252, %parallel_loop3A_253], %parallel_loop3A_256 {strides = array<i32>} : memref<80x128xf32, #tpu.memory_space<vmem>>, vector<1x16xf32>,
        %parallel_loop3A_257 = arith.index_cast %parallel_loop3A_158 : i32 to index
        %parallel_loop3A_258 = arith.constant 112 : index
        %parallel_loop3A_259 = tpu.vector_load %arg11[%parallel_loop3A_257, %parallel_loop3A_258] {strides = array<i32>} : memref<80x128xf32, #tpu.memory_space<vmem>>, vector<1x16xf32>,
        %parallel_loop3A_260 = vector.shape_cast %parallel_loop3A_259 : vector<1x16xf32> to vector<16xf32>
        %parallel_loop3A_261 = arith.index_cast %parallel_loop3A_158 : i32 to index
        %parallel_loop3A_262 = arith.constant 112 : index
        %parallel_loop3A_263 = tpu.vector_load %arg12[%parallel_loop3A_261, %parallel_loop3A_262] {strides = array<i32>} : memref<80x128xf32, #tpu.memory_space<vmem>>, vector<1x16xf32>,
        %parallel_loop3A_264 = vector.shape_cast %parallel_loop3A_263 : vector<1x16xf32> to vector<16xf32>
        %parallel_loop3A_265 = arith.mulf %parallel_loop3A_260, %parallel_loop3A_264 : vector<16xf32>
        %parallel_loop3A_266 = arith.index_cast %parallel_loop3A_158 : i32 to index
        %parallel_loop3A_267 = arith.constant 112 : index
        %parallel_loop3A_268 = tpu.vector_load %arg14[%parallel_loop3A_266, %parallel_loop3A_267] {strides = array<i32>} : memref<80x128xf32, #tpu.memory_space<vmem>>, vector<1x16xf32>,
        %parallel_loop3A_269 = vector.shape_cast %parallel_loop3A_268 : vector<1x16xf32> to vector<16xf32>
        %parallel_loop3A_270 = vector.shape_cast %parallel_loop3A_265 : vector<16xf32> to vector<1x16xf32>
        tpu.vector_store %arg14[%parallel_loop3A_266, %parallel_loop3A_267], %parallel_loop3A_270 {strides = array<i32>} : memref<80x128xf32, #tpu.memory_space<vmem>>, vector<1x16xf32>,
      } {sc.loop_unroll_factor = 4 : i64, sc.parallel_access}
      %add3A_144 = arith.constant 2 : i32
      %add3A_145 = arith.addi %add3A_123, %add3A_144 : i32
      %lt3A_146 = arith.constant 125 : i32
      %lt3A_147 = arith.cmpi slt, %add3A_145, %lt3A_146 : i32
      %convert_element_type3A_148 = arith.extui %lt3A_147 : i1 to i32
      %cond3A_149 = arith.constant 0 : i32
      %cond3A_150 = arith.cmpi ne, %convert_element_type3A_148, %cond3A_149 : i32
      scf.if %cond3A_150 {
        %dma_start3A_158 = arith.constant 0 : i32
        %dma_start3A_159 = tpu.memref_slice %arg7[%add3A_145, %dma_start3A_158] : memref<125x80xi32, #tpu.memory_space<vmem>> -> memref<1x80xi32, #tpu.memory_space<vmem>>
        %dma_start3A_160 = tpu.memref_squeeze %dma_start3A_159 : memref<1x80xi32, #tpu.memory_space<vmem>> -> memref<80xi32, #tpu.memory_space<vmem>>
        %dma_start3A_161 = arith.constant 0 : i32
        %dma_start3A_162 = arith.constant 0 : i32
        %dma_start3A_163 = tpu.memref_slice %arg2[%dma_start3A_161, %dma_start3A_162] : memref<10000x128xf32, #tpu.memory_space<hbm>> -> memref<10000x128xf32, #tpu.memory_space<hbm>>
        tpu.enqueue_indirect_dma source(%dma_start3A_163 : memref<10000x128xf32, #tpu.memory_space<hbm>>) target(%arg11 : memref<80x128xf32, #tpu.memory_space<vmem>>) offsets(%dma_start3A_160 : memref<80xi32, #tpu.memory_space<vmem>>) semaphore(%arg16 : memref<!tpu.dma_semaphore, #tpu.memory_space<semaphore_mem>>)
        %dma_start3A_164 = arith.constant 0 : i32
        %dma_start3A_165 = tpu.memref_slice %arg8[%add3A_145, %dma_start3A_164] : memref<125x80xi32, #tpu.memory_space<vmem>> -> memref<1x80xi32, #tpu.memory_space<vmem>>
        %dma_start3A_166 = tpu.memref_squeeze %dma_start3A_165 : memref<1x80xi32, #tpu.memory_space<vmem>> -> memref<80xi32, #tpu.memory_space<vmem>>
        %dma_start3A_167 = arith.constant 0 : i32
        %dma_start3A_168 = arith.constant 0 : i32
        %dma_start3A_169 = tpu.memref_slice %arg3[%dma_start3A_167, %dma_start3A_168] : memref<10000x128xf32, #tpu.memory_space<hbm>> -> memref<10000x128xf32, #tpu.memory_space<hbm>>
        tpu.enqueue_indirect_dma source(%dma_start3A_169 : memref<10000x128xf32, #tpu.memory_space<hbm>>) target(%arg12 : memref<80x128xf32, #tpu.memory_space<vmem>>) offsets(%dma_start3A_166 : memref<80xi32, #tpu.memory_space<vmem>>) semaphore(%arg16 : memref<!tpu.dma_semaphore, #tpu.memory_space<semaphore_mem>>)
      } else {
      }
      %mul3A_151 = arith.constant 80 : i32
      %mul3A_152 = arith.muli %add3A_123, %mul3A_151 : i32
      %add3A_153 = arith.addi %mul3A_2, %mul3A_152 : i32
      %dma_start3A_154 = arith.constant 0 : i32
      %dma_start3A_155 = tpu.memref_slice %arg6[%add3A_153, %dma_start3A_154] : memref<320000x128xf32, #tpu.memory_space<hbm>> -> memref<80x128xf32, #tpu.memory_space<hbm>>
      %dma_start3A_156 = arith.constant 0 : i32
      %dma_start3A_157 = tpu.memref_slice %arg6[%add3A_153, %dma_start3A_156] : memref<320000x128xf32, #tpu.memory_space<hbm>> -> memref<80x128xf32, #tpu.memory_space<hbm>>
      tpu.enqueue_dma source(%arg14 : memref<80x128xf32, #tpu.memory_space<vmem>>) target(%dma_start3A_157 : memref<80x128xf32, #tpu.memory_space<hbm>>) target_semaphore(%arg18 : memref<!tpu.dma_semaphore, #tpu.memory_space<semaphore_mem>>)
    }
    %scan3A_34 = arith.constant 62 : i32
    %dma_wait3A = arith.constant 124 : i32
    %dma_wait3A_35 = arith.constant 0 : i32
    %dma_wait3A_36 = tpu.memref_slice %arg7[%dma_wait3A, %dma_wait3A_35] : memref<125x80xi32, #tpu.memory_space<vmem>> -> memref<1x80xi32, #tpu.memory_space<vmem>>
    %dma_wait3A_37 = tpu.memref_squeeze %dma_wait3A_36 : memref<1x80xi32, #tpu.memory_space<vmem>> -> memref<80xi32, #tpu.memory_space<vmem>>
    %dma_wait3A_38 = arith.constant 0 : i32
    %dma_wait3A_39 = arith.constant 0 : i32
    %dma_wait3A_40 = tpu.memref_slice %arg2[%dma_wait3A_38, %dma_wait3A_39] : memref<10000x128xf32, #tpu.memory_space<hbm>> -> memref<10000x128xf32, #tpu.memory_space<hbm>>
    tpu.wait_indirect_dma semaphore(%arg15 : memref<!tpu.dma_semaphore, #tpu.memory_space<semaphore_mem>>) src(%dma_wait3A_40 : memref<10000x128xf32, #tpu.memory_space<hbm>>) dst(%arg9 : memref<80x128xf32, #tpu.memory_space<vmem>>)
    %dma_wait3A_41 = arith.constant 124 : i32
    %dma_wait3A_42 = arith.constant 0 : i32
    %dma_wait3A_43 = tpu.memref_slice %arg8[%dma_wait3A_41, %dma_wait3A_42] : memref<125x80xi32, #tpu.memory_space<vmem>> -> memref<1x80xi32, #tpu.memory_space<vmem>>
    %dma_wait3A_44 = tpu.memref_squeeze %dma_wait3A_43 : memref<1x80xi32, #tpu.memory_space<vmem>> -> memref<80xi32, #tpu.memory_space<vmem>>
    %dma_wait3A_45 = arith.constant 0 : i32
    %dma_wait3A_46 = arith.constant 0 : i32
    %dma_wait3A_47 = tpu.memref_slice %arg3[%dma_wait3A_45, %dma_wait3A_46] : memref<10000x128xf32, #tpu.memory_space<hbm>> -> memref<10000x128xf32, #tpu.memory_space<hbm>>
    tpu.wait_indirect_dma semaphore(%arg15 : memref<!tpu.dma_semaphore, #tpu.memory_space<semaphore_mem>>) src(%dma_wait3A_47 : memref<10000x128xf32, #tpu.memory_space<hbm>>) dst(%arg10 : memref<80x128xf32, #tpu.memory_space<vmem>>)
    %ge3A = arith.constant 124 : i32
    %ge3A_48 = arith.constant 2 : i32
    %ge3A_49 = arith.cmpi sge, %ge3A, %ge3A_48 : i32
    %convert_element_type3A = arith.extui %ge3A_49 : i1 to i32
    %cond3A = arith.constant 124 : i32
    %cond3A_50 = arith.constant 0 : i32
    %cond3A_51 = arith.cmpi ne, %convert_element_type3A, %cond3A_50 : i32
    scf.if %cond3A_51 {
      %sub3A = arith.constant 2 : i32
      %sub3A_81 = arith.subi %cond3A, %sub3A : i32
      %mul3A_82 = arith.constant 80 : i32
      %mul3A_83 = arith.muli %sub3A_81, %mul3A_82 : i32
      %add3A_84 = arith.addi %mul3A_2, %mul3A_83 : i32
      %dma_wait3A_85 = arith.constant 0 : i32
      %dma_wait3A_86 = tpu.memref_slice %arg6[%add3A_84, %dma_wait3A_85] : memref<320000x128xf32, #tpu.memory_space<hbm>> -> memref<80x128xf32, #tpu.memory_space<hbm>>
      %dma_wait3A_87 = arith.constant 0 : i32
      %dma_wait3A_88 = tpu.memref_slice %arg6[%add3A_84, %dma_wait3A_87] : memref<320000x128xf32, #tpu.memory_space<hbm>> -> memref<80x128xf32, #tpu.memory_space<hbm>>
      tpu.wait_dma2 semaphore(%arg17 : memref<!tpu.dma_semaphore, #tpu.memory_space<semaphore_mem>>) src(%arg13 : memref<80x128xf32, #tpu.memory_space<vmem>>) dst(%dma_wait3A_88 : memref<80x128xf32, #tpu.memory_space<hbm>>)
    } else {
    }
    %parallel_loop3A = arith.constant 0 : i32
    %parallel_loop3A_52 = arith.constant 80 : i32
    %parallel_loop3A_53 = arith.constant 1 : i32
    scf.for %parallel_loop3A_81 = %parallel_loop3A to %parallel_loop3A_52 step %parallel_loop3A_53  : i32 {
      %parallel_loop3A_82 = arith.index_cast %parallel_loop3A_81 : i32 to index
      %parallel_loop3A_83 = arith.constant 0 : index
      %parallel_loop3A_84 = tpu.vector_load %arg9[%parallel_loop3A_82, %parallel_loop3A_83] {strides = array<i32>} : memref<80x128xf32, #tpu.memory_space<vmem>>, vector<1x16xf32>,
      %parallel_loop3A_85 = vector.shape_cast %parallel_loop3A_84 : vector<1x16xf32> to vector<16xf32>
      %parallel_loop3A_86 = arith.index_cast %parallel_loop3A_81 : i32 to index
      %parallel_loop3A_87 = arith.constant 0 : index
      %parallel_loop3A_88 = tpu.vector_load %arg10[%parallel_loop3A_86, %parallel_loop3A_87] {strides = array<i32>} : memref<80x128xf32, #tpu.memory_space<vmem>>, vector<1x16xf32>,
      %parallel_loop3A_89 = vector.shape_cast %parallel_loop3A_88 : vector<1x16xf32> to vector<16xf32>
      %parallel_loop3A_90 = arith.mulf %parallel_loop3A_85, %parallel_loop3A_89 : vector<16xf32>
      %parallel_loop3A_91 = arith.index_cast %parallel_loop3A_81 : i32 to index
      %parallel_loop3A_92 = arith.constant 0 : index
      %parallel_loop3A_93 = tpu.vector_load %arg13[%parallel_loop3A_91, %parallel_loop3A_92] {strides = array<i32>} : memref<80x128xf32, #tpu.memory_space<vmem>>, vector<1x16xf32>,
      %parallel_loop3A_94 = vector.shape_cast %parallel_loop3A_93 : vector<1x16xf32> to vector<16xf32>
      %parallel_loop3A_95 = vector.shape_cast %parallel_loop3A_90 : vector<16xf32> to vector<1x16xf32>
      tpu.vector_store %arg13[%parallel_loop3A_91, %parallel_loop3A_92], %parallel_loop3A_95 {strides = array<i32>} : memref<80x128xf32, #tpu.memory_space<vmem>>, vector<1x16xf32>,
      %parallel_loop3A_96 = arith.index_cast %parallel_loop3A_81 : i32 to index
      %parallel_loop3A_97 = arith.constant 16 : index
      %parallel_loop3A_98 = tpu.vector_load %arg9[%parallel_loop3A_96, %parallel_loop3A_97] {strides = array<i32>} : memref<80x128xf32, #tpu.memory_space<vmem>>, vector<1x16xf32>,
      %parallel_loop3A_99 = vector.shape_cast %parallel_loop3A_98 : vector<1x16xf32> to vector<16xf32>
      %parallel_loop3A_100 = arith.index_cast %parallel_loop3A_81 : i32 to index
      %parallel_loop3A_101 = arith.constant 16 : index
      %parallel_loop3A_102 = tpu.vector_load %arg10[%parallel_loop3A_100, %parallel_loop3A_101] {strides = array<i32>} : memref<80x128xf32, #tpu.memory_space<vmem>>, vector<1x16xf32>,
      %parallel_loop3A_103 = vector.shape_cast %parallel_loop3A_102 : vector<1x16xf32> to vector<16xf32>
      %parallel_loop3A_104 = arith.mulf %parallel_loop3A_99, %parallel_loop3A_103 : vector<16xf32>
      %parallel_loop3A_105 = arith.index_cast %parallel_loop3A_81 : i32 to index
      %parallel_loop3A_106 = arith.constant 16 : index
      %parallel_loop3A_107 = tpu.vector_load %arg13[%parallel_loop3A_105, %parallel_loop3A_106] {strides = array<i32>} : memref<80x128xf32, #tpu.memory_space<vmem>>, vector<1x16xf32>,
      %parallel_loop3A_108 = vector.shape_cast %parallel_loop3A_107 : vector<1x16xf32> to vector<16xf32>
      %parallel_loop3A_109 = vector.shape_cast %parallel_loop3A_104 : vector<16xf32> to vector<1x16xf32>
      tpu.vector_store %arg13[%parallel_loop3A_105, %parallel_loop3A_106], %parallel_loop3A_109 {strides = array<i32>} : memref<80x128xf32, #tpu.memory_space<vmem>>, vector<1x16xf32>,
      %parallel_loop3A_110 = arith.index_cast %parallel_loop3A_81 : i32 to index
      %parallel_loop3A_111 = arith.constant 32 : index
      %parallel_loop3A_112 = tpu.vector_load %arg9[%parallel_loop3A_110, %parallel_loop3A_111] {strides = array<i32>} : memref<80x128xf32, #tpu.memory_space<vmem>>, vector<1x16xf32>,
      %parallel_loop3A_113 = vector.shape_cast %parallel_loop3A_112 : vector<1x16xf32> to vector<16xf32>
      %parallel_loop3A_114 = arith.index_cast %parallel_loop3A_81 : i32 to index
      %parallel_loop3A_115 = arith.constant 32 : index
      %parallel_loop3A_116 = tpu.vector_load %arg10[%parallel_loop3A_114, %parallel_loop3A_115] {strides = array<i32>} : memref<80x128xf32, #tpu.memory_space<vmem>>, vector<1x16xf32>,
      %parallel_loop3A_117 = vector.shape_cast %parallel_loop3A_116 : vector<1x16xf32> to vector<16xf32>
      %parallel_loop3A_118 = arith.mulf %parallel_loop3A_113, %parallel_loop3A_117 : vector<16xf32>
      %parallel_loop3A_119 = arith.index_cast %parallel_loop3A_81 : i32 to index
      %parallel_loop3A_120 = arith.constant 32 : index
      %parallel_loop3A_121 = tpu.vector_load %arg13[%parallel_loop3A_119, %parallel_loop3A_120] {strides = array<i32>} : memref<80x128xf32, #tpu.memory_space<vmem>>, vector<1x16xf32>,
      %parallel_loop3A_122 = vector.shape_cast %parallel_loop3A_121 : vector<1x16xf32> to vector<16xf32>
      %parallel_loop3A_123 = vector.shape_cast %parallel_loop3A_118 : vector<16xf32> to vector<1x16xf32>
      tpu.vector_store %arg13[%parallel_loop3A_119, %parallel_loop3A_120], %parallel_loop3A_123 {strides = array<i32>} : memref<80x128xf32, #tpu.memory_space<vmem>>, vector<1x16xf32>,
      %parallel_loop3A_124 = arith.index_cast %parallel_loop3A_81 : i32 to index
      %parallel_loop3A_125 = arith.constant 48 : index
      %parallel_loop3A_126 = tpu.vector_load %arg9[%parallel_loop3A_124, %parallel_loop3A_125] {strides = array<i32>} : memref<80x128xf32, #tpu.memory_space<vmem>>, vector<1x16xf32>,
      %parallel_loop3A_127 = vector.shape_cast %parallel_loop3A_126 : vector<1x16xf32> to vector<16xf32>
      %parallel_loop3A_128 = arith.index_cast %parallel_loop3A_81 : i32 to index
      %parallel_loop3A_129 = arith.constant 48 : index
      %parallel_loop3A_130 = tpu.vector_load %arg10[%parallel_loop3A_128, %parallel_loop3A_129] {strides = array<i32>} : memref<80x128xf32, #tpu.memory_space<vmem>>, vector<1x16xf32>,
      %parallel_loop3A_131 = vector.shape_cast %parallel_loop3A_130 : vector<1x16xf32> to vector<16xf32>
      %parallel_loop3A_132 = arith.mulf %parallel_loop3A_127, %parallel_loop3A_131 : vector<16xf32>
      %parallel_loop3A_133 = arith.index_cast %parallel_loop3A_81 : i32 to index
      %parallel_loop3A_134 = arith.constant 48 : index
      %parallel_loop3A_135 = tpu.vector_load %arg13[%parallel_loop3A_133, %parallel_loop3A_134] {strides = array<i32>} : memref<80x128xf32, #tpu.memory_space<vmem>>, vector<1x16xf32>,
      %parallel_loop3A_136 = vector.shape_cast %parallel_loop3A_135 : vector<1x16xf32> to vector<16xf32>
      %parallel_loop3A_137 = vector.shape_cast %parallel_loop3A_132 : vector<16xf32> to vector<1x16xf32>
      tpu.vector_store %arg13[%parallel_loop3A_133, %parallel_loop3A_134], %parallel_loop3A_137 {strides = array<i32>} : memref<80x128xf32, #tpu.memory_space<vmem>>, vector<1x16xf32>,
      %parallel_loop3A_138 = arith.index_cast %parallel_loop3A_81 : i32 to index
      %parallel_loop3A_139 = arith.constant 64 : index
      %parallel_loop3A_140 = tpu.vector_load %arg9[%parallel_loop3A_138, %parallel_loop3A_139] {strides = array<i32>} : memref<80x128xf32, #tpu.memory_space<vmem>>, vector<1x16xf32>,
      %parallel_loop3A_141 = vector.shape_cast %parallel_loop3A_140 : vector<1x16xf32> to vector<16xf32>
      %parallel_loop3A_142 = arith.index_cast %parallel_loop3A_81 : i32 to index
      %parallel_loop3A_143 = arith.constant 64 : index
      %parallel_loop3A_144 = tpu.vector_load %arg10[%parallel_loop3A_142, %parallel_loop3A_143] {strides = array<i32>} : memref<80x128xf32, #tpu.memory_space<vmem>>, vector<1x16xf32>,
      %parallel_loop3A_145 = vector.shape_cast %parallel_loop3A_144 : vector<1x16xf32> to vector<16xf32>
      %parallel_loop3A_146 = arith.mulf %parallel_loop3A_141, %parallel_loop3A_145 : vector<16xf32>
      %parallel_loop3A_147 = arith.index_cast %parallel_loop3A_81 : i32 to index
      %parallel_loop3A_148 = arith.constant 64 : index
      %parallel_loop3A_149 = tpu.vector_load %arg13[%parallel_loop3A_147, %parallel_loop3A_148] {strides = array<i32>} : memref<80x128xf32, #tpu.memory_space<vmem>>, vector<1x16xf32>,
      %parallel_loop3A_150 = vector.shape_cast %parallel_loop3A_149 : vector<1x16xf32> to vector<16xf32>
      %parallel_loop3A_151 = vector.shape_cast %parallel_loop3A_146 : vector<16xf32> to vector<1x16xf32>
      tpu.vector_store %arg13[%parallel_loop3A_147, %parallel_loop3A_148], %parallel_loop3A_151 {strides = array<i32>} : memref<80x128xf32, #tpu.memory_space<vmem>>, vector<1x16xf32>,
      %parallel_loop3A_152 = arith.index_cast %parallel_loop3A_81 : i32 to index
      %parallel_loop3A_153 = arith.constant 80 : index
      %parallel_loop3A_154 = tpu.vector_load %arg9[%parallel_loop3A_152, %parallel_loop3A_153] {strides = array<i32>} : memref<80x128xf32, #tpu.memory_space<vmem>>, vector<1x16xf32>,
      %parallel_loop3A_155 = vector.shape_cast %parallel_loop3A_154 : vector<1x16xf32> to vector<16xf32>
      %parallel_loop3A_156 = arith.index_cast %parallel_loop3A_81 : i32 to index
      %parallel_loop3A_157 = arith.constant 80 : index
      %parallel_loop3A_158 = tpu.vector_load %arg10[%parallel_loop3A_156, %parallel_loop3A_157] {strides = array<i32>} : memref<80x128xf32, #tpu.memory_space<vmem>>, vector<1x16xf32>,
      %parallel_loop3A_159 = vector.shape_cast %parallel_loop3A_158 : vector<1x16xf32> to vector<16xf32>
      %parallel_loop3A_160 = arith.mulf %parallel_loop3A_155, %parallel_loop3A_159 : vector<16xf32>
      %parallel_loop3A_161 = arith.index_cast %parallel_loop3A_81 : i32 to index
      %parallel_loop3A_162 = arith.constant 80 : index
      %parallel_loop3A_163 = tpu.vector_load %arg13[%parallel_loop3A_161, %parallel_loop3A_162] {strides = array<i32>} : memref<80x128xf32, #tpu.memory_space<vmem>>, vector<1x16xf32>,
      %parallel_loop3A_164 = vector.shape_cast %parallel_loop3A_163 : vector<1x16xf32> to vector<16xf32>
      %parallel_loop3A_165 = vector.shape_cast %parallel_loop3A_160 : vector<16xf32> to vector<1x16xf32>
      tpu.vector_store %arg13[%parallel_loop3A_161, %parallel_loop3A_162], %parallel_loop3A_165 {strides = array<i32>} : memref<80x128xf32, #tpu.memory_space<vmem>>, vector<1x16xf32>,
      %parallel_loop3A_166 = arith.index_cast %parallel_loop3A_81 : i32 to index
      %parallel_loop3A_167 = arith.constant 96 : index
      %parallel_loop3A_168 = tpu.vector_load %arg9[%parallel_loop3A_166, %parallel_loop3A_167] {strides = array<i32>} : memref<80x128xf32, #tpu.memory_space<vmem>>, vector<1x16xf32>,
      %parallel_loop3A_169 = vector.shape_cast %parallel_loop3A_168 : vector<1x16xf32> to vector<16xf32>
      %parallel_loop3A_170 = arith.index_cast %parallel_loop3A_81 : i32 to index
      %parallel_loop3A_171 = arith.constant 96 : index
      %parallel_loop3A_172 = tpu.vector_load %arg10[%parallel_loop3A_170, %parallel_loop3A_171] {strides = array<i32>} : memref<80x128xf32, #tpu.memory_space<vmem>>, vector<1x16xf32>,
      %parallel_loop3A_173 = vector.shape_cast %parallel_loop3A_172 : vector<1x16xf32> to vector<16xf32>
      %parallel_loop3A_174 = arith.mulf %parallel_loop3A_169, %parallel_loop3A_173 : vector<16xf32>
      %parallel_loop3A_175 = arith.index_cast %parallel_loop3A_81 : i32 to index
      %parallel_loop3A_176 = arith.constant 96 : index
      %parallel_loop3A_177 = tpu.vector_load %arg13[%parallel_loop3A_175, %parallel_loop3A_176] {strides = array<i32>} : memref<80x128xf32, #tpu.memory_space<vmem>>, vector<1x16xf32>,
      %parallel_loop3A_178 = vector.shape_cast %parallel_loop3A_177 : vector<1x16xf32> to vector<16xf32>
      %parallel_loop3A_179 = vector.shape_cast %parallel_loop3A_174 : vector<16xf32> to vector<1x16xf32>
      tpu.vector_store %arg13[%parallel_loop3A_175, %parallel_loop3A_176], %parallel_loop3A_179 {strides = array<i32>} : memref<80x128xf32, #tpu.memory_space<vmem>>, vector<1x16xf32>,
      %parallel_loop3A_180 = arith.index_cast %parallel_loop3A_81 : i32 to index
      %parallel_loop3A_181 = arith.constant 112 : index
      %parallel_loop3A_182 = tpu.vector_load %arg9[%parallel_loop3A_180, %parallel_loop3A_181] {strides = array<i32>} : memref<80x128xf32, #tpu.memory_space<vmem>>, vector<1x16xf32>,
      %parallel_loop3A_183 = vector.shape_cast %parallel_loop3A_182 : vector<1x16xf32> to vector<16xf32>
      %parallel_loop3A_184 = arith.index_cast %parallel_loop3A_81 : i32 to index
      %parallel_loop3A_185 = arith.constant 112 : index
      %parallel_loop3A_186 = tpu.vector_load %arg10[%parallel_loop3A_184, %parallel_loop3A_185] {strides = array<i32>} : memref<80x128xf32, #tpu.memory_space<vmem>>, vector<1x16xf32>,
      %parallel_loop3A_187 = vector.shape_cast %parallel_loop3A_186 : vector<1x16xf32> to vector<16xf32>
      %parallel_loop3A_188 = arith.mulf %parallel_loop3A_183, %parallel_loop3A_187 : vector<16xf32>
      %parallel_loop3A_189 = arith.index_cast %parallel_loop3A_81 : i32 to index
      %parallel_loop3A_190 = arith.constant 112 : index
      %parallel_loop3A_191 = tpu.vector_load %arg13[%parallel_loop3A_189, %parallel_loop3A_190] {strides = array<i32>} : memref<80x128xf32, #tpu.memory_space<vmem>>, vector<1x16xf32>,
      %parallel_loop3A_192 = vector.shape_cast %parallel_loop3A_191 : vector<1x16xf32> to vector<16xf32>
      %parallel_loop3A_193 = vector.shape_cast %parallel_loop3A_188 : vector<16xf32> to vector<1x16xf32>
      tpu.vector_store %arg13[%parallel_loop3A_189, %parallel_loop3A_190], %parallel_loop3A_193 {strides = array<i32>} : memref<80x128xf32, #tpu.memory_space<vmem>>, vector<1x16xf32>,
    } {sc.loop_unroll_factor = 4 : i64, sc.parallel_access}
    %add3A_54 = arith.constant 124 : i32
    %add3A_55 = arith.constant 2 : i32
    %add3A_56 = arith.addi %add3A_54, %add3A_55 : i32
    %lt3A = arith.constant 125 : i32
    %lt3A_57 = arith.cmpi slt, %add3A_56, %lt3A : i32
    %convert_element_type3A_58 = arith.extui %lt3A_57 : i1 to i32
    %cond3A_59 = arith.constant 0 : i32
    %cond3A_60 = arith.cmpi ne, %convert_element_type3A_58, %cond3A_59 : i32
    scf.if %cond3A_60 {
      %dma_start3A_81 = arith.constant 0 : i32
      %dma_start3A_82 = tpu.memref_slice %arg7[%add3A_56, %dma_start3A_81] : memref<125x80xi32, #tpu.memory_space<vmem>> -> memref<1x80xi32, #tpu.memory_space<vmem>>
      %dma_start3A_83 = tpu.memref_squeeze %dma_start3A_82 : memref<1x80xi32, #tpu.memory_space<vmem>> -> memref<80xi32, #tpu.memory_space<vmem>>
      %dma_start3A_84 = arith.constant 0 : i32
      %dma_start3A_85 = arith.constant 0 : i32
      %dma_start3A_86 = tpu.memref_slice %arg2[%dma_start3A_84, %dma_start3A_85] : memref<10000x128xf32, #tpu.memory_space<hbm>> -> memref<10000x128xf32, #tpu.memory_space<hbm>>
      tpu.enqueue_indirect_dma source(%dma_start3A_86 : memref<10000x128xf32, #tpu.memory_space<hbm>>) target(%arg9 : memref<80x128xf32, #tpu.memory_space<vmem>>) offsets(%dma_start3A_83 : memref<80xi32, #tpu.memory_space<vmem>>) semaphore(%arg15 : memref<!tpu.dma_semaphore, #tpu.memory_space<semaphore_mem>>)
      %dma_start3A_87 = arith.constant 0 : i32
      %dma_start3A_88 = tpu.memref_slice %arg8[%add3A_56, %dma_start3A_87] : memref<125x80xi32, #tpu.memory_space<vmem>> -> memref<1x80xi32, #tpu.memory_space<vmem>>
      %dma_start3A_89 = tpu.memref_squeeze %dma_start3A_88 : memref<1x80xi32, #tpu.memory_space<vmem>> -> memref<80xi32, #tpu.memory_space<vmem>>
      %dma_start3A_90 = arith.constant 0 : i32
      %dma_start3A_91 = arith.constant 0 : i32
      %dma_start3A_92 = tpu.memref_slice %arg3[%dma_start3A_90, %dma_start3A_91] : memref<10000x128xf32, #tpu.memory_space<hbm>> -> memref<10000x128xf32, #tpu.memory_space<hbm>>
      tpu.enqueue_indirect_dma source(%dma_start3A_92 : memref<10000x128xf32, #tpu.memory_space<hbm>>) target(%arg10 : memref<80x128xf32, #tpu.memory_space<vmem>>) offsets(%dma_start3A_89 : memref<80xi32, #tpu.memory_space<vmem>>) semaphore(%arg15 : memref<!tpu.dma_semaphore, #tpu.memory_space<semaphore_mem>>)
    } else {
    }
    %mul3A_61 = arith.constant 124 : i32
    %mul3A_62 = arith.constant 80 : i32
    %mul3A_63 = arith.muli %mul3A_61, %mul3A_62 : i32
    %add3A_64 = arith.addi %mul3A_2, %mul3A_63 : i32
    %dma_start3A_65 = arith.constant 0 : i32
    %dma_start3A_66 = tpu.memref_slice %arg6[%add3A_64, %dma_start3A_65] : memref<320000x128xf32, #tpu.memory_space<hbm>> -> memref<80x128xf32, #tpu.memory_space<hbm>>
    %dma_start3A_67 = arith.constant 0 : i32
    %dma_start3A_68 = tpu.memref_slice %arg6[%add3A_64, %dma_start3A_67] : memref<320000x128xf32, #tpu.memory_space<hbm>> -> memref<80x128xf32, #tpu.memory_space<hbm>>
    tpu.enqueue_dma source(%arg13 : memref<80x128xf32, #tpu.memory_space<vmem>>) target(%dma_start3A_68 : memref<80x128xf32, #tpu.memory_space<hbm>>) target_semaphore(%arg17 : memref<!tpu.dma_semaphore, #tpu.memory_space<semaphore_mem>>)
    %add3A_69 = arith.constant 9920 : i32
    %add3A_70 = arith.addi %mul3A_2, %add3A_69 : i32
    %dma_wait3A_71 = arith.constant 0 : i32
    %dma_wait3A_72 = tpu.memref_slice %arg6[%add3A_70, %dma_wait3A_71] : memref<320000x128xf32, #tpu.memory_space<hbm>> -> memref<80x128xf32, #tpu.memory_space<hbm>>
    %dma_wait3A_73 = arith.constant 0 : i32
    %dma_wait3A_74 = tpu.memref_slice %arg6[%add3A_70, %dma_wait3A_73] : memref<320000x128xf32, #tpu.memory_space<hbm>> -> memref<80x128xf32, #tpu.memory_space<hbm>>
    tpu.wait_dma2 semaphore(%arg17 : memref<!tpu.dma_semaphore, #tpu.memory_space<semaphore_mem>>) src(%arg13 : memref<80x128xf32, #tpu.memory_space<vmem>>) dst(%dma_wait3A_74 : memref<80x128xf32, #tpu.memory_space<hbm>>)
    %add3A_75 = arith.constant 9840 : i32
    %add3A_76 = arith.addi %mul3A_2, %add3A_75 : i32
    %dma_wait3A_77 = arith.constant 0 : i32
    %dma_wait3A_78 = tpu.memref_slice %arg6[%add3A_76, %dma_wait3A_77] : memref<320000x128xf32, #tpu.memory_space<hbm>> -> memref<80x128xf32, #tpu.memory_space<hbm>>
    %dma_wait3A_79 = arith.constant 0 : i32
    %dma_wait3A_80 = tpu.memref_slice %arg6[%add3A_76, %dma_wait3A_79] : memref<320000x128xf32, #tpu.memory_space<hbm>> -> memref<80x128xf32, #tpu.memory_space<hbm>>
    tpu.wait_dma2 semaphore(%arg18 : memref<!tpu.dma_semaphore, #tpu.memory_space<semaphore_mem>>) src(%arg14 : memref<80x128xf32, #tpu.memory_space<vmem>>) dst(%dma_wait3A_80 : memref<80x128xf32, #tpu.memory_space<hbm>>)
    return
  }
}

#map = affine_map<(d0, d1) -> (0, 0)>
#map1 = affine_map<(d0, d1) -> (0, 0, 0)>
module attributes {stable_mosaic.version = 14 : i64} {
  func.func @_scatter_add_body(%arg0: i32, %arg1: i32, %arg2: memref<320000x128xf32, #tpu.memory_space<hbm>>, %arg3: memref<32x125x80xi32, #tpu.memory_space<hbm>>, %arg4: memref<20480x128xf32, #tpu.memory_space<hbm>>, %arg5: memref<125x80xi32, #tpu.memory_space<vmem>>, %arg6: memref<80x128xf32, #tpu.memory_space<vmem>>, %arg7: memref<80x128xf32, #tpu.memory_space<vmem>>, %arg8: memref<64x128xf32, #tpu.memory_space<vmem>>, %arg9: memref<10240x128xf32, #tpu.memory_space<vmem_shared>>, %arg10: memref<!tpu.dma_semaphore, #tpu.memory_space<semaphore_mem>>, %arg11: memref<!tpu.dma_semaphore, #tpu.memory_space<semaphore_mem>>) attributes {dimension_semantics = [#tpu.dimension_semantics<core_parallel>, #tpu.dimension_semantics<subcore_parallel>], iteration_bounds = array<i64: 2, 16>, scalar_prefetch = 0 : i64, scratch_operands = 7 : i64, tpu.core_type = #tpu.core_type<sc_vector_subcore>, window_params = [{transform_indices = #map}, {transform_indices = #map1}, {transform_indices = #map}]} {
    %mul3A = arith.constant 2 : i32
    %mul3A_0 = arith.muli %arg1, %mul3A : i32
    %add3A = arith.addi %mul3A_0, %arg0 : i32
    %mul3A_1 = arith.constant 10000 : i32
    %mul3A_2 = arith.muli %add3A, %mul3A_1 : i32
    "tpu.region"() ({
      %run_scoped3A_78 = tpu.sem_alloc : memref<!tpu.dma_semaphore, #tpu.memory_space<semaphore_mem>>
      %dma_start3A_79 = arith.constant 0 : i32
      %dma_start3A_80 = arith.constant 0 : i32
      %dma_start3A_81 = tpu.memref_slice %arg3[%add3A, %dma_start3A_79, %dma_start3A_80] : memref<32x125x80xi32, #tpu.memory_space<hbm>> -> memref<1x125x80xi32, #tpu.memory_space<hbm>>
      %dma_start3A_82 = tpu.memref_squeeze %dma_start3A_81 : memref<1x125x80xi32, #tpu.memory_space<hbm>> -> memref<125x80xi32, #tpu.memory_space<hbm>>
      %dma_start3A_83 = arith.constant 0 : i32
      %dma_start3A_84 = arith.constant 0 : i32
      %dma_start3A_85 = tpu.memref_slice %arg3[%add3A, %dma_start3A_83, %dma_start3A_84] : memref<32x125x80xi32, #tpu.memory_space<hbm>> -> memref<1x125x80xi32, #tpu.memory_space<hbm>>
      %dma_start3A_86 = tpu.memref_squeeze %dma_start3A_85 : memref<1x125x80xi32, #tpu.memory_space<hbm>> -> memref<125x80xi32, #tpu.memory_space<hbm>>
      tpu.enqueue_dma source(%dma_start3A_86 : memref<125x80xi32, #tpu.memory_space<hbm>>) target(%arg5 : memref<125x80xi32, #tpu.memory_space<vmem>>) target_semaphore(%run_scoped3A_78 : memref<!tpu.dma_semaphore, #tpu.memory_space<semaphore_mem>>)
      %dma_wait3A_87 = arith.constant 0 : i32
      %dma_wait3A_88 = arith.constant 0 : i32
      %dma_wait3A_89 = tpu.memref_slice %arg3[%add3A, %dma_wait3A_87, %dma_wait3A_88] : memref<32x125x80xi32, #tpu.memory_space<hbm>> -> memref<1x125x80xi32, #tpu.memory_space<hbm>>
      %dma_wait3A_90 = tpu.memref_squeeze %dma_wait3A_89 : memref<1x125x80xi32, #tpu.memory_space<hbm>> -> memref<125x80xi32, #tpu.memory_space<hbm>>
      %dma_wait3A_91 = arith.constant 0 : i32
      %dma_wait3A_92 = arith.constant 0 : i32
      %dma_wait3A_93 = tpu.memref_slice %arg3[%add3A, %dma_wait3A_91, %dma_wait3A_92] : memref<32x125x80xi32, #tpu.memory_space<hbm>> -> memref<1x125x80xi32, #tpu.memory_space<hbm>>
      %dma_wait3A_94 = tpu.memref_squeeze %dma_wait3A_93 : memref<1x125x80xi32, #tpu.memory_space<hbm>> -> memref<125x80xi32, #tpu.memory_space<hbm>>
      tpu.wait_dma2 semaphore(%run_scoped3A_78 : memref<!tpu.dma_semaphore, #tpu.memory_space<semaphore_mem>>) src(%dma_wait3A_94 : memref<125x80xi32, #tpu.memory_space<hbm>>) dst(%arg5 : memref<125x80xi32, #tpu.memory_space<vmem>>)
      tpu.yield
    }) : () -> ()
    %add3A_3 = arith.constant 0 : i32
    %add3A_4 = arith.addi %mul3A_2, %add3A_3 : i32
    %dma_start3A = arith.constant 0 : i32
    %dma_start3A_5 = tpu.memref_slice %arg2[%add3A_4, %dma_start3A] : memref<320000x128xf32, #tpu.memory_space<hbm>> -> memref<80x128xf32, #tpu.memory_space<hbm>>
    %dma_start3A_6 = arith.constant 0 : i32
    %dma_start3A_7 = tpu.memref_slice %arg2[%add3A_4, %dma_start3A_6] : memref<320000x128xf32, #tpu.memory_space<hbm>> -> memref<80x128xf32, #tpu.memory_space<hbm>>
    tpu.enqueue_dma source(%dma_start3A_7 : memref<80x128xf32, #tpu.memory_space<hbm>>) target(%arg6 : memref<80x128xf32, #tpu.memory_space<vmem>>) target_semaphore(%arg10 : memref<!tpu.dma_semaphore, #tpu.memory_space<semaphore_mem>>)
    %add3A_8 = arith.constant 80 : i32
    %add3A_9 = arith.addi %mul3A_2, %add3A_8 : i32
    %dma_start3A_10 = arith.constant 0 : i32
    %dma_start3A_11 = tpu.memref_slice %arg2[%add3A_9, %dma_start3A_10] : memref<320000x128xf32, #tpu.memory_space<hbm>> -> memref<80x128xf32, #tpu.memory_space<hbm>>
    %dma_start3A_12 = arith.constant 0 : i32
    %dma_start3A_13 = tpu.memref_slice %arg2[%add3A_9, %dma_start3A_12] : memref<320000x128xf32, #tpu.memory_space<hbm>> -> memref<80x128xf32, #tpu.memory_space<hbm>>
    tpu.enqueue_dma source(%dma_start3A_13 : memref<80x128xf32, #tpu.memory_space<hbm>>) target(%arg7 : memref<80x128xf32, #tpu.memory_space<vmem>>) target_semaphore(%arg11 : memref<!tpu.dma_semaphore, #tpu.memory_space<semaphore_mem>>)
    %scan3A = arith.constant 0 : i32
    %scan3A_14 = arith.constant 0 : i32
    %scan3A_15 = arith.constant 64 : i32
    %scan3A_16 = arith.addi %scan3A_14, %scan3A_15 : i32
    %scan3A_17 = arith.constant 1 : i32
    scf.for %scan3A_78 = %scan3A_14 to %scan3A_16 step %scan3A_17  : i32 {
      %broadcast_in_dim3A = arith.constant 0.000000e+00 : f32
      %broadcast_in_dim3A_79 = vector.broadcast %broadcast_in_dim3A : f32 to vector<16xf32>
      %swap3A = arith.index_cast %scan3A_78 : i32 to index
      %swap3A_80 = arith.constant 0 : index
      %swap3A_81 = tpu.vector_load %arg8[%swap3A, %swap3A_80] {strides = array<i32>} : memref<64x128xf32, #tpu.memory_space<vmem>>, vector<1x16xf32>,
      %swap3A_82 = vector.shape_cast %swap3A_81 : vector<1x16xf32> to vector<16xf32>
      %swap3A_83 = vector.shape_cast %broadcast_in_dim3A_79 : vector<16xf32> to vector<1x16xf32>
      tpu.vector_store %arg8[%swap3A, %swap3A_80], %swap3A_83 {strides = array<i32>} : memref<64x128xf32, #tpu.memory_space<vmem>>, vector<1x16xf32>,
      %broadcast_in_dim3A_84 = arith.constant 0.000000e+00 : f32
      %broadcast_in_dim3A_85 = vector.broadcast %broadcast_in_dim3A_84 : f32 to vector<16xf32>
      %swap3A_86 = arith.index_cast %scan3A_78 : i32 to index
      %swap3A_87 = arith.constant 16 : index
      %swap3A_88 = tpu.vector_load %arg8[%swap3A_86, %swap3A_87] {strides = array<i32>} : memref<64x128xf32, #tpu.memory_space<vmem>>, vector<1x16xf32>,
      %swap3A_89 = vector.shape_cast %swap3A_88 : vector<1x16xf32> to vector<16xf32>
      %swap3A_90 = vector.shape_cast %broadcast_in_dim3A_85 : vector<16xf32> to vector<1x16xf32>
      tpu.vector_store %arg8[%swap3A_86, %swap3A_87], %swap3A_90 {strides = array<i32>} : memref<64x128xf32, #tpu.memory_space<vmem>>, vector<1x16xf32>,
      %broadcast_in_dim3A_91 = arith.constant 0.000000e+00 : f32
      %broadcast_in_dim3A_92 = vector.broadcast %broadcast_in_dim3A_91 : f32 to vector<16xf32>
      %swap3A_93 = arith.index_cast %scan3A_78 : i32 to index
      %swap3A_94 = arith.constant 32 : index
      %swap3A_95 = tpu.vector_load %arg8[%swap3A_93, %swap3A_94] {strides = array<i32>} : memref<64x128xf32, #tpu.memory_space<vmem>>, vector<1x16xf32>,
      %swap3A_96 = vector.shape_cast %swap3A_95 : vector<1x16xf32> to vector<16xf32>
      %swap3A_97 = vector.shape_cast %broadcast_in_dim3A_92 : vector<16xf32> to vector<1x16xf32>
      tpu.vector_store %arg8[%swap3A_93, %swap3A_94], %swap3A_97 {strides = array<i32>} : memref<64x128xf32, #tpu.memory_space<vmem>>, vector<1x16xf32>,
      %broadcast_in_dim3A_98 = arith.constant 0.000000e+00 : f32
      %broadcast_in_dim3A_99 = vector.broadcast %broadcast_in_dim3A_98 : f32 to vector<16xf32>
      %swap3A_100 = arith.index_cast %scan3A_78 : i32 to index
      %swap3A_101 = arith.constant 48 : index
      %swap3A_102 = tpu.vector_load %arg8[%swap3A_100, %swap3A_101] {strides = array<i32>} : memref<64x128xf32, #tpu.memory_space<vmem>>, vector<1x16xf32>,
      %swap3A_103 = vector.shape_cast %swap3A_102 : vector<1x16xf32> to vector<16xf32>
      %swap3A_104 = vector.shape_cast %broadcast_in_dim3A_99 : vector<16xf32> to vector<1x16xf32>
      tpu.vector_store %arg8[%swap3A_100, %swap3A_101], %swap3A_104 {strides = array<i32>} : memref<64x128xf32, #tpu.memory_space<vmem>>, vector<1x16xf32>,
      %broadcast_in_dim3A_105 = arith.constant 0.000000e+00 : f32
      %broadcast_in_dim3A_106 = vector.broadcast %broadcast_in_dim3A_105 : f32 to vector<16xf32>
      %swap3A_107 = arith.index_cast %scan3A_78 : i32 to index
      %swap3A_108 = arith.constant 64 : index
      %swap3A_109 = tpu.vector_load %arg8[%swap3A_107, %swap3A_108] {strides = array<i32>} : memref<64x128xf32, #tpu.memory_space<vmem>>, vector<1x16xf32>,
      %swap3A_110 = vector.shape_cast %swap3A_109 : vector<1x16xf32> to vector<16xf32>
      %swap3A_111 = vector.shape_cast %broadcast_in_dim3A_106 : vector<16xf32> to vector<1x16xf32>
      tpu.vector_store %arg8[%swap3A_107, %swap3A_108], %swap3A_111 {strides = array<i32>} : memref<64x128xf32, #tpu.memory_space<vmem>>, vector<1x16xf32>,
      %broadcast_in_dim3A_112 = arith.constant 0.000000e+00 : f32
      %broadcast_in_dim3A_113 = vector.broadcast %broadcast_in_dim3A_112 : f32 to vector<16xf32>
      %swap3A_114 = arith.index_cast %scan3A_78 : i32 to index
      %swap3A_115 = arith.constant 80 : index
      %swap3A_116 = tpu.vector_load %arg8[%swap3A_114, %swap3A_115] {strides = array<i32>} : memref<64x128xf32, #tpu.memory_space<vmem>>, vector<1x16xf32>,
      %swap3A_117 = vector.shape_cast %swap3A_116 : vector<1x16xf32> to vector<16xf32>
      %swap3A_118 = vector.shape_cast %broadcast_in_dim3A_113 : vector<16xf32> to vector<1x16xf32>
      tpu.vector_store %arg8[%swap3A_114, %swap3A_115], %swap3A_118 {strides = array<i32>} : memref<64x128xf32, #tpu.memory_space<vmem>>, vector<1x16xf32>,
      %broadcast_in_dim3A_119 = arith.constant 0.000000e+00 : f32
      %broadcast_in_dim3A_120 = vector.broadcast %broadcast_in_dim3A_119 : f32 to vector<16xf32>
      %swap3A_121 = arith.index_cast %scan3A_78 : i32 to index
      %swap3A_122 = arith.constant 96 : index
      %swap3A_123 = tpu.vector_load %arg8[%swap3A_121, %swap3A_122] {strides = array<i32>} : memref<64x128xf32, #tpu.memory_space<vmem>>, vector<1x16xf32>,
      %swap3A_124 = vector.shape_cast %swap3A_123 : vector<1x16xf32> to vector<16xf32>
      %swap3A_125 = vector.shape_cast %broadcast_in_dim3A_120 : vector<16xf32> to vector<1x16xf32>
      tpu.vector_store %arg8[%swap3A_121, %swap3A_122], %swap3A_125 {strides = array<i32>} : memref<64x128xf32, #tpu.memory_space<vmem>>, vector<1x16xf32>,
      %broadcast_in_dim3A_126 = arith.constant 0.000000e+00 : f32
      %broadcast_in_dim3A_127 = vector.broadcast %broadcast_in_dim3A_126 : f32 to vector<16xf32>
      %swap3A_128 = arith.index_cast %scan3A_78 : i32 to index
      %swap3A_129 = arith.constant 112 : index
      %swap3A_130 = tpu.vector_load %arg8[%swap3A_128, %swap3A_129] {strides = array<i32>} : memref<64x128xf32, #tpu.memory_space<vmem>>, vector<1x16xf32>,
      %swap3A_131 = vector.shape_cast %swap3A_130 : vector<1x16xf32> to vector<16xf32>
      %swap3A_132 = vector.shape_cast %broadcast_in_dim3A_127 : vector<16xf32> to vector<1x16xf32>
      tpu.vector_store %arg8[%swap3A_128, %swap3A_129], %swap3A_132 {strides = array<i32>} : memref<64x128xf32, #tpu.memory_space<vmem>>, vector<1x16xf32>,
    }
    %scan3A_18 = arith.constant 64 : i32
    %mul3A_19 = arith.constant 640 : i32
    %mul3A_20 = arith.muli %arg1, %mul3A_19 : i32
    %add3A_21 = arith.constant 0 : i32
    %add3A_22 = arith.addi %mul3A_20, %add3A_21 : i32
    "tpu.region"() ({
      %run_scoped3A_78 = tpu.sem_alloc : memref<!tpu.dma_semaphore, #tpu.memory_space<semaphore_mem>>
      %dma_start3A_79 = arith.constant 0 : i32
      %dma_start3A_80 = tpu.memref_slice %arg9[%add3A_22, %dma_start3A_79] : memref<10240x128xf32, #tpu.memory_space<vmem_shared>> -> memref<64x128xf32, #tpu.memory_space<vmem_shared>>
      %dma_start3A_81 = arith.constant 0 : i32
      %dma_start3A_82 = tpu.memref_slice %arg9[%add3A_22, %dma_start3A_81] : memref<10240x128xf32, #tpu.memory_space<vmem_shared>> -> memref<64x128xf32, #tpu.memory_space<vmem_shared>>
      tpu.enqueue_dma source(%arg8 : memref<64x128xf32, #tpu.memory_space<vmem>>) target(%dma_start3A_82 : memref<64x128xf32, #tpu.memory_space<vmem_shared>>) target_semaphore(%run_scoped3A_78 : memref<!tpu.dma_semaphore, #tpu.memory_space<semaphore_mem>>)
      %dma_wait3A_83 = arith.constant 0 : i32
      %dma_wait3A_84 = tpu.memref_slice %arg9[%add3A_22, %dma_wait3A_83] : memref<10240x128xf32, #tpu.memory_space<vmem_shared>> -> memref<64x128xf32, #tpu.memory_space<vmem_shared>>
      %dma_wait3A_85 = arith.constant 0 : i32
      %dma_wait3A_86 = tpu.memref_slice %arg9[%add3A_22, %dma_wait3A_85] : memref<10240x128xf32, #tpu.memory_space<vmem_shared>> -> memref<64x128xf32, #tpu.memory_space<vmem_shared>>
      tpu.wait_dma2 semaphore(%run_scoped3A_78 : memref<!tpu.dma_semaphore, #tpu.memory_space<semaphore_mem>>) src(%arg8 : memref<64x128xf32, #tpu.memory_space<vmem>>) dst(%dma_wait3A_86 : memref<64x128xf32, #tpu.memory_space<vmem_shared>>)
      tpu.yield
    }) : () -> ()
    %mul3A_23 = arith.constant 640 : i32
    %mul3A_24 = arith.muli %arg1, %mul3A_23 : i32
    %add3A_25 = arith.constant 64 : i32
    %add3A_26 = arith.addi %mul3A_24, %add3A_25 : i32
    "tpu.region"() ({
      %run_scoped3A_78 = tpu.sem_alloc : memref<!tpu.dma_semaphore, #tpu.memory_space<semaphore_mem>>
      %dma_start3A_79 = arith.constant 0 : i32
      %dma_start3A_80 = tpu.memref_slice %arg9[%add3A_26, %dma_start3A_79] : memref<10240x128xf32, #tpu.memory_space<vmem_shared>> -> memref<64x128xf32, #tpu.memory_space<vmem_shared>>
      %dma_start3A_81 = arith.constant 0 : i32
      %dma_start3A_82 = tpu.memref_slice %arg9[%add3A_26, %dma_start3A_81] : memref<10240x128xf32, #tpu.memory_space<vmem_shared>> -> memref<64x128xf32, #tpu.memory_space<vmem_shared>>
      tpu.enqueue_dma source(%arg8 : memref<64x128xf32, #tpu.memory_space<vmem>>) target(%dma_start3A_82 : memref<64x128xf32, #tpu.memory_space<vmem_shared>>) target_semaphore(%run_scoped3A_78 : memref<!tpu.dma_semaphore, #tpu.memory_space<semaphore_mem>>)
      %dma_wait3A_83 = arith.constant 0 : i32
      %dma_wait3A_84 = tpu.memref_slice %arg9[%add3A_26, %dma_wait3A_83] : memref<10240x128xf32, #tpu.memory_space<vmem_shared>> -> memref<64x128xf32, #tpu.memory_space<vmem_shared>>
      %dma_wait3A_85 = arith.constant 0 : i32
      %dma_wait3A_86 = tpu.memref_slice %arg9[%add3A_26, %dma_wait3A_85] : memref<10240x128xf32, #tpu.memory_space<vmem_shared>> -> memref<64x128xf32, #tpu.memory_space<vmem_shared>>
      tpu.wait_dma2 semaphore(%run_scoped3A_78 : memref<!tpu.dma_semaphore, #tpu.memory_space<semaphore_mem>>) src(%arg8 : memref<64x128xf32, #tpu.memory_space<vmem>>) dst(%dma_wait3A_86 : memref<64x128xf32, #tpu.memory_space<vmem_shared>>)
      tpu.yield
    }) : () -> ()
    %mul3A_27 = arith.constant 640 : i32
    %mul3A_28 = arith.muli %arg1, %mul3A_27 : i32
    %add3A_29 = arith.constant 128 : i32
    %add3A_30 = arith.addi %mul3A_28, %add3A_29 : i32
    "tpu.region"() ({
      %run_scoped3A_78 = tpu.sem_alloc : memref<!tpu.dma_semaphore, #tpu.memory_space<semaphore_mem>>
      %dma_start3A_79 = arith.constant 0 : i32
      %dma_start3A_80 = tpu.memref_slice %arg9[%add3A_30, %dma_start3A_79] : memref<10240x128xf32, #tpu.memory_space<vmem_shared>> -> memref<64x128xf32, #tpu.memory_space<vmem_shared>>
      %dma_start3A_81 = arith.constant 0 : i32
      %dma_start3A_82 = tpu.memref_slice %arg9[%add3A_30, %dma_start3A_81] : memref<10240x128xf32, #tpu.memory_space<vmem_shared>> -> memref<64x128xf32, #tpu.memory_space<vmem_shared>>
      tpu.enqueue_dma source(%arg8 : memref<64x128xf32, #tpu.memory_space<vmem>>) target(%dma_start3A_82 : memref<64x128xf32, #tpu.memory_space<vmem_shared>>) target_semaphore(%run_scoped3A_78 : memref<!tpu.dma_semaphore, #tpu.memory_space<semaphore_mem>>)
      %dma_wait3A_83 = arith.constant 0 : i32
      %dma_wait3A_84 = tpu.memref_slice %arg9[%add3A_30, %dma_wait3A_83] : memref<10240x128xf32, #tpu.memory_space<vmem_shared>> -> memref<64x128xf32, #tpu.memory_space<vmem_shared>>
      %dma_wait3A_85 = arith.constant 0 : i32
      %dma_wait3A_86 = tpu.memref_slice %arg9[%add3A_30, %dma_wait3A_85] : memref<10240x128xf32, #tpu.memory_space<vmem_shared>> -> memref<64x128xf32, #tpu.memory_space<vmem_shared>>
      tpu.wait_dma2 semaphore(%run_scoped3A_78 : memref<!tpu.dma_semaphore, #tpu.memory_space<semaphore_mem>>) src(%arg8 : memref<64x128xf32, #tpu.memory_space<vmem>>) dst(%dma_wait3A_86 : memref<64x128xf32, #tpu.memory_space<vmem_shared>>)
      tpu.yield
    }) : () -> ()
    %mul3A_31 = arith.constant 640 : i32
    %mul3A_32 = arith.muli %arg1, %mul3A_31 : i32
    %add3A_33 = arith.constant 192 : i32
    %add3A_34 = arith.addi %mul3A_32, %add3A_33 : i32
    "tpu.region"() ({
      %run_scoped3A_78 = tpu.sem_alloc : memref<!tpu.dma_semaphore, #tpu.memory_space<semaphore_mem>>
      %dma_start3A_79 = arith.constant 0 : i32
      %dma_start3A_80 = tpu.memref_slice %arg9[%add3A_34, %dma_start3A_79] : memref<10240x128xf32, #tpu.memory_space<vmem_shared>> -> memref<64x128xf32, #tpu.memory_space<vmem_shared>>
      %dma_start3A_81 = arith.constant 0 : i32
      %dma_start3A_82 = tpu.memref_slice %arg9[%add3A_34, %dma_start3A_81] : memref<10240x128xf32, #tpu.memory_space<vmem_shared>> -> memref<64x128xf32, #tpu.memory_space<vmem_shared>>
      tpu.enqueue_dma source(%arg8 : memref<64x128xf32, #tpu.memory_space<vmem>>) target(%dma_start3A_82 : memref<64x128xf32, #tpu.memory_space<vmem_shared>>) target_semaphore(%run_scoped3A_78 : memref<!tpu.dma_semaphore, #tpu.memory_space<semaphore_mem>>)
      %dma_wait3A_83 = arith.constant 0 : i32
      %dma_wait3A_84 = tpu.memref_slice %arg9[%add3A_34, %dma_wait3A_83] : memref<10240x128xf32, #tpu.memory_space<vmem_shared>> -> memref<64x128xf32, #tpu.memory_space<vmem_shared>>
      %dma_wait3A_85 = arith.constant 0 : i32
      %dma_wait3A_86 = tpu.memref_slice %arg9[%add3A_34, %dma_wait3A_85] : memref<10240x128xf32, #tpu.memory_space<vmem_shared>> -> memref<64x128xf32, #tpu.memory_space<vmem_shared>>
      tpu.wait_dma2 semaphore(%run_scoped3A_78 : memref<!tpu.dma_semaphore, #tpu.memory_space<semaphore_mem>>) src(%arg8 : memref<64x128xf32, #tpu.memory_space<vmem>>) dst(%dma_wait3A_86 : memref<64x128xf32, #tpu.memory_space<vmem_shared>>)
      tpu.yield
    }) : () -> ()
    %mul3A_35 = arith.constant 640 : i32
    %mul3A_36 = arith.muli %arg1, %mul3A_35 : i32
    %add3A_37 = arith.constant 256 : i32
    %add3A_38 = arith.addi %mul3A_36, %add3A_37 : i32
    "tpu.region"() ({
      %run_scoped3A_78 = tpu.sem_alloc : memref<!tpu.dma_semaphore, #tpu.memory_space<semaphore_mem>>
      %dma_start3A_79 = arith.constant 0 : i32
      %dma_start3A_80 = tpu.memref_slice %arg9[%add3A_38, %dma_start3A_79] : memref<10240x128xf32, #tpu.memory_space<vmem_shared>> -> memref<64x128xf32, #tpu.memory_space<vmem_shared>>
      %dma_start3A_81 = arith.constant 0 : i32
      %dma_start3A_82 = tpu.memref_slice %arg9[%add3A_38, %dma_start3A_81] : memref<10240x128xf32, #tpu.memory_space<vmem_shared>> -> memref<64x128xf32, #tpu.memory_space<vmem_shared>>
      tpu.enqueue_dma source(%arg8 : memref<64x128xf32, #tpu.memory_space<vmem>>) target(%dma_start3A_82 : memref<64x128xf32, #tpu.memory_space<vmem_shared>>) target_semaphore(%run_scoped3A_78 : memref<!tpu.dma_semaphore, #tpu.memory_space<semaphore_mem>>)
      %dma_wait3A_83 = arith.constant 0 : i32
      %dma_wait3A_84 = tpu.memref_slice %arg9[%add3A_38, %dma_wait3A_83] : memref<10240x128xf32, #tpu.memory_space<vmem_shared>> -> memref<64x128xf32, #tpu.memory_space<vmem_shared>>
      %dma_wait3A_85 = arith.constant 0 : i32
      %dma_wait3A_86 = tpu.memref_slice %arg9[%add3A_38, %dma_wait3A_85] : memref<10240x128xf32, #tpu.memory_space<vmem_shared>> -> memref<64x128xf32, #tpu.memory_space<vmem_shared>>
      tpu.wait_dma2 semaphore(%run_scoped3A_78 : memref<!tpu.dma_semaphore, #tpu.memory_space<semaphore_mem>>) src(%arg8 : memref<64x128xf32, #tpu.memory_space<vmem>>) dst(%dma_wait3A_86 : memref<64x128xf32, #tpu.memory_space<vmem_shared>>)
      tpu.yield
    }) : () -> ()
    %mul3A_39 = arith.constant 640 : i32
    %mul3A_40 = arith.muli %arg1, %mul3A_39 : i32
    %add3A_41 = arith.constant 320 : i32
    %add3A_42 = arith.addi %mul3A_40, %add3A_41 : i32
    "tpu.region"() ({
      %run_scoped3A_78 = tpu.sem_alloc : memref<!tpu.dma_semaphore, #tpu.memory_space<semaphore_mem>>
      %dma_start3A_79 = arith.constant 0 : i32
      %dma_start3A_80 = tpu.memref_slice %arg9[%add3A_42, %dma_start3A_79] : memref<10240x128xf32, #tpu.memory_space<vmem_shared>> -> memref<64x128xf32, #tpu.memory_space<vmem_shared>>
      %dma_start3A_81 = arith.constant 0 : i32
      %dma_start3A_82 = tpu.memref_slice %arg9[%add3A_42, %dma_start3A_81] : memref<10240x128xf32, #tpu.memory_space<vmem_shared>> -> memref<64x128xf32, #tpu.memory_space<vmem_shared>>
      tpu.enqueue_dma source(%arg8 : memref<64x128xf32, #tpu.memory_space<vmem>>) target(%dma_start3A_82 : memref<64x128xf32, #tpu.memory_space<vmem_shared>>) target_semaphore(%run_scoped3A_78 : memref<!tpu.dma_semaphore, #tpu.memory_space<semaphore_mem>>)
      %dma_wait3A_83 = arith.constant 0 : i32
      %dma_wait3A_84 = tpu.memref_slice %arg9[%add3A_42, %dma_wait3A_83] : memref<10240x128xf32, #tpu.memory_space<vmem_shared>> -> memref<64x128xf32, #tpu.memory_space<vmem_shared>>
      %dma_wait3A_85 = arith.constant 0 : i32
      %dma_wait3A_86 = tpu.memref_slice %arg9[%add3A_42, %dma_wait3A_85] : memref<10240x128xf32, #tpu.memory_space<vmem_shared>> -> memref<64x128xf32, #tpu.memory_space<vmem_shared>>
      tpu.wait_dma2 semaphore(%run_scoped3A_78 : memref<!tpu.dma_semaphore, #tpu.memory_space<semaphore_mem>>) src(%arg8 : memref<64x128xf32, #tpu.memory_space<vmem>>) dst(%dma_wait3A_86 : memref<64x128xf32, #tpu.memory_space<vmem_shared>>)
      tpu.yield
    }) : () -> ()
    %mul3A_43 = arith.constant 640 : i32
    %mul3A_44 = arith.muli %arg1, %mul3A_43 : i32
    %add3A_45 = arith.constant 384 : i32
    %add3A_46 = arith.addi %mul3A_44, %add3A_45 : i32
    "tpu.region"() ({
      %run_scoped3A_78 = tpu.sem_alloc : memref<!tpu.dma_semaphore, #tpu.memory_space<semaphore_mem>>
      %dma_start3A_79 = arith.constant 0 : i32
      %dma_start3A_80 = tpu.memref_slice %arg9[%add3A_46, %dma_start3A_79] : memref<10240x128xf32, #tpu.memory_space<vmem_shared>> -> memref<64x128xf32, #tpu.memory_space<vmem_shared>>
      %dma_start3A_81 = arith.constant 0 : i32
      %dma_start3A_82 = tpu.memref_slice %arg9[%add3A_46, %dma_start3A_81] : memref<10240x128xf32, #tpu.memory_space<vmem_shared>> -> memref<64x128xf32, #tpu.memory_space<vmem_shared>>
      tpu.enqueue_dma source(%arg8 : memref<64x128xf32, #tpu.memory_space<vmem>>) target(%dma_start3A_82 : memref<64x128xf32, #tpu.memory_space<vmem_shared>>) target_semaphore(%run_scoped3A_78 : memref<!tpu.dma_semaphore, #tpu.memory_space<semaphore_mem>>)
      %dma_wait3A_83 = arith.constant 0 : i32
      %dma_wait3A_84 = tpu.memref_slice %arg9[%add3A_46, %dma_wait3A_83] : memref<10240x128xf32, #tpu.memory_space<vmem_shared>> -> memref<64x128xf32, #tpu.memory_space<vmem_shared>>
      %dma_wait3A_85 = arith.constant 0 : i32
      %dma_wait3A_86 = tpu.memref_slice %arg9[%add3A_46, %dma_wait3A_85] : memref<10240x128xf32, #tpu.memory_space<vmem_shared>> -> memref<64x128xf32, #tpu.memory_space<vmem_shared>>
      tpu.wait_dma2 semaphore(%run_scoped3A_78 : memref<!tpu.dma_semaphore, #tpu.memory_space<semaphore_mem>>) src(%arg8 : memref<64x128xf32, #tpu.memory_space<vmem>>) dst(%dma_wait3A_86 : memref<64x128xf32, #tpu.memory_space<vmem_shared>>)
      tpu.yield
    }) : () -> ()
    %mul3A_47 = arith.constant 640 : i32
    %mul3A_48 = arith.muli %arg1, %mul3A_47 : i32
    %add3A_49 = arith.constant 448 : i32
    %add3A_50 = arith.addi %mul3A_48, %add3A_49 : i32
    "tpu.region"() ({
      %run_scoped3A_78 = tpu.sem_alloc : memref<!tpu.dma_semaphore, #tpu.memory_space<semaphore_mem>>
      %dma_start3A_79 = arith.constant 0 : i32
      %dma_start3A_80 = tpu.memref_slice %arg9[%add3A_50, %dma_start3A_79] : memref<10240x128xf32, #tpu.memory_space<vmem_shared>> -> memref<64x128xf32, #tpu.memory_space<vmem_shared>>
      %dma_start3A_81 = arith.constant 0 : i32
      %dma_start3A_82 = tpu.memref_slice %arg9[%add3A_50, %dma_start3A_81] : memref<10240x128xf32, #tpu.memory_space<vmem_shared>> -> memref<64x128xf32, #tpu.memory_space<vmem_shared>>
      tpu.enqueue_dma source(%arg8 : memref<64x128xf32, #tpu.memory_space<vmem>>) target(%dma_start3A_82 : memref<64x128xf32, #tpu.memory_space<vmem_shared>>) target_semaphore(%run_scoped3A_78 : memref<!tpu.dma_semaphore, #tpu.memory_space<semaphore_mem>>)
      %dma_wait3A_83 = arith.constant 0 : i32
      %dma_wait3A_84 = tpu.memref_slice %arg9[%add3A_50, %dma_wait3A_83] : memref<10240x128xf32, #tpu.memory_space<vmem_shared>> -> memref<64x128xf32, #tpu.memory_space<vmem_shared>>
      %dma_wait3A_85 = arith.constant 0 : i32
      %dma_wait3A_86 = tpu.memref_slice %arg9[%add3A_50, %dma_wait3A_85] : memref<10240x128xf32, #tpu.memory_space<vmem_shared>> -> memref<64x128xf32, #tpu.memory_space<vmem_shared>>
      tpu.wait_dma2 semaphore(%run_scoped3A_78 : memref<!tpu.dma_semaphore, #tpu.memory_space<semaphore_mem>>) src(%arg8 : memref<64x128xf32, #tpu.memory_space<vmem>>) dst(%dma_wait3A_86 : memref<64x128xf32, #tpu.memory_space<vmem_shared>>)
      tpu.yield
    }) : () -> ()
    %mul3A_51 = arith.constant 640 : i32
    %mul3A_52 = arith.muli %arg1, %mul3A_51 : i32
    %add3A_53 = arith.constant 512 : i32
    %add3A_54 = arith.addi %mul3A_52, %add3A_53 : i32
    "tpu.region"() ({
      %run_scoped3A_78 = tpu.sem_alloc : memref<!tpu.dma_semaphore, #tpu.memory_space<semaphore_mem>>
      %dma_start3A_79 = arith.constant 0 : i32
      %dma_start3A_80 = tpu.memref_slice %arg9[%add3A_54, %dma_start3A_79] : memref<10240x128xf32, #tpu.memory_space<vmem_shared>> -> memref<64x128xf32, #tpu.memory_space<vmem_shared>>
      %dma_start3A_81 = arith.constant 0 : i32
      %dma_start3A_82 = tpu.memref_slice %arg9[%add3A_54, %dma_start3A_81] : memref<10240x128xf32, #tpu.memory_space<vmem_shared>> -> memref<64x128xf32, #tpu.memory_space<vmem_shared>>
      tpu.enqueue_dma source(%arg8 : memref<64x128xf32, #tpu.memory_space<vmem>>) target(%dma_start3A_82 : memref<64x128xf32, #tpu.memory_space<vmem_shared>>) target_semaphore(%run_scoped3A_78 : memref<!tpu.dma_semaphore, #tpu.memory_space<semaphore_mem>>)
      %dma_wait3A_83 = arith.constant 0 : i32
      %dma_wait3A_84 = tpu.memref_slice %arg9[%add3A_54, %dma_wait3A_83] : memref<10240x128xf32, #tpu.memory_space<vmem_shared>> -> memref<64x128xf32, #tpu.memory_space<vmem_shared>>
      %dma_wait3A_85 = arith.constant 0 : i32
      %dma_wait3A_86 = tpu.memref_slice %arg9[%add3A_54, %dma_wait3A_85] : memref<10240x128xf32, #tpu.memory_space<vmem_shared>> -> memref<64x128xf32, #tpu.memory_space<vmem_shared>>
      tpu.wait_dma2 semaphore(%run_scoped3A_78 : memref<!tpu.dma_semaphore, #tpu.memory_space<semaphore_mem>>) src(%arg8 : memref<64x128xf32, #tpu.memory_space<vmem>>) dst(%dma_wait3A_86 : memref<64x128xf32, #tpu.memory_space<vmem_shared>>)
      tpu.yield
    }) : () -> ()
    %mul3A_55 = arith.constant 640 : i32
    %mul3A_56 = arith.muli %arg1, %mul3A_55 : i32
    %add3A_57 = arith.constant 576 : i32
    %add3A_58 = arith.addi %mul3A_56, %add3A_57 : i32
    "tpu.region"() ({
      %run_scoped3A_78 = tpu.sem_alloc : memref<!tpu.dma_semaphore, #tpu.memory_space<semaphore_mem>>
      %dma_start3A_79 = arith.constant 0 : i32
      %dma_start3A_80 = tpu.memref_slice %arg9[%add3A_58, %dma_start3A_79] : memref<10240x128xf32, #tpu.memory_space<vmem_shared>> -> memref<64x128xf32, #tpu.memory_space<vmem_shared>>
      %dma_start3A_81 = arith.constant 0 : i32
      %dma_start3A_82 = tpu.memref_slice %arg9[%add3A_58, %dma_start3A_81] : memref<10240x128xf32, #tpu.memory_space<vmem_shared>> -> memref<64x128xf32, #tpu.memory_space<vmem_shared>>
      tpu.enqueue_dma source(%arg8 : memref<64x128xf32, #tpu.memory_space<vmem>>) target(%dma_start3A_82 : memref<64x128xf32, #tpu.memory_space<vmem_shared>>) target_semaphore(%run_scoped3A_78 : memref<!tpu.dma_semaphore, #tpu.memory_space<semaphore_mem>>)
      %dma_wait3A_83 = arith.constant 0 : i32
      %dma_wait3A_84 = tpu.memref_slice %arg9[%add3A_58, %dma_wait3A_83] : memref<10240x128xf32, #tpu.memory_space<vmem_shared>> -> memref<64x128xf32, #tpu.memory_space<vmem_shared>>
      %dma_wait3A_85 = arith.constant 0 : i32
      %dma_wait3A_86 = tpu.memref_slice %arg9[%add3A_58, %dma_wait3A_85] : memref<10240x128xf32, #tpu.memory_space<vmem_shared>> -> memref<64x128xf32, #tpu.memory_space<vmem_shared>>
      tpu.wait_dma2 semaphore(%run_scoped3A_78 : memref<!tpu.dma_semaphore, #tpu.memory_space<semaphore_mem>>) src(%arg8 : memref<64x128xf32, #tpu.memory_space<vmem>>) dst(%dma_wait3A_86 : memref<64x128xf32, #tpu.memory_space<vmem_shared>>)
      tpu.yield
    }) : () -> ()
    %barrier3A = arith.constant 0 : index
    tpu.barrier barrier_id(%barrier3A)
    %scan3A_59 = arith.constant 0 : i32
    %scan3A_60 = arith.constant 0 : i32
    %scan3A_61 = arith.constant 62 : i32
    %scan3A_62 = arith.addi %scan3A_60, %scan3A_61 : i32
    %scan3A_63 = arith.constant 1 : i32
    scf.for %scan3A_78 = %scan3A_60 to %scan3A_62 step %scan3A_63  : i32 {
      %mul3A_79 = arith.constant 2 : i32
      %mul3A_80 = arith.muli %mul3A_79, %scan3A_78 : i32
      %add3A_81 = arith.constant 0 : i32
      %add3A_82 = arith.addi %mul3A_80, %add3A_81 : i32
      %mul3A_83 = arith.constant 80 : i32
      %mul3A_84 = arith.muli %add3A_82, %mul3A_83 : i32
      %add3A_85 = arith.addi %mul3A_2, %mul3A_84 : i32
      %dma_wait3A_86 = arith.constant 0 : i32
      %dma_wait3A_87 = tpu.memref_slice %arg2[%add3A_85, %dma_wait3A_86] : memref<320000x128xf32, #tpu.memory_space<hbm>> -> memref<80x128xf32, #tpu.memory_space<hbm>>
      %dma_wait3A_88 = arith.constant 0 : i32
      %dma_wait3A_89 = tpu.memref_slice %arg2[%add3A_85, %dma_wait3A_88] : memref<320000x128xf32, #tpu.memory_space<hbm>> -> memref<80x128xf32, #tpu.memory_space<hbm>>
      tpu.wait_dma2 semaphore(%arg10 : memref<!tpu.dma_semaphore, #tpu.memory_space<semaphore_mem>>) src(%dma_wait3A_89 : memref<80x128xf32, #tpu.memory_space<hbm>>) dst(%arg6 : memref<80x128xf32, #tpu.memory_space<vmem>>)
      "tpu.region"() ({
        %run_scoped3A_112 = tpu.sem_alloc : memref<!tpu.dma_semaphore, #tpu.memory_space<semaphore_mem>>
        %dma_start3A_113 = arith.constant 0 : i32
        %dma_start3A_114 = tpu.memref_slice %arg5[%add3A_82, %dma_start3A_113] : memref<125x80xi32, #tpu.memory_space<vmem>> -> memref<1x80xi32, #tpu.memory_space<vmem>>
        %dma_start3A_115 = tpu.memref_squeeze %dma_start3A_114 : memref<1x80xi32, #tpu.memory_space<vmem>> -> memref<80xi32, #tpu.memory_space<vmem>>
        %dma_start3A_116 = arith.constant 0 : i32
        %dma_start3A_117 = arith.constant 0 : i32
        %dma_start3A_118 = tpu.memref_slice %arg9[%dma_start3A_116, %dma_start3A_117] : memref<10240x128xf32, #tpu.memory_space<vmem_shared>> -> memref<10240x128xf32, #tpu.memory_space<vmem_shared>>
        tpu.enqueue_indirect_dma source(%arg6 : memref<80x128xf32, #tpu.memory_space<vmem>>) target(%dma_start3A_118 : memref<10240x128xf32, #tpu.memory_space<vmem_shared>>) offsets(%dma_start3A_115 : memref<80xi32, #tpu.memory_space<vmem>>) semaphore(%run_scoped3A_112 : memref<!tpu.dma_semaphore, #tpu.memory_space<semaphore_mem>>) {add = true}
        %dma_wait3A_119 = arith.constant 0 : i32
        %dma_wait3A_120 = tpu.memref_slice %arg5[%add3A_82, %dma_wait3A_119] : memref<125x80xi32, #tpu.memory_space<vmem>> -> memref<1x80xi32, #tpu.memory_space<vmem>>
        %dma_wait3A_121 = tpu.memref_squeeze %dma_wait3A_120 : memref<1x80xi32, #tpu.memory_space<vmem>> -> memref<80xi32, #tpu.memory_space<vmem>>
        %dma_wait3A_122 = arith.constant 0 : i32
        %dma_wait3A_123 = arith.constant 0 : i32
        %dma_wait3A_124 = tpu.memref_slice %arg9[%dma_wait3A_122, %dma_wait3A_123] : memref<10240x128xf32, #tpu.memory_space<vmem_shared>> -> memref<10240x128xf32, #tpu.memory_space<vmem_shared>>
        tpu.wait_indirect_dma semaphore(%run_scoped3A_112 : memref<!tpu.dma_semaphore, #tpu.memory_space<semaphore_mem>>) src(%arg6 : memref<80x128xf32, #tpu.memory_space<vmem>>) dst(%dma_wait3A_124 : memref<10240x128xf32, #tpu.memory_space<vmem_shared>>)
        tpu.yield
      }) : () -> ()
      %add3A_90 = arith.constant 2 : i32
      %add3A_91 = arith.addi %add3A_82, %add3A_90 : i32
      %lt3A = arith.constant 125 : i32
      %lt3A_92 = arith.cmpi slt, %add3A_91, %lt3A : i32
      %convert_element_type3A = arith.extui %lt3A_92 : i1 to i32
      %cond3A = arith.constant 0 : i32
      %cond3A_93 = arith.cmpi ne, %convert_element_type3A, %cond3A : i32
      scf.if %cond3A_93 {
        %mul3A_112 = arith.constant 80 : i32
        %mul3A_113 = arith.muli %add3A_91, %mul3A_112 : i32
        %add3A_114 = arith.addi %mul3A_2, %mul3A_113 : i32
        %dma_start3A_115 = arith.constant 0 : i32
        %dma_start3A_116 = tpu.memref_slice %arg2[%add3A_114, %dma_start3A_115] : memref<320000x128xf32, #tpu.memory_space<hbm>> -> memref<80x128xf32, #tpu.memory_space<hbm>>
        %dma_start3A_117 = arith.constant 0 : i32
        %dma_start3A_118 = tpu.memref_slice %arg2[%add3A_114, %dma_start3A_117] : memref<320000x128xf32, #tpu.memory_space<hbm>> -> memref<80x128xf32, #tpu.memory_space<hbm>>
        tpu.enqueue_dma source(%dma_start3A_118 : memref<80x128xf32, #tpu.memory_space<hbm>>) target(%arg6 : memref<80x128xf32, #tpu.memory_space<vmem>>) target_semaphore(%arg10 : memref<!tpu.dma_semaphore, #tpu.memory_space<semaphore_mem>>)
      } else {
      }
      %mul3A_94 = arith.constant 2 : i32
      %mul3A_95 = arith.muli %mul3A_94, %scan3A_78 : i32
      %add3A_96 = arith.constant 1 : i32
      %add3A_97 = arith.addi %mul3A_95, %add3A_96 : i32
      %mul3A_98 = arith.constant 80 : i32
      %mul3A_99 = arith.muli %add3A_97, %mul3A_98 : i32
      %add3A_100 = arith.addi %mul3A_2, %mul3A_99 : i32
      %dma_wait3A_101 = arith.constant 0 : i32
      %dma_wait3A_102 = tpu.memref_slice %arg2[%add3A_100, %dma_wait3A_101] : memref<320000x128xf32, #tpu.memory_space<hbm>> -> memref<80x128xf32, #tpu.memory_space<hbm>>
      %dma_wait3A_103 = arith.constant 0 : i32
      %dma_wait3A_104 = tpu.memref_slice %arg2[%add3A_100, %dma_wait3A_103] : memref<320000x128xf32, #tpu.memory_space<hbm>> -> memref<80x128xf32, #tpu.memory_space<hbm>>
      tpu.wait_dma2 semaphore(%arg11 : memref<!tpu.dma_semaphore, #tpu.memory_space<semaphore_mem>>) src(%dma_wait3A_104 : memref<80x128xf32, #tpu.memory_space<hbm>>) dst(%arg7 : memref<80x128xf32, #tpu.memory_space<vmem>>)
      "tpu.region"() ({
        %run_scoped3A_112 = tpu.sem_alloc : memref<!tpu.dma_semaphore, #tpu.memory_space<semaphore_mem>>
        %dma_start3A_113 = arith.constant 0 : i32
        %dma_start3A_114 = tpu.memref_slice %arg5[%add3A_97, %dma_start3A_113] : memref<125x80xi32, #tpu.memory_space<vmem>> -> memref<1x80xi32, #tpu.memory_space<vmem>>
        %dma_start3A_115 = tpu.memref_squeeze %dma_start3A_114 : memref<1x80xi32, #tpu.memory_space<vmem>> -> memref<80xi32, #tpu.memory_space<vmem>>
        %dma_start3A_116 = arith.constant 0 : i32
        %dma_start3A_117 = arith.constant 0 : i32
        %dma_start3A_118 = tpu.memref_slice %arg9[%dma_start3A_116, %dma_start3A_117] : memref<10240x128xf32, #tpu.memory_space<vmem_shared>> -> memref<10240x128xf32, #tpu.memory_space<vmem_shared>>
        tpu.enqueue_indirect_dma source(%arg7 : memref<80x128xf32, #tpu.memory_space<vmem>>) target(%dma_start3A_118 : memref<10240x128xf32, #tpu.memory_space<vmem_shared>>) offsets(%dma_start3A_115 : memref<80xi32, #tpu.memory_space<vmem>>) semaphore(%run_scoped3A_112 : memref<!tpu.dma_semaphore, #tpu.memory_space<semaphore_mem>>) {add = true}
        %dma_wait3A_119 = arith.constant 0 : i32
        %dma_wait3A_120 = tpu.memref_slice %arg5[%add3A_97, %dma_wait3A_119] : memref<125x80xi32, #tpu.memory_space<vmem>> -> memref<1x80xi32, #tpu.memory_space<vmem>>
        %dma_wait3A_121 = tpu.memref_squeeze %dma_wait3A_120 : memref<1x80xi32, #tpu.memory_space<vmem>> -> memref<80xi32, #tpu.memory_space<vmem>>
        %dma_wait3A_122 = arith.constant 0 : i32
        %dma_wait3A_123 = arith.constant 0 : i32
        %dma_wait3A_124 = tpu.memref_slice %arg9[%dma_wait3A_122, %dma_wait3A_123] : memref<10240x128xf32, #tpu.memory_space<vmem_shared>> -> memref<10240x128xf32, #tpu.memory_space<vmem_shared>>
        tpu.wait_indirect_dma semaphore(%run_scoped3A_112 : memref<!tpu.dma_semaphore, #tpu.memory_space<semaphore_mem>>) src(%arg7 : memref<80x128xf32, #tpu.memory_space<vmem>>) dst(%dma_wait3A_124 : memref<10240x128xf32, #tpu.memory_space<vmem_shared>>)
        tpu.yield
      }) : () -> ()
      %add3A_105 = arith.constant 2 : i32
      %add3A_106 = arith.addi %add3A_97, %add3A_105 : i32
      %lt3A_107 = arith.constant 125 : i32
      %lt3A_108 = arith.cmpi slt, %add3A_106, %lt3A_107 : i32
      %convert_element_type3A_109 = arith.extui %lt3A_108 : i1 to i32
      %cond3A_110 = arith.constant 0 : i32
      %cond3A_111 = arith.cmpi ne, %convert_element_type3A_109, %cond3A_110 : i32
      scf.if %cond3A_111 {
        %mul3A_112 = arith.constant 80 : i32
        %mul3A_113 = arith.muli %add3A_106, %mul3A_112 : i32
        %add3A_114 = arith.addi %mul3A_2, %mul3A_113 : i32
        %dma_start3A_115 = arith.constant 0 : i32
        %dma_start3A_116 = tpu.memref_slice %arg2[%add3A_114, %dma_start3A_115] : memref<320000x128xf32, #tpu.memory_space<hbm>> -> memref<80x128xf32, #tpu.memory_space<hbm>>
        %dma_start3A_117 = arith.constant 0 : i32
        %dma_start3A_118 = tpu.memref_slice %arg2[%add3A_114, %dma_start3A_117] : memref<320000x128xf32, #tpu.memory_space<hbm>> -> memref<80x128xf32, #tpu.memory_space<hbm>>
        tpu.enqueue_dma source(%dma_start3A_118 : memref<80x128xf32, #tpu.memory_space<hbm>>) target(%arg7 : memref<80x128xf32, #tpu.memory_space<vmem>>) target_semaphore(%arg11 : memref<!tpu.dma_semaphore, #tpu.memory_space<semaphore_mem>>)
      } else {
      }
    }
    %scan3A_64 = arith.constant 62 : i32
    %add3A_65 = arith.constant 9920 : i32
    %add3A_66 = arith.addi %mul3A_2, %add3A_65 : i32
    %dma_wait3A = arith.constant 0 : i32
    %dma_wait3A_67 = tpu.memref_slice %arg2[%add3A_66, %dma_wait3A] : memref<320000x128xf32, #tpu.memory_space<hbm>> -> memref<80x128xf32, #tpu.memory_space<hbm>>
    %dma_wait3A_68 = arith.constant 0 : i32
    %dma_wait3A_69 = tpu.memref_slice %arg2[%add3A_66, %dma_wait3A_68] : memref<320000x128xf32, #tpu.memory_space<hbm>> -> memref<80x128xf32, #tpu.memory_space<hbm>>
    tpu.wait_dma2 semaphore(%arg10 : memref<!tpu.dma_semaphore, #tpu.memory_space<semaphore_mem>>) src(%dma_wait3A_69 : memref<80x128xf32, #tpu.memory_space<hbm>>) dst(%arg6 : memref<80x128xf32, #tpu.memory_space<vmem>>)
    %run_scoped3A = arith.constant 124 : i32
    "tpu.region"() ({
      %run_scoped3A_78 = tpu.sem_alloc : memref<!tpu.dma_semaphore, #tpu.memory_space<semaphore_mem>>
      %dma_start3A_79 = arith.constant 0 : i32
      %dma_start3A_80 = tpu.memref_slice %arg5[%run_scoped3A, %dma_start3A_79] : memref<125x80xi32, #tpu.memory_space<vmem>> -> memref<1x80xi32, #tpu.memory_space<vmem>>
      %dma_start3A_81 = tpu.memref_squeeze %dma_start3A_80 : memref<1x80xi32, #tpu.memory_space<vmem>> -> memref<80xi32, #tpu.memory_space<vmem>>
      %dma_start3A_82 = arith.constant 0 : i32
      %dma_start3A_83 = arith.constant 0 : i32
      %dma_start3A_84 = tpu.memref_slice %arg9[%dma_start3A_82, %dma_start3A_83] : memref<10240x128xf32, #tpu.memory_space<vmem_shared>> -> memref<10240x128xf32, #tpu.memory_space<vmem_shared>>
      tpu.enqueue_indirect_dma source(%arg6 : memref<80x128xf32, #tpu.memory_space<vmem>>) target(%dma_start3A_84 : memref<10240x128xf32, #tpu.memory_space<vmem_shared>>) offsets(%dma_start3A_81 : memref<80xi32, #tpu.memory_space<vmem>>) semaphore(%run_scoped3A_78 : memref<!tpu.dma_semaphore, #tpu.memory_space<semaphore_mem>>) {add = true}
      %dma_wait3A_85 = arith.constant 0 : i32
      %dma_wait3A_86 = tpu.memref_slice %arg5[%run_scoped3A, %dma_wait3A_85] : memref<125x80xi32, #tpu.memory_space<vmem>> -> memref<1x80xi32, #tpu.memory_space<vmem>>
      %dma_wait3A_87 = tpu.memref_squeeze %dma_wait3A_86 : memref<1x80xi32, #tpu.memory_space<vmem>> -> memref<80xi32, #tpu.memory_space<vmem>>
      %dma_wait3A_88 = arith.constant 0 : i32
      %dma_wait3A_89 = arith.constant 0 : i32
      %dma_wait3A_90 = tpu.memref_slice %arg9[%dma_wait3A_88, %dma_wait3A_89] : memref<10240x128xf32, #tpu.memory_space<vmem_shared>> -> memref<10240x128xf32, #tpu.memory_space<vmem_shared>>
      tpu.wait_indirect_dma semaphore(%run_scoped3A_78 : memref<!tpu.dma_semaphore, #tpu.memory_space<semaphore_mem>>) src(%arg6 : memref<80x128xf32, #tpu.memory_space<vmem>>) dst(%dma_wait3A_90 : memref<10240x128xf32, #tpu.memory_space<vmem_shared>>)
      tpu.yield
    }) : () -> ()
    %barrier3A_70 = arith.constant 0 : index
    tpu.barrier barrier_id(%barrier3A_70)
    %mul3A_71 = arith.constant 640 : i32
    %mul3A_72 = arith.muli %arg1, %mul3A_71 : i32
    %mul3A_73 = arith.constant 10240 : i32
    %mul3A_74 = arith.muli %arg0, %mul3A_73 : i32
    %mul3A_75 = arith.constant 640 : i32
    %mul3A_76 = arith.muli %arg1, %mul3A_75 : i32
    %add3A_77 = arith.addi %mul3A_74, %mul3A_76 : i32
    "tpu.region"() ({
      %run_scoped3A_78 = tpu.sem_alloc : memref<!tpu.dma_semaphore, #tpu.memory_space<semaphore_mem>>
      %dma_start3A_79 = arith.constant 0 : i32
      %dma_start3A_80 = tpu.memref_slice %arg4[%add3A_77, %dma_start3A_79] : memref<20480x128xf32, #tpu.memory_space<hbm>> -> memref<640x128xf32, #tpu.memory_space<hbm>>
      %dma_start3A_81 = arith.constant 0 : i32
      %dma_start3A_82 = tpu.memref_slice %arg9[%mul3A_72, %dma_start3A_81] : memref<10240x128xf32, #tpu.memory_space<vmem_shared>> -> memref<640x128xf32, #tpu.memory_space<vmem_shared>>
      tpu.enqueue_dma source(%dma_start3A_82 : memref<640x128xf32, #tpu.memory_space<vmem_shared>>) target(%dma_start3A_80 : memref<640x128xf32, #tpu.memory_space<hbm>>) target_semaphore(%run_scoped3A_78 : memref<!tpu.dma_semaphore, #tpu.memory_space<semaphore_mem>>)
      %dma_wait3A_83 = arith.constant 0 : i32
      %dma_wait3A_84 = tpu.memref_slice %arg4[%add3A_77, %dma_wait3A_83] : memref<20480x128xf32, #tpu.memory_space<hbm>> -> memref<640x128xf32, #tpu.memory_space<hbm>>
      %dma_wait3A_85 = arith.constant 0 : i32
      %dma_wait3A_86 = tpu.memref_slice %arg9[%mul3A_72, %dma_wait3A_85] : memref<10240x128xf32, #tpu.memory_space<vmem_shared>> -> memref<640x128xf32, #tpu.memory_space<vmem_shared>>
      tpu.wait_dma2 semaphore(%run_scoped3A_78 : memref<!tpu.dma_semaphore, #tpu.memory_space<semaphore_mem>>) src(%dma_wait3A_86 : memref<640x128xf32, #tpu.memory_space<vmem_shared>>) dst(%dma_wait3A_84 : memref<640x128xf32, #tpu.memory_space<hbm>>)
      tpu.yield
    }) : () -> ()
    return
  }
}

module attributes {stable_mosaic.version = 14 : i64} {
  func.func @_edge_body(%arg0: i32, %arg1: memref<2000x128xf32, #tpu.memory_space<vmem>>, %arg2: memref<2000x128xf32, #tpu.memory_space<vmem>>, %arg3: memref<128x128xf32, #tpu.memory_space<vmem>>, %arg4: memref<1x128xf32, #tpu.memory_space<vmem>>, %arg5: memref<128x128xf32, #tpu.memory_space<vmem>>, %arg6: memref<1x128xf32, #tpu.memory_space<vmem>>, %arg7: memref<128x128xf32, #tpu.memory_space<vmem>>, %arg8: memref<1x128xf32, #tpu.memory_space<vmem>>, %arg9: memref<128x128xf32, #tpu.memory_space<vmem>>, %arg10: memref<1x128xf32, #tpu.memory_space<vmem>>, %arg11: memref<2000x128xf32, #tpu.memory_space<vmem>>) attributes {dimension_semantics = [#tpu.dimension_semantics<arbitrary>], iteration_bounds = array<i64: 160>, scalar_prefetch = 0 : i64, scratch_operands = 0 : i64, tpu.core_type = #tpu.core_type<tc>, window_params = [{transform_indices = @transform_0, window_bounds = array<i64: 2000, 128>}, {transform_indices = @transform_1, window_bounds = array<i64: 2000, 128>}, {pipeline_mode = #tpu.pipeline_mode<synchronous>, transform_indices = @transform_2, window_bounds = array<i64: 128, 128>}, {pipeline_mode = #tpu.pipeline_mode<synchronous>, transform_indices = @transform_3, window_bounds = array<i64: 1, 128>}, {pipeline_mode = #tpu.pipeline_mode<synchronous>, transform_indices = @transform_4, window_bounds = array<i64: 128, 128>}, {pipeline_mode = #tpu.pipeline_mode<synchronous>, transform_indices = @transform_5, window_bounds = array<i64: 1, 128>}, {pipeline_mode = #tpu.pipeline_mode<synchronous>, transform_indices = @transform_6, window_bounds = array<i64: 128, 128>}, {pipeline_mode = #tpu.pipeline_mode<synchronous>, transform_indices = @transform_7, window_bounds = array<i64: 1, 128>}, {pipeline_mode = #tpu.pipeline_mode<synchronous>, transform_indices = @transform_8, window_bounds = array<i64: 128, 128>}, {pipeline_mode = #tpu.pipeline_mode<synchronous>, transform_indices = @transform_9, window_bounds = array<i64: 1, 128>}, {transform_indices = @transform_10, window_bounds = array<i64: 2000, 128>}]} {
    %get3A = arith.constant 0 : index
    %get3A_0 = arith.constant 0 : index
    %get3A_1 = vector.load %arg1[%get3A, %get3A_0] : memref<2000x128xf32, #tpu.memory_space<vmem>>, vector<2000x128xf32>
    %get3A_2 = arith.constant 0 : index
    %get3A_3 = arith.constant 0 : index
    %get3A_4 = vector.load %arg3[%get3A_2, %get3A_3] : memref<128x128xf32, #tpu.memory_space<vmem>>, vector<128x128xf32>
    %get3A_5 = arith.constant 0 : index
    %get3A_6 = arith.constant 0 : index
    %get3A_7 = vector.load %arg4[%get3A_5, %get3A_6] : memref<1x128xf32, #tpu.memory_space<vmem>>, vector<1x128xf32>
    %get3A_8 = arith.constant 0 : index
    %get3A_9 = arith.constant 0 : index
    %get3A_10 = vector.load %arg5[%get3A_8, %get3A_9] : memref<128x128xf32, #tpu.memory_space<vmem>>, vector<128x128xf32>
    %get3A_11 = arith.constant 0 : index
    %get3A_12 = arith.constant 0 : index
    %get3A_13 = vector.load %arg6[%get3A_11, %get3A_12] : memref<1x128xf32, #tpu.memory_space<vmem>>, vector<1x128xf32>
    %dot_general3A = arith.constant dense<0.000000e+00> : vector<2000x128xf32>
    %dot_general3A_14 = tpu.matmul %get3A_1, %get3A_4, %dot_general3A {dimension_numbers = #tpu.dot_dimension_numbers<[1], [0], [0], [1], [0, 0, 1, 1], [], []>, transpose_lhs_hint = false} : vector<2000x128xf32>, vector<128x128xf32>, vector<2000x128xf32> -> vector<2000x128xf32>
    %add3A = vector.broadcast %get3A_7 : vector<1x128xf32> to vector<2000x128xf32>
    %add3A_15 = arith.addf %dot_general3A_14, %add3A : vector<2000x128xf32>
    %min3A = arith.constant 3.000000e+01 : f32
    %min3A_16 = vector.broadcast %min3A : f32 to vector<2000x128xf32>
    %min3A_17 = arith.minimumf %add3A_15, %min3A_16 : vector<2000x128xf32>
    %exp3A = math.exp %min3A_17 : vector<2000x128xf32>
    %add3A_18 = arith.constant 2.000000e+00 : f32
    %add3A_19 = vector.broadcast %add3A_18 : f32 to vector<2000x128xf32>
    %add3A_20 = arith.addf %exp3A, %add3A_19 : vector<2000x128xf32>
    %mul3A = arith.mulf %exp3A, %add3A_20 : vector<2000x128xf32>
    %add3A_21 = arith.constant 2.000000e+00 : f32
    %add3A_22 = vector.broadcast %add3A_21 : f32 to vector<2000x128xf32>
    %add3A_23 = arith.addf %mul3A, %add3A_22 : vector<2000x128xf32>
    %div3A = arith.divf %mul3A, %add3A_23 : vector<2000x128xf32>
    %mul3A_24 = arith.mulf %add3A_15, %div3A : vector<2000x128xf32>
    %dot_general3A_25 = arith.constant dense<0.000000e+00> : vector<2000x128xf32>
    %dot_general3A_26 = tpu.matmul %mul3A_24, %get3A_10, %dot_general3A_25 {dimension_numbers = #tpu.dot_dimension_numbers<[1], [0], [0], [1], [0, 0, 1, 1], [], []>, transpose_lhs_hint = false} : vector<2000x128xf32>, vector<128x128xf32>, vector<2000x128xf32> -> vector<2000x128xf32>
    %add3A_27 = vector.broadcast %get3A_13 : vector<1x128xf32> to vector<2000x128xf32>
    %add3A_28 = arith.addf %dot_general3A_26, %add3A_27 : vector<2000x128xf32>
    %get3A_29 = arith.constant 0 : index
    %get3A_30 = arith.constant 0 : index
    %get3A_31 = vector.load %arg2[%get3A_29, %get3A_30] : memref<2000x128xf32, #tpu.memory_space<vmem>>, vector<2000x128xf32>
    %mul3A_32 = arith.constant 2.566970e-38 : f32
    %mul3A_33 = vector.broadcast %mul3A_32 : f32 to vector<2000x128xf32>
    %mul3A_34 = arith.mulf %get3A_31, %mul3A_33 : vector<2000x128xf32>
    %mul3A_35 = arith.constant 1.11265004E-10 : f32
    %mul3A_36 = vector.broadcast %mul3A_35 : f32 to vector<2000x128xf32>
    %mul3A_37 = arith.mulf %mul3A_36, %add3A_28 : vector<2000x128xf32>
    %mul3A_38 = arith.constant 1.000000e-10 : f32
    %mul3A_39 = vector.broadcast %mul3A_38 : f32 to vector<2000x128xf32>
    %mul3A_40 = arith.mulf %mul3A_37, %mul3A_39 : vector<2000x128xf32>
    %div3A_41 = arith.divf %mul3A_34, %mul3A_40 : vector<2000x128xf32>
    %get3A_42 = arith.constant 0 : index
    %get3A_43 = arith.constant 0 : index
    %get3A_44 = vector.load %arg7[%get3A_42, %get3A_43] : memref<128x128xf32, #tpu.memory_space<vmem>>, vector<128x128xf32>
    %get3A_45 = arith.constant 0 : index
    %get3A_46 = arith.constant 0 : index
    %get3A_47 = vector.load %arg8[%get3A_45, %get3A_46] : memref<1x128xf32, #tpu.memory_space<vmem>>, vector<1x128xf32>
    %get3A_48 = arith.constant 0 : index
    %get3A_49 = arith.constant 0 : index
    %get3A_50 = vector.load %arg9[%get3A_48, %get3A_49] : memref<128x128xf32, #tpu.memory_space<vmem>>, vector<128x128xf32>
    %get3A_51 = arith.constant 0 : index
    %get3A_52 = arith.constant 0 : index
    %get3A_53 = vector.load %arg10[%get3A_51, %get3A_52] : memref<1x128xf32, #tpu.memory_space<vmem>>, vector<1x128xf32>
    %dot_general3A_54 = arith.constant dense<0.000000e+00> : vector<2000x128xf32>
    %dot_general3A_55 = tpu.matmul %div3A_41, %get3A_44, %dot_general3A_54 {dimension_numbers = #tpu.dot_dimension_numbers<[1], [0], [0], [1], [0, 0, 1, 1], [], []>, transpose_lhs_hint = false} : vector<2000x128xf32>, vector<128x128xf32>, vector<2000x128xf32> -> vector<2000x128xf32>
    %add3A_56 = vector.broadcast %get3A_47 : vector<1x128xf32> to vector<2000x128xf32>
    %add3A_57 = arith.addf %dot_general3A_55, %add3A_56 : vector<2000x128xf32>
    %min3A_58 = arith.constant 3.000000e+01 : f32
    %min3A_59 = vector.broadcast %min3A_58 : f32 to vector<2000x128xf32>
    %min3A_60 = arith.minimumf %add3A_57, %min3A_59 : vector<2000x128xf32>
    %exp3A_61 = math.exp %min3A_60 : vector<2000x128xf32>
    %add3A_62 = arith.constant 2.000000e+00 : f32
    %add3A_63 = vector.broadcast %add3A_62 : f32 to vector<2000x128xf32>
    %add3A_64 = arith.addf %exp3A_61, %add3A_63 : vector<2000x128xf32>
    %mul3A_65 = arith.mulf %exp3A_61, %add3A_64 : vector<2000x128xf32>
    %add3A_66 = arith.constant 2.000000e+00 : f32
    %add3A_67 = vector.broadcast %add3A_66 : f32 to vector<2000x128xf32>
    %add3A_68 = arith.addf %mul3A_65, %add3A_67 : vector<2000x128xf32>
    %div3A_69 = arith.divf %mul3A_65, %add3A_68 : vector<2000x128xf32>
    %mul3A_70 = arith.mulf %add3A_57, %div3A_69 : vector<2000x128xf32>
    %dot_general3A_71 = arith.constant dense<0.000000e+00> : vector<2000x128xf32>
    %dot_general3A_72 = tpu.matmul %mul3A_70, %get3A_50, %dot_general3A_71 {dimension_numbers = #tpu.dot_dimension_numbers<[1], [0], [0], [1], [0, 0, 1, 1], [], []>, transpose_lhs_hint = false} : vector<2000x128xf32>, vector<128x128xf32>, vector<2000x128xf32> -> vector<2000x128xf32>
    %add3A_73 = vector.broadcast %get3A_53 : vector<1x128xf32> to vector<2000x128xf32>
    %add3A_74 = arith.addf %dot_general3A_72, %add3A_73 : vector<2000x128xf32>
    %swap3A = arith.constant 0 : index
    %swap3A_75 = arith.constant 0 : index
    %swap3A_76 = vector.load %arg11[%swap3A, %swap3A_75] : memref<2000x128xf32, #tpu.memory_space<vmem>>, vector<2000x128xf32>
    tpu.vector_store %arg11[%swap3A, %swap3A_75], %add3A_74 {strides = array<i32>} : memref<2000x128xf32, #tpu.memory_space<vmem>>, vector<2000x128xf32>,
    return
  }
  func.func @transform_0(%arg0: i32) -> (i32, i32) {
    %c0_i32 = arith.constant 0 : i32
    %c0_i32_0 = arith.constant 0 : i32
    return %arg0, %c0_i32 : i32, i32
  }
  func.func @transform_1(%arg0: i32) -> (i32, i32) {
    %c0_i32 = arith.constant 0 : i32
    %c0_i32_0 = arith.constant 0 : i32
    return %arg0, %c0_i32 : i32, i32
  }
  func.func @transform_2(%arg0: i32) -> (i32, i32) {
    %c0_i32 = arith.constant 0 : i32
    %c0_i32_0 = arith.constant 0 : i32
    %c0_i32_1 = arith.constant 0 : i32
    return %c0_i32, %c0_i32_0 : i32, i32
  }
  func.func @transform_3(%arg0: i32) -> (i32, i32) {
    %c0_i32 = arith.constant 0 : i32
    %c0_i32_0 = arith.constant 0 : i32
    %c0_i32_1 = arith.constant 0 : i32
    return %c0_i32, %c0_i32_0 : i32, i32
  }
  func.func @transform_4(%arg0: i32) -> (i32, i32) {
    %c0_i32 = arith.constant 0 : i32
    %c0_i32_0 = arith.constant 0 : i32
    %c0_i32_1 = arith.constant 0 : i32
    return %c0_i32, %c0_i32_0 : i32, i32
  }
  func.func @transform_5(%arg0: i32) -> (i32, i32) {
    %c0_i32 = arith.constant 0 : i32
    %c0_i32_0 = arith.constant 0 : i32
    %c0_i32_1 = arith.constant 0 : i32
    return %c0_i32, %c0_i32_0 : i32, i32
  }
  func.func @transform_6(%arg0: i32) -> (i32, i32) {
    %c0_i32 = arith.constant 0 : i32
    %c0_i32_0 = arith.constant 0 : i32
    %c0_i32_1 = arith.constant 0 : i32
    return %c0_i32, %c0_i32_0 : i32, i32
  }
  func.func @transform_7(%arg0: i32) -> (i32, i32) {
    %c0_i32 = arith.constant 0 : i32
    %c0_i32_0 = arith.constant 0 : i32
    %c0_i32_1 = arith.constant 0 : i32
    return %c0_i32, %c0_i32_0 : i32, i32
  }
  func.func @transform_8(%arg0: i32) -> (i32, i32) {
    %c0_i32 = arith.constant 0 : i32
    %c0_i32_0 = arith.constant 0 : i32
    %c0_i32_1 = arith.constant 0 : i32
    return %c0_i32, %c0_i32_0 : i32, i32
  }
  func.func @transform_9(%arg0: i32) -> (i32, i32) {
    %c0_i32 = arith.constant 0 : i32
    %c0_i32_0 = arith.constant 0 : i32
    %c0_i32_1 = arith.constant 0 : i32
    return %c0_i32, %c0_i32_0 : i32, i32
  }
  func.func @transform_10(%arg0: i32) -> (i32, i32) {
    %c0_i32 = arith.constant 0 : i32
    %c0_i32_0 = arith.constant 0 : i32
    return %arg0, %c0_i32 : i32, i32
  }
}

module attributes {stable_mosaic.version = 14 : i64} {
  func.func @_node_body(%arg0: i32, %arg1: memref<1000x128xf32, #tpu.memory_space<vmem>>, %arg2: memref<128x128xf32, #tpu.memory_space<vmem>>, %arg3: memref<1x128xf32, #tpu.memory_space<vmem>>, %arg4: memref<128x128xf32, #tpu.memory_space<vmem>>, %arg5: memref<1x128xf32, #tpu.memory_space<vmem>>, %arg6: memref<128x128xf32, #tpu.memory_space<vmem>>, %arg7: memref<1x128xf32, #tpu.memory_space<vmem>>, %arg8: memref<128x128xf32, #tpu.memory_space<vmem>>, %arg9: memref<1x128xf32, #tpu.memory_space<vmem>>, %arg10: memref<1000x128xf32, #tpu.memory_space<vmem>>, %arg11: memref<1000x128xf32, #tpu.memory_space<vmem>>) attributes {dimension_semantics = [#tpu.dimension_semantics<arbitrary>], iteration_bounds = array<i64: 10>, scalar_prefetch = 0 : i64, scratch_operands = 0 : i64, tpu.core_type = #tpu.core_type<tc>, window_params = [{transform_indices = @transform_0, window_bounds = array<i64: 1000, 128>}, {pipeline_mode = #tpu.pipeline_mode<synchronous>, transform_indices = @transform_1, window_bounds = array<i64: 128, 128>}, {pipeline_mode = #tpu.pipeline_mode<synchronous>, transform_indices = @transform_2, window_bounds = array<i64: 1, 128>}, {pipeline_mode = #tpu.pipeline_mode<synchronous>, transform_indices = @transform_3, window_bounds = array<i64: 128, 128>}, {pipeline_mode = #tpu.pipeline_mode<synchronous>, transform_indices = @transform_4, window_bounds = array<i64: 1, 128>}, {pipeline_mode = #tpu.pipeline_mode<synchronous>, transform_indices = @transform_5, window_bounds = array<i64: 128, 128>}, {pipeline_mode = #tpu.pipeline_mode<synchronous>, transform_indices = @transform_6, window_bounds = array<i64: 1, 128>}, {pipeline_mode = #tpu.pipeline_mode<synchronous>, transform_indices = @transform_7, window_bounds = array<i64: 128, 128>}, {pipeline_mode = #tpu.pipeline_mode<synchronous>, transform_indices = @transform_8, window_bounds = array<i64: 1, 128>}, {transform_indices = @transform_9, window_bounds = array<i64: 1000, 128>}, {transform_indices = @transform_10, window_bounds = array<i64: 1000, 128>}]} {
    %get3A = arith.constant 0 : index
    %get3A_0 = arith.constant 0 : index
    %get3A_1 = vector.load %arg1[%get3A, %get3A_0] : memref<1000x128xf32, #tpu.memory_space<vmem>>, vector<1000x128xf32>
    %get3A_2 = arith.constant 0 : index
    %get3A_3 = arith.constant 0 : index
    %get3A_4 = vector.load %arg2[%get3A_2, %get3A_3] : memref<128x128xf32, #tpu.memory_space<vmem>>, vector<128x128xf32>
    %get3A_5 = arith.constant 0 : index
    %get3A_6 = arith.constant 0 : index
    %get3A_7 = vector.load %arg3[%get3A_5, %get3A_6] : memref<1x128xf32, #tpu.memory_space<vmem>>, vector<1x128xf32>
    %get3A_8 = arith.constant 0 : index
    %get3A_9 = arith.constant 0 : index
    %get3A_10 = vector.load %arg4[%get3A_8, %get3A_9] : memref<128x128xf32, #tpu.memory_space<vmem>>, vector<128x128xf32>
    %get3A_11 = arith.constant 0 : index
    %get3A_12 = arith.constant 0 : index
    %get3A_13 = vector.load %arg5[%get3A_11, %get3A_12] : memref<1x128xf32, #tpu.memory_space<vmem>>, vector<1x128xf32>
    %dot_general3A = arith.constant dense<0.000000e+00> : vector<1000x128xf32>
    %dot_general3A_14 = tpu.matmul %get3A_1, %get3A_4, %dot_general3A {dimension_numbers = #tpu.dot_dimension_numbers<[1], [0], [0], [1], [0, 0, 1, 1], [], []>, transpose_lhs_hint = false} : vector<1000x128xf32>, vector<128x128xf32>, vector<1000x128xf32> -> vector<1000x128xf32>
    %add3A = vector.broadcast %get3A_7 : vector<1x128xf32> to vector<1000x128xf32>
    %add3A_15 = arith.addf %dot_general3A_14, %add3A : vector<1000x128xf32>
    %min3A = arith.constant 3.000000e+01 : f32
    %min3A_16 = vector.broadcast %min3A : f32 to vector<1000x128xf32>
    %min3A_17 = arith.minimumf %add3A_15, %min3A_16 : vector<1000x128xf32>
    %exp3A = math.exp %min3A_17 : vector<1000x128xf32>
    %add3A_18 = arith.constant 2.000000e+00 : f32
    %add3A_19 = vector.broadcast %add3A_18 : f32 to vector<1000x128xf32>
    %add3A_20 = arith.addf %exp3A, %add3A_19 : vector<1000x128xf32>
    %mul3A = arith.mulf %exp3A, %add3A_20 : vector<1000x128xf32>
    %add3A_21 = arith.constant 2.000000e+00 : f32
    %add3A_22 = vector.broadcast %add3A_21 : f32 to vector<1000x128xf32>
    %add3A_23 = arith.addf %mul3A, %add3A_22 : vector<1000x128xf32>
    %div3A = arith.divf %mul3A, %add3A_23 : vector<1000x128xf32>
    %mul3A_24 = arith.mulf %add3A_15, %div3A : vector<1000x128xf32>
    %dot_general3A_25 = arith.constant dense<0.000000e+00> : vector<1000x128xf32>
    %dot_general3A_26 = tpu.matmul %mul3A_24, %get3A_10, %dot_general3A_25 {dimension_numbers = #tpu.dot_dimension_numbers<[1], [0], [0], [1], [0, 0, 1, 1], [], []>, transpose_lhs_hint = false} : vector<1000x128xf32>, vector<128x128xf32>, vector<1000x128xf32> -> vector<1000x128xf32>
    %add3A_27 = vector.broadcast %get3A_13 : vector<1x128xf32> to vector<1000x128xf32>
    %add3A_28 = arith.addf %dot_general3A_26, %add3A_27 : vector<1000x128xf32>
    %swap3A = arith.constant 0 : index
    %swap3A_29 = arith.constant 0 : index
    %swap3A_30 = vector.load %arg10[%swap3A, %swap3A_29] : memref<1000x128xf32, #tpu.memory_space<vmem>>, vector<1000x128xf32>
    tpu.vector_store %arg10[%swap3A, %swap3A_29], %add3A_28 {strides = array<i32>} : memref<1000x128xf32, #tpu.memory_space<vmem>>, vector<1000x128xf32>,
    %get3A_31 = arith.constant 0 : index
    %get3A_32 = arith.constant 0 : index
    %get3A_33 = vector.load %arg6[%get3A_31, %get3A_32] : memref<128x128xf32, #tpu.memory_space<vmem>>, vector<128x128xf32>
    %get3A_34 = arith.constant 0 : index
    %get3A_35 = arith.constant 0 : index
    %get3A_36 = vector.load %arg7[%get3A_34, %get3A_35] : memref<1x128xf32, #tpu.memory_space<vmem>>, vector<1x128xf32>
    %get3A_37 = arith.constant 0 : index
    %get3A_38 = arith.constant 0 : index
    %get3A_39 = vector.load %arg8[%get3A_37, %get3A_38] : memref<128x128xf32, #tpu.memory_space<vmem>>, vector<128x128xf32>
    %get3A_40 = arith.constant 0 : index
    %get3A_41 = arith.constant 0 : index
    %get3A_42 = vector.load %arg9[%get3A_40, %get3A_41] : memref<1x128xf32, #tpu.memory_space<vmem>>, vector<1x128xf32>
    %dot_general3A_43 = arith.constant dense<0.000000e+00> : vector<1000x128xf32>
    %dot_general3A_44 = tpu.matmul %get3A_1, %get3A_33, %dot_general3A_43 {dimension_numbers = #tpu.dot_dimension_numbers<[1], [0], [0], [1], [0, 0, 1, 1], [], []>, transpose_lhs_hint = false} : vector<1000x128xf32>, vector<128x128xf32>, vector<1000x128xf32> -> vector<1000x128xf32>
    %add3A_45 = vector.broadcast %get3A_36 : vector<1x128xf32> to vector<1000x128xf32>
    %add3A_46 = arith.addf %dot_general3A_44, %add3A_45 : vector<1000x128xf32>
    %min3A_47 = arith.constant 3.000000e+01 : f32
    %min3A_48 = vector.broadcast %min3A_47 : f32 to vector<1000x128xf32>
    %min3A_49 = arith.minimumf %add3A_46, %min3A_48 : vector<1000x128xf32>
    %exp3A_50 = math.exp %min3A_49 : vector<1000x128xf32>
    %add3A_51 = arith.constant 2.000000e+00 : f32
    %add3A_52 = vector.broadcast %add3A_51 : f32 to vector<1000x128xf32>
    %add3A_53 = arith.addf %exp3A_50, %add3A_52 : vector<1000x128xf32>
    %mul3A_54 = arith.mulf %exp3A_50, %add3A_53 : vector<1000x128xf32>
    %add3A_55 = arith.constant 2.000000e+00 : f32
    %add3A_56 = vector.broadcast %add3A_55 : f32 to vector<1000x128xf32>
    %add3A_57 = arith.addf %mul3A_54, %add3A_56 : vector<1000x128xf32>
    %div3A_58 = arith.divf %mul3A_54, %add3A_57 : vector<1000x128xf32>
    %mul3A_59 = arith.mulf %add3A_46, %div3A_58 : vector<1000x128xf32>
    %dot_general3A_60 = arith.constant dense<0.000000e+00> : vector<1000x128xf32>
    %dot_general3A_61 = tpu.matmul %mul3A_59, %get3A_39, %dot_general3A_60 {dimension_numbers = #tpu.dot_dimension_numbers<[1], [0], [0], [1], [0, 0, 1, 1], [], []>, transpose_lhs_hint = false} : vector<1000x128xf32>, vector<128x128xf32>, vector<1000x128xf32> -> vector<1000x128xf32>
    %add3A_62 = vector.broadcast %get3A_42 : vector<1x128xf32> to vector<1000x128xf32>
    %add3A_63 = arith.addf %dot_general3A_61, %add3A_62 : vector<1000x128xf32>
    %swap3A_64 = arith.constant 0 : index
    %swap3A_65 = arith.constant 0 : index
    %swap3A_66 = vector.load %arg11[%swap3A_64, %swap3A_65] : memref<1000x128xf32, #tpu.memory_space<vmem>>, vector<1000x128xf32>
    tpu.vector_store %arg11[%swap3A_64, %swap3A_65], %add3A_63 {strides = array<i32>} : memref<1000x128xf32, #tpu.memory_space<vmem>>, vector<1000x128xf32>,
    return
  }
  func.func @transform_0(%arg0: i32) -> (i32, i32) {
    %c0_i32 = arith.constant 0 : i32
    %c0_i32_0 = arith.constant 0 : i32
    return %arg0, %c0_i32 : i32, i32
  }
  func.func @transform_1(%arg0: i32) -> (i32, i32) {
    %c0_i32 = arith.constant 0 : i32
    %c0_i32_0 = arith.constant 0 : i32
    %c0_i32_1 = arith.constant 0 : i32
    return %c0_i32, %c0_i32_0 : i32, i32
  }
  func.func @transform_2(%arg0: i32) -> (i32, i32) {
    %c0_i32 = arith.constant 0 : i32
    %c0_i32_0 = arith.constant 0 : i32
    %c0_i32_1 = arith.constant 0 : i32
    return %c0_i32, %c0_i32_0 : i32, i32
  }
  func.func @transform_3(%arg0: i32) -> (i32, i32) {
    %c0_i32 = arith.constant 0 : i32
    %c0_i32_0 = arith.constant 0 : i32
    %c0_i32_1 = arith.constant 0 : i32
    return %c0_i32, %c0_i32_0 : i32, i32
  }
  func.func @transform_4(%arg0: i32) -> (i32, i32) {
    %c0_i32 = arith.constant 0 : i32
    %c0_i32_0 = arith.constant 0 : i32
    %c0_i32_1 = arith.constant 0 : i32
    return %c0_i32, %c0_i32_0 : i32, i32
  }
  func.func @transform_5(%arg0: i32) -> (i32, i32) {
    %c0_i32 = arith.constant 0 : i32
    %c0_i32_0 = arith.constant 0 : i32
    %c0_i32_1 = arith.constant 0 : i32
    return %c0_i32, %c0_i32_0 : i32, i32
  }
  func.func @transform_6(%arg0: i32) -> (i32, i32) {
    %c0_i32 = arith.constant 0 : i32
    %c0_i32_0 = arith.constant 0 : i32
    %c0_i32_1 = arith.constant 0 : i32
    return %c0_i32, %c0_i32_0 : i32, i32
  }
  func.func @transform_7(%arg0: i32) -> (i32, i32) {
    %c0_i32 = arith.constant 0 : i32
    %c0_i32_0 = arith.constant 0 : i32
    %c0_i32_1 = arith.constant 0 : i32
    return %c0_i32, %c0_i32_0 : i32, i32
  }
  func.func @transform_8(%arg0: i32) -> (i32, i32) {
    %c0_i32 = arith.constant 0 : i32
    %c0_i32_0 = arith.constant 0 : i32
    %c0_i32_1 = arith.constant 0 : i32
    return %c0_i32, %c0_i32_0 : i32, i32
  }
  func.func @transform_9(%arg0: i32) -> (i32, i32) {
    %c0_i32 = arith.constant 0 : i32
    %c0_i32_0 = arith.constant 0 : i32
    return %arg0, %c0_i32 : i32, i32
  }
  func.func @transform_10(%arg0: i32) -> (i32, i32) {
    %c0_i32 = arith.constant 0 : i32
    %c0_i32_0 = arith.constant 0 : i32
    return %arg0, %c0_i32 : i32, i32
  }
}

module attributes {stable_mosaic.version = 14 : i64} {
  func.func @_final_body(%arg0: i32, %arg1: memref<1000x128xf32, #tpu.memory_space<vmem>>, %arg2: memref<1000x128xf32, #tpu.memory_space<vmem>>, %arg3: memref<1000x128xf32, #tpu.memory_space<vmem>>, %arg4: memref<1000x128xf32, #tpu.memory_space<vmem>>) attributes {dimension_semantics = [#tpu.dimension_semantics<arbitrary>], iteration_bounds = array<i64: 10>, scalar_prefetch = 0 : i64, scratch_operands = 0 : i64, tpu.core_type = #tpu.core_type<tc>, window_params = [{transform_indices = @transform_0, window_bounds = array<i64: 1000, 128>}, {transform_indices = @transform_1, window_bounds = array<i64: 1000, 128>}, {transform_indices = @transform_2, window_bounds = array<i64: 1000, 128>}, {transform_indices = @transform_3, window_bounds = array<i64: 1000, 128>}]} {
    %get3A = arith.constant 0 : index
    %get3A_0 = arith.constant 0 : index
    %get3A_1 = vector.load %arg1[%get3A, %get3A_0] : memref<1000x128xf32, #tpu.memory_space<vmem>>, vector<1000x128xf32>
    %get3A_2 = arith.constant 0 : index
    %get3A_3 = arith.constant 0 : index
    %get3A_4 = vector.load %arg2[%get3A_2, %get3A_3] : memref<1000x128xf32, #tpu.memory_space<vmem>>, vector<1000x128xf32>
    %get3A_5 = arith.constant 0 : index
    %get3A_6 = arith.constant 0 : index
    %get3A_7 = vector.load %arg3[%get3A_5, %get3A_6] : memref<1000x128xf32, #tpu.memory_space<vmem>>, vector<1000x128xf32>
    %add3A = arith.addf %get3A_4, %get3A_7 : vector<1000x128xf32>
    %add3A_8 = arith.addf %get3A_1, %add3A : vector<1000x128xf32>
    %custom_jvp_call3A = arith.constant 0.000000e+00 : f32
    %max3A = vector.broadcast %custom_jvp_call3A : f32 to vector<1000x128xf32>
    %max3A_9 = arith.maximumf %add3A_8, %max3A : vector<1000x128xf32>
    %sub3A = vector.broadcast %custom_jvp_call3A : f32 to vector<1000x128xf32>
    %sub3A_10 = arith.subf %add3A_8, %sub3A : vector<1000x128xf32>
    %ne3A = arith.cmpf one, %sub3A_10, %sub3A_10 : vector<1000x128xf32>
    %add3A_11 = vector.broadcast %custom_jvp_call3A : f32 to vector<1000x128xf32>
    %add3A_12 = arith.addf %add3A_8, %add3A_11 : vector<1000x128xf32>
    %abs3A = math.absf %sub3A_10 : vector<1000x128xf32>
    %neg3A = arith.constant 0.000000e+00 : f32
    %neg3A_13 = vector.broadcast %neg3A : f32 to vector<1000x128xf32>
    %neg3A_14 = arith.subf %neg3A_13, %abs3A : vector<1000x128xf32>
    %exp3A = math.exp %neg3A_14 : vector<1000x128xf32>
    %log1p3A = math.log1p %exp3A : vector<1000x128xf32>
    %add3A_15 = arith.addf %max3A_9, %log1p3A : vector<1000x128xf32>
    %select_n3A = arith.select %ne3A, %add3A_12, %add3A_15 : vector<1000x128xi1>, vector<1000x128xf32>
    %swap3A = arith.constant 0 : index
    %swap3A_16 = arith.constant 0 : index
    %swap3A_17 = vector.load %arg4[%swap3A, %swap3A_16] : memref<1000x128xf32, #tpu.memory_space<vmem>>, vector<1000x128xf32>
    tpu.vector_store %arg4[%swap3A, %swap3A_16], %select_n3A {strides = array<i32>} : memref<1000x128xf32, #tpu.memory_space<vmem>>, vector<1000x128xf32>,
    return
  }
  func.func @transform_0(%arg0: i32) -> (i32, i32) {
    %c0_i32 = arith.constant 0 : i32
    %c0_i32_0 = arith.constant 0 : i32
    return %arg0, %c0_i32 : i32, i32
  }
  func.func @transform_1(%arg0: i32) -> (i32, i32) {
    %c0_i32 = arith.constant 0 : i32
    %c0_i32_0 = arith.constant 0 : i32
    return %arg0, %c0_i32 : i32, i32
  }
  func.func @transform_2(%arg0: i32) -> (i32, i32) {
    %c0_i32 = arith.constant 0 : i32
    %c0_i32_0 = arith.constant 0 : i32
    return %arg0, %c0_i32 : i32, i32
  }
  func.func @transform_3(%arg0: i32) -> (i32, i32) {
    %c0_i32 = arith.constant 0 : i32
    %c0_i32_0 = arith.constant 0 : i32
    return %arg0, %c0_i32 : i32, i32
  }
}

</mosaic_0001>

<sc_bundles>
// kernel: kernel.10.cloned.1.call-start
scs
__scs_entry_jumppad:
0x0: {  	(pc) =	sbr.rel $0x88, $3  }
0x1: {  	(tag) =	ssettag $0x0;
	lr =	simm.s32 $0x1  }
0x2: {  	[smem:$0x3F8E] =	sst lr;
	_ =	strace $0xD0000000  }
0x3: {  	_ = 	snop  }
0x4: {  	_ = 	snop  }
0x5: {  	_ = 	snop  }
0x6: {  	_ = 	snop  }
0x7: {  	_ = 	snop  }
__scs_overlays_trampoline_lowered:
0x8: {  	[smem:$0x3F9D] =	sst s0  }
0x9: {  	[smem:$0x3F9E] =	sst s1  }
0xa: {  	[smem:$0x3F9F] =	sst s2  }
0xb: {  	[smem:$0x3FA0] =	sst s3  }
0xc: {  	[smem:$0x3FA1] =	sst s4  }
0xd: {  	[smem:$0x3FA2] =	sst s5  }
0xe: {  	[smem:$0x3FA3] =	sst s6  }
0xf: {  	[smem:$0x3FA4] =	sst s7  }
0x10: {  	[smem:$0x3FA5] =	sst s8  }
0x11: {  	[smem:$0x3FA6] =	sst s9;
	s0 =	simm.s32 @!p0 $0x0  }
0x12: {  	s1 =	sld [smem:$0x3F8C];
	s0 =	simm.s32 @p0 $0x1  }
0x13: {  	[smem:$0x3FA7] =	sst s0;
	s0 =	simm.s32 @!p1 $0x0  }
0x14: {  	s2 =	sld [smem:$0x3F8B];
	s0 =	simm.s32 @p1 $0x1  }
0x15: {  	[smem:$0x3FA8] =	sst s0;
	s0 =	simm.s32 @!p2 $0x0  }
0x16: {  	s3 =	sld [smem:$0x3FDB];
	s0 =	simm.s32 @p2 $0x1  }
0x17: {  	s4 =	simm.s32 $0x1BF5;
	[smem:$0x3FAA] =	sst s0  }
0x18: {  	s0 =	sld [smem:$0x3F8D];
	_ =	swait.ge [sflag:s4], $0x0  }
0x19: {  	s7 =	sld [smem:$0x3F8E]  }
0x1a: {  	s8 =	sadd.s32 $0xFFFFE003, lr  }
0x1b: {  	s9 =	sadd.s32 $0xFFFFFEF7, lr;
	s5 =	simm.s32 $0xFFFFFFFF;
	p2 =	slt.u32 s8, $0xFFFFF086  }
0x1c: {  	p1 =	slt.u32 s9, $0xF7A;
	s5 =	simm.s32 @!p2 $0x0  }
0x1d: {  	s5 =	simm.s32 @p1 $0x1;
	p0 =	seq.s32 s7, s2  }
0x1e: {  	s7 =	smul.u32 @!p0 $0xF7A, s2;
	p2 =	seq.s32 @!p0 s5, $0x0  }
0x1f: {  	s9 =	smul.u32 $0xF7A, s1;
	s8 =	simm.s32 @!p0 $0x1BF5;
	p2 =	por !p2, p0  }
0x20: {  	[sflag:s8] =	ssyncset.s32 @!p0 $0xFFFFF086;
	s6 =	sadd.s32 @!p0 s3, s7;
	s7 =	simm.s32 @!p0 $0x108  }
0x21: {  	s3 =	sadd.s32 s3, s9;
	s6 =	sadd.s32 @!p0 $0x88, s6;
	s7 =	simm.s32 @p2 $0x1082  }
0x22: {  	[simem:s7], [sflag:s8] =	dma.local @!p0 [hbm:s6], $0xF7A  }
0x23: {  	s9 =	sor.u32 $0xD0000000, s2;
	s6 =	simm.s32 $0x108;
	_ =	swait.ge @!p0 [sflag:s8], $0x0  }
0x24: {  	s3 =	sadd.s32 $0x88, s3;
	s6 =	simm.s32 @!p1 $0x1082;
	[sflag:s4] =	ssyncset.s32 $0xFFFFF086  }
0x25: {  	[simem:s6], [sflag:s4] =	dma.local [hbm:s3], $0xF7A  }
0x26: {  	[smem:$0x3F8E] =	sst s1;
	(tag) =	ssettag s2;
	_ =	strace s9  }
0x27: {  	s1 =	sld [smem:$0x3F9E]  }
0x28: {  	s2 =	sld [smem:$0x3F9F]  }
0x29: {  	s4 =	sld [smem:$0x3FA1]  }
0x2a: {  	p0 =	seq.s32 s5, $0x0;
	s5 =	sld [smem:$0x3FA2]  }
0x2b: {  	s6 =	sld [smem:$0x3FA3]  }
0x2c: {  	s7 =	sld [smem:$0x3FA4]  }
0x2d: {  	s3 =	simm.s32 $0x108;
	s8 =	sld [smem:$0x3FA5]  }
0x2e: {  	s3 =	simm.s32 @!p0 $0x1082;
	s9 =	sld [smem:$0x3FA6]  }
0x2f: {  	lr =	sadd.s32 s0, s3;
	s0 =	sld [smem:$0x3F9D]  }
0x30: {  	s3 =	sld [smem:$0x3FA0]  }
0x31: {  	[smem:$0x3FA9] =	sst s10  }
0x32: {  	s10 =	sld [smem:$0x3FA7];
	_ =	sdelay $0x3  }
0x33: {  	p0 =	seq.s32 s10, $0x1;
	s10 =	sld [smem:$0x3FA9];
	_ =	sdelay $0x3  }
0x34: {  	[smem:$0x3FA9] =	sst s10  }
0x35: {  	s10 =	sld [smem:$0x3FA8];
	_ =	sdelay $0x3  }
0x36: {  	p1 =	seq.s32 s10, $0x1;
	s10 =	sld [smem:$0x3FA9];
	_ =	sdelay $0x3  }
0x37: {  	[smem:$0x3FA9] =	sst s10  }
0x38: {  	s10 =	sld [smem:$0x3FAA]  }
0x39: {  	_ = 	snop;
	(pc) =	sbr.ind lr, $3  }
0x3a: {  	_ = 	snop  }
0x3b: {  	_ = 	snop  }
0x3c: {  	p2 =	seq.s32 s10, $0x1;
	s10 =	sld [smem:$0x3FA9]  }
0x3d: {  	_ =	shalt  }
0x3e: {  	_ =	shalt  }
0x3f: {  	_ =	shalt  }
0x40: {  	_ =	shalt  }
0x41: {  	_ =	shalt  }
0x42: {  	_ =	shalt  }
0x43: {  	_ =	shalt  }
0x44: {  	_ =	shalt  }
0x45: {  	_ =	shalt  }
0x46: {  	_ =	shalt  }
0x47: {  	_ =	shalt  }
0x48: {  	_ =	shalt  }
0x49: {  	_ =	shalt  }
0x4a: {  	_ =	shalt  }
0x4b: {  	_ =	shalt  }
0x4c: {  	_ =	shalt  }
0x4d: {  	_ =	shalt  }
0x4e: {  	_ =	shalt  }
0x4f: {  	_ =	shalt  }
0x50: {  	_ =	shalt  }
0x51: {  	_ =	shalt  }
0x52: {  	_ =	shalt  }
0x53: {  	_ =	shalt  }
0x54: {  	_ =	shalt  }
0x55: {  	_ =	shalt  }
0x56: {  	_ =	shalt  }
0x57: {  	_ =	shalt  }
0x58: {  	_ =	shalt  }
0x59: {  	_ =	shalt  }
0x5a: {  	_ =	shalt  }
0x5b: {  	_ =	shalt  }
0x5c: {  	_ =	shalt  }
0x5d: {  	_ =	shalt  }
0x5e: {  	_ =	shalt  }
0x5f: {  	_ =	shalt  }
0x60: {  	_ =	shalt  }
0x61: {  	_ =	shalt  }
0x62: {  	_ =	shalt  }
0x63: {  	_ =	shalt  }
0x64: {  	_ =	shalt  }
0x65: {  	_ =	shalt  }
0x66: {  	_ =	shalt  }
0x67: {  	_ =	shalt  }
0x68: {  	_ =	shalt  }
0x69: {  	_ =	shalt  }
0x6a: {  	_ =	shalt  }
0x6b: {  	_ =	shalt  }
0x6c: {  	_ =	shalt  }
0x6d: {  	_ =	shalt  }
0x6e: {  	_ =	shalt  }
0x6f: {  	_ =	shalt  }
0x70: {  	_ =	shalt  }
0x71: {  	_ =	shalt  }
0x72: {  	_ =	shalt  }
0x73: {  	_ =	shalt  }
0x74: {  	_ =	shalt  }
0x75: {  	_ =	shalt  }
0x76: {  	_ =	shalt  }
0x77: {  	_ =	shalt  }
0x78: {  	_ =	shalt  }
0x79: {  	_ =	shalt  }
0x7a: {  	_ =	shalt  }
0x7b: {  	_ =	shalt  }
0x7c: {  	_ =	shalt  }
0x7d: {  	_ =	shalt  }
0x7e: {  	_ =	shalt  }
0x7f: {  	_ =	shalt  }
0x80: {  	_ =	shalt  }
0x81: {  	_ =	shalt  }
0x82: {  	_ =	shalt  }
0x83: {  	_ =	shalt  }
0x84: {  	_ =	shalt  }
0x85: {  	_ =	shalt  }
0x86: {  	_ =	shalt  }
0x87: {  	_ =	shalt  }
.Lfunc_end0:
.L_simem_size_0:
called_computation.1_lowered:
.L_overlay_start_0:
0x88: {  	s2 =	sld [smem:$0x3FD9]  }
0x89: {  	s3 =	sld [smem:$0x3FFE];
	_ =	sdelay $0x1  }
0x8a: {  	s1 =	srdreg.scid  }
0x8b: {  	s0 =	sand.u32 $0x1, s1  }
0x8c: {  	s16 =	sshll.u32 s0, $0xA;
	s2 =	sadd.s32 s3, s2  }
0x8d: {  	s2 =	sadd.s32 s2, s16  }
0x8e: {  	[smem:$0x3FB5] =	sst s2  }
0x8f: {  	_ = 	snop  }
0x90: {  	(tm) =	ssettm $0x1  }
0x91: {  	s17 =	sld [smem:$0x3FFB];
	_ =	sdelay $0x3  }
0x92: {  	_ =	strace s17  }
0x93: {  	s2 =	sld [smem:$0x3FFC];
	_ =	sdelay $0x3  }
0x94: {  	_ =	strace s2  }
0x95: {  	s2 =	sld [smem:$0x3FFD];
	_ =	sdelay $0x3  }
0x96: {  	_ =	strace s2  }
0x97: {  	_ =	strace $0x8FFFFFFF  }
0x98: {  	s18 =	sld [smem:$0x3FDB];
	_ =	sdelay $0x1  }
0x99: {  	s19 =	simm.s32 $_scs_section_size  }
0x9a: {  	s4 =	simm.s32 $_size__tile_overlayer_lowered;
	s5 =	simm.s32 $_tile_overlayer_lowered  }
0x9b: {  	s22 =	simm.s32 $0x1BFF;
	s21 =	sshll.u32 s5, $0x1;
	s2 =	sadd.s32 s19, s18  }
0x9c: {  	s6 =	simm.s32 $0x0;
	s20 =	sshll.u32 s4, $0x1;
	s4 =	sadd.s32 s21, s2  }
0x9d: {  	[timem:s6], [sflag:s22] =	dma.local [hbm:s4], s20  }
0x9e: {  	_ =	swait.ge [sflag:s22], s20  }
0x9f: {  	s3 =	ssub.s32 $0x0, s20;
	[sflag:s22] =	ssyncset.done $0x0  }
0xa0: {  	[sflag:s22] =	ssyncadd.s32 s3;
	_ =	sdelay $0x1  }
0xa1: {  	s23 =	simm.s32 $0x1B8B  }
0xa2: {  	_ =	swait.ge [sflag:s23], $0x1  }
0xa3: {  	[sflag:s23] =	ssyncset.done $0x0  }
0xa4: {  	s25 =	simm.s32 $0x1B8E;
	s24 =	sld [smem:$0x3FFE];
	[sflag:s23] =	ssyncadd.s32 $0xFFFFFFFF  }
0xa5: {  	s26 =	simm.s32 $execute0_lowered;
	[smem:$0x3FD2] =	sst s25  }
0xa6: {  	s4 =	sshll.u32 s26, $0x1;
	_ =	strace $0x80000049;
	[dreg:$0x1] =	wrdreg $0xFFFFFFFF  }
0xa7: {  	s28 =	simm.s32 $_size_execute0_lowered;
	s2 =	sadd.s32 s2, s4;
	[dreg:$0x0] =	wrdreg $0x0  }
0xa8: {  	s4 =	sshll.u32 s28, $0x1;
	[dreg:$0x2] =	wrdreg s2  }
0xa9: {  	[dreg:$0x3] =	wrdreg s4  }
0xaa: {  	[dreg:$0x4] =	wrdreg $0xC0  }
0xab: {  	_ =	task [dreg:s6], $0x5FFFF  }
0xac: {  	[dreg:$0x1] =	wrdreg $0xFFFFFFFF  }
0xad: {  	[dreg:$0x0] =	wrdreg $0x60  }
0xae: {  	[dreg:$0x2] =	wrdreg s24  }
0xaf: {  	[dreg:$0x3] =	wrdreg $0xB0000  }
0xb0: {  	[dreg:$0x4] =	wrdreg $0x9  }
0xb1: {  	_ =	task.clear_ibuf [dreg:s6], $0x5FFFF;
	_ =	strace $0x90000049  }
0xb2: {  	s29 =	simm.s32 $0x9;
	_ =	strace $0x8000004B  }
0xb3: {  	_ =	swait.ge [sflag:s29], $0x1  }
0xb4: {  	[sflag:s29] =	ssyncadd.s32 $0xFFFFFFFF  }
0xb5: {  	_ =	strace $0x9000004B  }
0xb6: {  	_ =	sfence  }
0xb7: {  	s30 =	sld [smem:$0x0];
	_ =	sdelay $0x2  }
0xb8: {  	s31 =	sshll.u32 s1, $0xD;
	s1 =	sshrl.u32 s1, $0x2  }
0xb9: {  	s3 =	sand.u32 $0x4000, s31;
	s1 =	sadd.s32 s1, s30  }
0xba: {  	s0 =	sor.u32 s3, s0;
	s1 =	sshll.u32 s1, $0x11  }
0xbb: {  	s0 =	sor.u32 s1, s0  }
0xbc: {  	s0 =	sadd.s32 $0x8F2B, s0  }
0xbd: {  	[sflag:s0] =	ssyncadd.remote.s32 $0x1  }
0xbe: {  	_ =	sfence.sel $0xFFFF  }
0xbf: {  	[dreg:$0x0] =	wrdreg $0xFFFFFFFF;
	(pc) =	sbr.abs _section_cstart, $3  }
0xc0: {  	[dreg:$0x1] =	wrdreg $0xFFFFFFFF  }
0xc1: {  	_ =	task.clear_ibuf [dreg:s6], $0x2FFFF;
	_ =	strace $0x9FFFFFFF  }
0xc2: {  	(tm) =	ssettm $0x7FFFFFFF  }
0xc3: {  	_ =	shalt  }
tec
execute0_lowered:
.L_overlay_start_1:
0x0: {  	(tag) =	ssettag $0x1  }
0x1: {  	s0 =	rddreg [dreg:$0x0];
	s14 =	stileid.u32  }
0x2: {  	s1 =	rddreg [dreg:$0x1];
	s3 =	simm.s32 $0x0;
	s5 =	smul.u32 $0x2800, s14  }
0x3: {  	s2 =	srdreg.scid;
	s21 =	simm.s32 $0x3;
	s10 =	smul.u32 $0x50000, s14  }
0x4: {  	[smem:$0x7FF] =	sst s3;
	s2 =	sand.u32 $0x1, s2;
	s20 =	smul.u32 $0x4E200, s14  }
0x5: {  	s4 =	sshll.u32 s14, $0x1;
	s18 =	sadd.s32 $0x52BE00, s0;
	s6 =	smul.u32 $0x28000, s2  }
0x6: {  	s4 =	sor.u32 s2, s4;
	s8 =	ssub.s32 $0x2, s2;
	s2 =	smul.u32 $0x27100, s2  }
0x7: {  	s28 =	simm.s32 $0x2;
	_ =	strace $0x8000004A;
	s9 =	smul.u32 $0x138800, s4  }
0x8: {  	s7 =	sshll.u32 s4, $0xB;
	s22 =	sshrl.u32 s8, $0x1;
	s23 =	smul.u32 $0x27100, s4  }
0x9: {  	s25 =	sshrl.u32 s10, $0x2;
	s31 =	sadd.s32 s20, s18;
	s5 =	sadd.s32 s5, s6  }
0xa: {  	s7 =	sadd.s32 s7, s0;
	s19 =	ssub.s32 s8, s22;
	s22 =	simm.s32 $0x4000  }
0xb: {  	s0 =	sadd.s32 s5, s0;
	s24 =	sshrl.u32 s9, $0x3;
	s26 =	sadd.s32 $0x2C00, s7  }
0xc: {  	s5 =	sadd.s32 s25, s1;
	s6 =	sadd.s32 s18, s23;
	s23 =	simm.s32 $0x6800  }
0xd: {  	s25 =	simm.s32 $0x1;
	[dreg:$0x3] =	wrdreg s26;
	s29 =	sadd.s32 s18, s24  }
0xe: {  	s8 =	sadd.s32 $0x2000, s5;
	s9 =	sadd.s32 $0x4000, s5;
	s10 =	sadd.s32 $0x6000, s5  }
0xf: {  	s11 =	sadd.s32 $0x8000, s5;
	s12 =	sadd.s32 $0xA000, s5;
	s13 =	sadd.s32 $0xC000, s5  }
0x10: {  	s14 =	sadd.s32 $0xE000, s5;
	s15 =	sadd.s32 $0x10000, s5;
	s16 =	sadd.s32 $0x12000, s5  }
0x11: {  	s17 =	sadd.s32 $0x12C00, s0;
	s18 =	smax.u32 s19, $0x1;
	s19 =	sadd.s32 $0x26C00, s6  }
0x12: {  	s0 =	sadd.s32 s2, s31;
	s24 =	simm.s32 $0x9000;
	s26 =	simm.s32 $0x50  }
0x13: {  	v0 =	vimm.f32 $0.0e+00;
	s7 =	sadd.s32 $0x500, s29;
	s30 =	sadd.s32 $0xF00, s0;
	s0 =	simm.s32 $0x0  }
.LBB2_1:
0x14: {  	s2 =	rddreg [dreg:$0x3]  }
0x15: {  	[tilespmem:s3], [sflag:$0x3] =	stream.linear.gather [hbm4b:s2+s3], $0x3E80, $0x38;
	[tilespmem:$0x1F000] =	vst v63  }
0x16: {  	_ =	swait.ge [sflag:s21], $0x3E80  }
0x17: {  	[sflag:s21] =	ssyncset.done $0x0  }
0x18: {  	[sflag:s21] =	ssyncadd.s32 $0xFFFFC180  }
0x19: {  	[tilespmem:s22], [sflag:$0x1] =	stream.linear.gather [hbm4b:s6+s3], $0x2800, $0x38;
	[tilespmem:$0x1F000] =	vst v63  }
0x1a: {  	s20 =	simm.s32 $0x200;
	s2 =	simm.s32 $0x0  }
0x1b: {  	[tilespmem:s23], [sflag:$0x2] =	stream.linear.gather [hbm4b:s7+s3], $0x2800, $0x38;
	[tilespmem:$0x1F000] =	vst v63  }
.LBB2_2:
0x1c: {  	p0 =	sne.s32 s20, $0x7E00;
	[tilespmem:s2+$0x9070] =	vst v0  }
0x1d: {  	[tilespmem:s2+$0x9000] =	vst v0  }
0x1e: {  	[tilespmem:s2+$0x9010] =	vst v0  }
.Ltmp0:
0x1f: {  	[tilespmem:s2+$0x9020] =	vst v0;
	(pc) =	sbr.rel @p0 .LBB2_2-.Ltmp0, $4  }
0x20: {  	[tilespmem:s2+$0x9030] =	vst v0  }
0x21: {  	[tilespmem:s2+$0x9040] =	vst v0  }
0x22: {  	[tilespmem:s2+$0x9050] =	vst v0  }
0x23: {  	[tilespmem:s2+$0x9060] =	vst v0;
	s2 =	sshra.s32 s20, $0x2;
	s20 =	sadd.s32 $0x200, s20  }
0x24: {  	[tilespmem:s2+$0x9070] =	vst v0  }
0x25: {  	[tilespmem:s2+$0x9000] =	vst v0  }
0x26: {  	[tilespmem:s2+$0x9010] =	vst v0  }
0x27: {  	[tilespmem:s2+$0x9020] =	vst v0  }
0x28: {  	[tilespmem:s2+$0x9030] =	vst v0  }
0x29: {  	[tilespmem:s2+$0x9040] =	vst v0  }
0x2a: {  	[tilespmem:s2+$0x9050] =	vst v0  }
0x2b: {  	[tilespmem:s2+$0x9060] =	vst v0  }
0x2c: {  	[spmem:s5] =	stream.linear.scatter [tilespmem:s24], [sflag:$0x3], $0x2000, $0x38;
	[tilespmem:$0x1F000] =	vst v63  }
0x2d: {  	_ =	swait.ge [sflag:s21], $0x2000  }
0x2e: {  	[sflag:s21] =	ssyncset.done $0x0  }
0x2f: {  	[sflag:s21] =	ssyncadd.s32 $0xFFFFE000  }
0x30: {  	[spmem:s8] =	stream.linear.scatter [tilespmem:s24], [sflag:$0x3], $0x2000, $0x38;
	[tilespmem:$0x1F000] =	vst v63  }
0x31: {  	_ =	swait.ge [sflag:s21], $0x2000  }
0x32: {  	[sflag:s21] =	ssyncset.done $0x0  }
0x33: {  	[sflag:s21] =	ssyncadd.s32 $0xFFFFE000  }
0x34: {  	[spmem:s9] =	stream.linear.scatter [tilespmem:s24], [sflag:$0x3], $0x2000, $0x38;
	[tilespmem:$0x1F000] =	vst v63  }
0x35: {  	_ =	swait.ge [sflag:s21], $0x2000  }
0x36: {  	[sflag:s21] =	ssyncset.done $0x0  }
0x37: {  	[sflag:s21] =	ssyncadd.s32 $0xFFFFE000  }
0x38: {  	[spmem:s10] =	stream.linear.scatter [tilespmem:s24], [sflag:$0x3], $0x2000, $0x38;
	[tilespmem:$0x1F000] =	vst v63  }
0x39: {  	_ =	swait.ge [sflag:s21], $0x2000  }
0x3a: {  	[sflag:s21] =	ssyncset.done $0x0  }
0x3b: {  	[sflag:s21] =	ssyncadd.s32 $0xFFFFE000  }
0x3c: {  	[spmem:s11] =	stream.linear.scatter [tilespmem:s24], [sflag:$0x3], $0x2000, $0x38;
	[tilespmem:$0x1F000] =	vst v63  }
0x3d: {  	_ =	swait.ge [sflag:s21], $0x2000  }
0x3e: {  	[sflag:s21] =	ssyncset.done $0x0  }
0x3f: {  	[sflag:s21] =	ssyncadd.s32 $0xFFFFE000  }
0x40: {  	[spmem:s12] =	stream.linear.scatter [tilespmem:s24], [sflag:$0x3], $0x2000, $0x38;
	[tilespmem:$0x1F000] =	vst v63  }
0x41: {  	_ =	swait.ge [sflag:s21], $0x2000  }
0x42: {  	[sflag:s21] =	ssyncset.done $0x0  }
0x43: {  	[sflag:s21] =	ssyncadd.s32 $0xFFFFE000  }
0x44: {  	[spmem:s13] =	stream.linear.scatter [tilespmem:s24], [sflag:$0x3], $0x2000, $0x38;
	[tilespmem:$0x1F000] =	vst v63  }
0x45: {  	_ =	swait.ge [sflag:s21], $0x2000  }
0x46: {  	[sflag:s21] =	ssyncset.done $0x0  }
0x47: {  	[sflag:s21] =	ssyncadd.s32 $0xFFFFE000  }
0x48: {  	[spmem:s14] =	stream.linear.scatter [tilespmem:s24], [sflag:$0x3], $0x2000, $0x38;
	[tilespmem:$0x1F000] =	vst v63  }
0x49: {  	_ =	swait.ge [sflag:s21], $0x2000  }
0x4a: {  	[sflag:s21] =	ssyncset.done $0x0  }
0x4b: {  	[sflag:s21] =	ssyncadd.s32 $0xFFFFE000  }
0x4c: {  	[spmem:s15] =	stream.linear.scatter [tilespmem:s24], [sflag:$0x3], $0x2000, $0x38;
	[tilespmem:$0x1F000] =	vst v63  }
0x4d: {  	_ =	swait.ge [sflag:s21], $0x2000  }
0x4e: {  	[sflag:s21] =	ssyncset.done $0x0  }
0x4f: {  	[sflag:s21] =	ssyncadd.s32 $0xFFFFE000  }
0x50: {  	[spmem:s16] =	stream.linear.scatter [tilespmem:s24], [sflag:$0x3], $0x2000, $0x38;
	[tilespmem:$0x1F000] =	vst v63  }
0x51: {  	_ =	swait.ge [sflag:s21], $0x2000  }
0x52: {  	[sflag:s21] =	ssyncset.done $0x0  }
0x53: {  	[sflag:s21] =	ssyncadd.s32 $0xFFFFE000  }
0x54: {  	[bflag:$0x0] =	sbarrier.arrive $0xFFFF  }
0x55: {  	_ =	swait.ge [sflag:s25], $0x2800  }
0x56: {  	[sflag:s25] =	ssyncset.done $0x0  }
0x57: {  	s4 =	simm.s32 $0x0;
	[sflag:s25] =	ssyncadd.s32 $0xFFFFD800  }
0x58: {  	[spmem:s1] =	stream.indirect.scatter.add.f32 [tilespmem:s22], [sflag:$0x3], $0x80, s4, s26, $0xb8;
	[tilespmem:$0x1F000] =	vst v63  }
0x59: {  	_ =	swait.ge [sflag:s21], $0x2800  }
0x5a: {  	[sflag:s21] =	ssyncset.done $0x0  }
0x5b: {  	s20 =	sadd.s32 $0xFFFFFB00, s30;
	[sflag:s21] =	ssyncadd.s32 $0xFFFFD800  }
0x5c: {  	[tilespmem:s22], [sflag:$0x1] =	stream.linear.gather [hbm4b:s20+s3], $0x2800, $0x38;
	[tilespmem:$0x1F000] =	vst v63  }
0x5d: {  	_ =	swait.ge [sflag:s28], $0x2800  }
0x5e: {  	[sflag:s28] =	ssyncset.done $0x0  }
0x5f: {  	s31 =	simm.s32 $0x80;
	[sflag:s28] =	ssyncadd.s32 $0xFFFFD800  }
0x60: {  	[spmem:s1] =	stream.indirect.scatter.add.f32 [tilespmem:s23], [sflag:$0x3], $0x80, s31, s26, $0xb8;
	[tilespmem:$0x1F000] =	vst v63  }
0x61: {  	_ =	swait.ge [sflag:s21], $0x2800  }
0x62: {  	s2 =	simm.s32 $0x400;
	[sflag:s21] =	ssyncset.done $0x0  }
0x63: {  	s29 =	sadd.s32 $0xA00, s30;
	s20 =	smov.u32 s30;
	[sflag:s21] =	ssyncadd.s32 $0xFFFFD800  }
.LBB2_4:
0x64: {  	[tilespmem:s23], [sflag:$0x2] =	stream.linear.gather [hbm4b:s20+s3], $0x2800, $0x38;
	[tilespmem:$0x1F000] =	vst v63  }
0x65: {  	s31 =	smov.u32 s2;
	s20 =	smov.u32 s29  }
0x66: {  	p0 =	sne.s32 s2, $0xF000;
	s2 =	sadd.s32 $0x400, s2;
	_ =	swait.ge [sflag:s25], $0x2800  }
0x67: {  	[sflag:s25] =	ssyncset.done $0x0  }
0x68: {  	s31 =	sshra.s32 s31, $0x2;
	[sflag:s25] =	ssyncadd.s32 $0xFFFFD800  }
0x69: {  	[spmem:s1] =	stream.indirect.scatter.add.f32 [tilespmem:s22], [sflag:$0x3], $0x80, s31, s26, $0xb8;
	[tilespmem:$0x1F000] =	vst v63  }
0x6a: {  	_ =	swait.ge [sflag:s21], $0x2800  }
0x6b: {  	[sflag:s21] =	ssyncset.done $0x0  }
0x6c: {  	s4 =	sadd.s32 $0xFFFFFB00, s29;
	[sflag:s21] =	ssyncadd.s32 $0xFFFFD800  }
0x6d: {  	[tilespmem:s22], [sflag:$0x1] =	stream.linear.gather [hbm4b:s4+s3], $0x2800, $0x38;
	[tilespmem:$0x1F000] =	vst v63  }
0x6e: {  	_ =	swait.ge [sflag:s28], $0x2800  }
0x6f: {  	[sflag:s28] =	ssyncset.done $0x0  }
.Ltmp1:
0x70: {  	s4 =	sadd.s32 $0x80, s31;
	[sflag:s28] =	ssyncadd.s32 $0xFFFFD800;
	(pc) =	sbr.rel @p0 .LBB2_4-.Ltmp1, $4  }
0x71: {  	[spmem:s1] =	stream.indirect.scatter.add.f32 [tilespmem:s23], [sflag:$0x3], $0x80, s4, s26, $0xb8;
	[tilespmem:$0x1F000] =	vst v63  }
0x72: {  	_ =	swait.ge [sflag:s21], $0x2800  }
0x73: {  	[sflag:s21] =	ssyncset.done $0x0  }
0x74: {  	s29 =	sadd.s32 $0xA00, s29;
	[sflag:s21] =	ssyncadd.s32 $0xFFFFD800  }
0x75: {  	[tilespmem:s23], [sflag:$0x2] =	stream.linear.gather [hbm4b:s20+s3], $0x2800, $0x38;
	[tilespmem:$0x1F000] =	vst v63  }
0x76: {  	_ =	swait.ge [sflag:s25], $0x2800  }
0x77: {  	[sflag:s25] =	ssyncset.done $0x0  }
0x78: {  	s2 =	simm.s32 $0x3D00;
	[sflag:s25] =	ssyncadd.s32 $0xFFFFD800  }
0x79: {  	[spmem:s1] =	stream.indirect.scatter.add.f32 [tilespmem:s22], [sflag:$0x3], $0x80, s2, s26, $0xb8;
	[tilespmem:$0x1F000] =	vst v63  }
0x7a: {  	_ =	swait.ge [sflag:s21], $0x2800  }
0x7b: {  	[sflag:s21] =	ssyncset.done $0x0  }
0x7c: {  	[sflag:s21] =	ssyncadd.s32 $0xFFFFD800  }
0x7d: {  	[tilespmem:s22], [sflag:$0x1] =	stream.linear.gather [hbm4b:s19+s3], $0x2800, $0x38;
	[tilespmem:$0x1F000] =	vst v63  }
0x7e: {  	_ =	swait.ge [sflag:s28], $0x2800  }
0x7f: {  	[sflag:s28] =	ssyncset.done $0x0  }
0x80: {  	s20 =	simm.s32 $0x3D80;
	[sflag:s28] =	ssyncadd.s32 $0xFFFFD800  }
0x81: {  	[spmem:s1] =	stream.indirect.scatter.add.f32 [tilespmem:s23], [sflag:$0x3], $0x80, s20, s26, $0xb8;
	[tilespmem:$0x1F000] =	vst v63  }
0x82: {  	_ =	swait.ge [sflag:s21], $0x2800  }
0x83: {  	[sflag:s21] =	ssyncset.done $0x0  }
0x84: {  	[sflag:s21] =	ssyncadd.s32 $0xFFFFD800  }
0x85: {  	_ =	swait.ge [sflag:s25], $0x2800  }
0x86: {  	[sflag:s25] =	ssyncset.done $0x0  }
0x87: {  	s29 =	simm.s32 $0x3E00;
	[sflag:s25] =	ssyncadd.s32 $0xFFFFD800  }
0x88: {  	[spmem:s1] =	stream.indirect.scatter.add.f32 [tilespmem:s22], [sflag:$0x3], $0x80, s29, s26, $0xb8;
	[tilespmem:$0x1F000] =	vst v63  }
0x89: {  	s31 =	stileid.u32;
	_ =	swait.ge [sflag:s21], $0x2800  }
0x8a: {  	s4 =	sshrl.u32 s5, $0x3;
	s0 =	sadd.s32 $0x1, s0;
	[sflag:s21] =	ssyncset.done $0x0  }
0x8b: {  	p0 =	sne.s32 s0, s18;
	s2 =	sshll.u32 s31, $0x6;
	[sflag:s21] =	ssyncadd.s32 $0xFFFFD800  }
.Ltmp2:
0x8c: {  	s2 =	sor.u32 $0x1C03, s2;
	[bflag:$0x0] =	sbarrier.arrive $0xFFFF;
	(pc) =	sbr.rel @p0 .LBB2_1-.Ltmp2, $4  }
0x8d: {  	[hbm:s17], [sflag:s2] =	dma.local [spmem:s4], $0x2800  }
0x8e: {  	_ =	swait.ge [sflag:s21], $0x2800  }
0x8f: {  	[sflag:s21] =	ssyncset.done $0x0  }
0x90: {  	[sflag:s21] =	ssyncadd.s32 $0xFFFFD800  }
0x91: {  	_ =	sfence.sel $0x180000  }
0x92: {  	[bflag:$0x0] =	sbarrier.arrive $0xFFFF  }
0x93: {  	_ =	strace $0x9000004A  }
0x94: {  	s0 =	stileid.u32;
	[bflag:$0x2] =	sbarrier.arrive $0xFFFF  }
0x95: {  	p0 =	sne.s32 s0, $0x0;
	s0 =	rddreg [dreg:$0x2]  }
0x96: {  	s0 =	sadd.s32 @!p0 $0x100000, s0  }
0x97: {  	[sflag:s0] =	ssyncadd.tile.s32 @!p0 $0x1;
	_ =	shalt  }
.Lfunc_end2:
_tile_overlayer_lowered:
.L_overlay_start_2:
0x98: {  	(tag) =	ssettag $0x2  }
0x99: {  	s0 =	rddreg [dreg:$0x0];
	s2 =	stileid.u32  }
0x9a: {  	s1 =	rddreg [dreg:$0x1];
	p0 =	sne.s32 s2, $0x0  }
0x9b: {  	s3 =	rddreg [dreg:$0x2];
	[bflag:$0x3] =	sbarrier.arrive $0xFFFF;
	s2 =	simm.s32 @!p0 $0x1C03  }
0x9c: {  	[timem:s3], [sflag:s2] =	dma.local @!p0 [hbm:s0], s1  }
0x9d: {  	s0 =	simm.s32 @!p0 $0x3  }
0x9e: {  	_ =	swait.ge @!p0 [sflag:s0], s1  }
0x9f: {  	s1 =	ssub.s32 @!p0 $0x0, s1;
	[sflag:s0] =	ssyncset.done @!p0 $0x0  }
0xa0: {  	[sflag:s0] =	ssyncadd.s32 @!p0 s1  }
0xa1: {  	[bflag:$0x3] =	sbarrier.arrive $0xFFFF  }
0xa2: {  	_ =	shalt  }

// kernel: kernel.7.cloned.1.call-start
scs
__scs_entry_jumppad:
0x0: {  	(pc) =	sbr.rel $0x88, $3  }
0x1: {  	(tag) =	ssettag $0x0;
	lr =	simm.s32 $0x1  }
0x2: {  	[smem:$0x3F8E] =	sst lr;
	_ =	strace $0xD0000000  }
0x3: {  	_ = 	snop  }
0x4: {  	_ = 	snop  }
0x5: {  	_ = 	snop  }
0x6: {  	_ = 	snop  }
0x7: {  	_ = 	snop  }
__scs_overlays_trampoline_lowered:
0x8: {  	[smem:$0x3F9D] =	sst s0  }
0x9: {  	[smem:$0x3F9E] =	sst s1  }
0xa: {  	[smem:$0x3F9F] =	sst s2  }
0xb: {  	[smem:$0x3FA0] =	sst s3  }
0xc: {  	[smem:$0x3FA1] =	sst s4  }
0xd: {  	[smem:$0x3FA2] =	sst s5  }
0xe: {  	[smem:$0x3FA3] =	sst s6  }
0xf: {  	[smem:$0x3FA4] =	sst s7  }
0x10: {  	[smem:$0x3FA5] =	sst s8  }
0x11: {  	[smem:$0x3FA6] =	sst s9;
	s0 =	simm.s32 @!p0 $0x0  }
0x12: {  	s1 =	sld [smem:$0x3F8C];
	s0 =	simm.s32 @p0 $0x1  }
0x13: {  	[smem:$0x3FA7] =	sst s0;
	s0 =	simm.s32 @!p1 $0x0  }
0x14: {  	s2 =	sld [smem:$0x3F8B];
	s0 =	simm.s32 @p1 $0x1  }
0x15: {  	[smem:$0x3FA8] =	sst s0;
	s0 =	simm.s32 @!p2 $0x0  }
0x16: {  	s3 =	sld [smem:$0x3FDB];
	s0 =	simm.s32 @p2 $0x1  }
0x17: {  	s4 =	simm.s32 $0x1BF5;
	[smem:$0x3FAA] =	sst s0  }
0x18: {  	s0 =	sld [smem:$0x3F8D];
	_ =	swait.ge [sflag:s4], $0x0  }
0x19: {  	s7 =	sld [smem:$0x3F8E]  }
0x1a: {  	s8 =	sadd.s32 $0xFFFFE003, lr  }
0x1b: {  	s9 =	sadd.s32 $0xFFFFFEF7, lr;
	s5 =	simm.s32 $0xFFFFFFFF;
	p2 =	slt.u32 s8, $0xFFFFF086  }
0x1c: {  	p1 =	slt.u32 s9, $0xF7A;
	s5 =	simm.s32 @!p2 $0x0  }
0x1d: {  	s5 =	simm.s32 @p1 $0x1;
	p0 =	seq.s32 s7, s2  }
0x1e: {  	s7 =	smul.u32 @!p0 $0xF7A, s2;
	p2 =	seq.s32 @!p0 s5, $0x0  }
0x1f: {  	s9 =	smul.u32 $0xF7A, s1;
	s8 =	simm.s32 @!p0 $0x1BF5;
	p2 =	por !p2, p0  }
0x20: {  	[sflag:s8] =	ssyncset.s32 @!p0 $0xFFFFF086;
	s6 =	sadd.s32 @!p0 s3, s7;
	s7 =	simm.s32 @!p0 $0x108  }
0x21: {  	s3 =	sadd.s32 s3, s9;
	s6 =	sadd.s32 @!p0 $0x88, s6;
	s7 =	simm.s32 @p2 $0x1082  }
0x22: {  	[simem:s7], [sflag:s8] =	dma.local @!p0 [hbm:s6], $0xF7A  }
0x23: {  	s9 =	sor.u32 $0xD0000000, s2;
	s6 =	simm.s32 $0x108;
	_ =	swait.ge @!p0 [sflag:s8], $0x0  }
0x24: {  	s3 =	sadd.s32 $0x88, s3;
	s6 =	simm.s32 @!p1 $0x1082;
	[sflag:s4] =	ssyncset.s32 $0xFFFFF086  }
0x25: {  	[simem:s6], [sflag:s4] =	dma.local [hbm:s3], $0xF7A  }
0x26: {  	[smem:$0x3F8E] =	sst s1;
	(tag) =	ssettag s2;
	_ =	strace s9  }
0x27: {  	s1 =	sld [smem:$0x3F9E]  }
0x28: {  	s2 =	sld [smem:$0x3F9F]  }
0x29: {  	s4 =	sld [smem:$0x3FA1]  }
0x2a: {  	p0 =	seq.s32 s5, $0x0;
	s5 =	sld [smem:$0x3FA2]  }
0x2b: {  	s6 =	sld [smem:$0x3FA3]  }
0x2c: {  	s7 =	sld [smem:$0x3FA4]  }
0x2d: {  	s3 =	simm.s32 $0x108;
	s8 =	sld [smem:$0x3FA5]  }
0x2e: {  	s3 =	simm.s32 @!p0 $0x1082;
	s9 =	sld [smem:$0x3FA6]  }
0x2f: {  	lr =	sadd.s32 s0, s3;
	s0 =	sld [smem:$0x3F9D]  }
0x30: {  	s3 =	sld [smem:$0x3FA0]  }
0x31: {  	[smem:$0x3FA9] =	sst s10  }
0x32: {  	s10 =	sld [smem:$0x3FA7];
	_ =	sdelay $0x3  }
0x33: {  	p0 =	seq.s32 s10, $0x1;
	s10 =	sld [smem:$0x3FA9];
	_ =	sdelay $0x3  }
0x34: {  	[smem:$0x3FA9] =	sst s10  }
0x35: {  	s10 =	sld [smem:$0x3FA8];
	_ =	sdelay $0x3  }
0x36: {  	p1 =	seq.s32 s10, $0x1;
	s10 =	sld [smem:$0x3FA9];
	_ =	sdelay $0x3  }
0x37: {  	[smem:$0x3FA9] =	sst s10  }
0x38: {  	s10 =	sld [smem:$0x3FAA]  }
0x39: {  	_ = 	snop;
	(pc) =	sbr.ind lr, $3  }
0x3a: {  	_ = 	snop  }
0x3b: {  	_ = 	snop  }
0x3c: {  	p2 =	seq.s32 s10, $0x1;
	s10 =	sld [smem:$0x3FA9]  }
0x3d: {  	_ =	shalt  }
0x3e: {  	_ =	shalt  }
0x3f: {  	_ =	shalt  }
0x40: {  	_ =	shalt  }
0x41: {  	_ =	shalt  }
0x42: {  	_ =	shalt  }
0x43: {  	_ =	shalt  }
0x44: {  	_ =	shalt  }
0x45: {  	_ =	shalt  }
0x46: {  	_ =	shalt  }
0x47: {  	_ =	shalt  }
0x48: {  	_ =	shalt  }
0x49: {  	_ =	shalt  }
0x4a: {  	_ =	shalt  }
0x4b: {  	_ =	shalt  }
0x4c: {  	_ =	shalt  }
0x4d: {  	_ =	shalt  }
0x4e: {  	_ =	shalt  }
0x4f: {  	_ =	shalt  }
0x50: {  	_ =	shalt  }
0x51: {  	_ =	shalt  }
0x52: {  	_ =	shalt  }
0x53: {  	_ =	shalt  }
0x54: {  	_ =	shalt  }
0x55: {  	_ =	shalt  }
0x56: {  	_ =	shalt  }
0x57: {  	_ =	shalt  }
0x58: {  	_ =	shalt  }
0x59: {  	_ =	shalt  }
0x5a: {  	_ =	shalt  }
0x5b: {  	_ =	shalt  }
0x5c: {  	_ =	shalt  }
0x5d: {  	_ =	shalt  }
0x5e: {  	_ =	shalt  }
0x5f: {  	_ =	shalt  }
0x60: {  	_ =	shalt  }
0x61: {  	_ =	shalt  }
0x62: {  	_ =	shalt  }
0x63: {  	_ =	shalt  }
0x64: {  	_ =	shalt  }
0x65: {  	_ =	shalt  }
0x66: {  	_ =	shalt  }
0x67: {  	_ =	shalt  }
0x68: {  	_ =	shalt  }
0x69: {  	_ =	shalt  }
0x6a: {  	_ =	shalt  }
0x6b: {  	_ =	shalt  }
0x6c: {  	_ =	shalt  }
0x6d: {  	_ =	shalt  }
0x6e: {  	_ =	shalt  }
0x6f: {  	_ =	shalt  }
0x70: {  	_ =	shalt  }
0x71: {  	_ =	shalt  }
0x72: {  	_ =	shalt  }
0x73: {  	_ =	shalt  }
0x74: {  	_ =	shalt  }
0x75: {  	_ =	shalt  }
0x76: {  	_ =	shalt  }
0x77: {  	_ =	shalt  }
0x78: {  	_ =	shalt  }
0x79: {  	_ =	shalt  }
0x7a: {  	_ =	shalt  }
0x7b: {  	_ =	shalt  }
0x7c: {  	_ =	shalt  }
0x7d: {  	_ =	shalt  }
0x7e: {  	_ =	shalt  }
0x7f: {  	_ =	shalt  }
0x80: {  	_ =	shalt  }
0x81: {  	_ =	shalt  }
0x82: {  	_ =	shalt  }
0x83: {  	_ =	shalt  }
0x84: {  	_ =	shalt  }
0x85: {  	_ =	shalt  }
0x86: {  	_ =	shalt  }
0x87: {  	_ =	shalt  }
.Lfunc_end0:
.L_simem_size_0:
called_computation_lowered:
.L_overlay_start_0:
0x88: {  	s2 =	sld [smem:$0x3FD9]  }
0x89: {  	s3 =	sld [smem:$0x3FFE];
	_ =	sdelay $0x1  }
0x8a: {  	s1 =	srdreg.scid  }
0x8b: {  	s0 =	sand.u32 $0x1, s1  }
0x8c: {  	s17 =	sshll.u32 s0, $0xA;
	s2 =	sadd.s32 s3, s2  }
0x8d: {  	s2 =	sadd.s32 s2, s17  }
0x8e: {  	[smem:$0x3FB5] =	sst s2  }
0x8f: {  	_ = 	snop  }
0x90: {  	s2 =	sld [smem:$0x3FD0];
	(tm) =	ssettm $0x1  }
0x91: {  	s18 =	sld [smem:$0x3FFB];
	_ =	sdelay $0x3  }
0x92: {  	_ =	strace s18  }
0x93: {  	s3 =	sld [smem:$0x3FFC];
	_ =	sdelay $0x3  }
0x94: {  	_ =	strace s3  }
0x95: {  	s3 =	sld [smem:$0x3FFD];
	_ =	sdelay $0x3  }
0x96: {  	_ =	strace s3  }
0x97: {  	_ =	strace $0x8FFFFFFF  }
0x98: {  	s19 =	sld [smem:$0x3FDB];
	_ =	sdelay $0x1  }
0x99: {  	s4 =	simm.s32 $_scs_section_size  }
0x9a: {  	s5 =	simm.s32 $_size__tile_overlayer_lowered;
	s6 =	simm.s32 $_tile_overlayer_lowered  }
0x9b: {  	s22 =	simm.s32 $0x1BFF;
	s21 =	sshll.u32 s6, $0x1;
	s3 =	sadd.s32 s4, s19  }
0x9c: {  	s7 =	simm.s32 $0x0;
	s20 =	sshll.u32 s5, $0x1;
	s5 =	sadd.s32 s21, s3  }
0x9d: {  	[timem:s7], [sflag:s22] =	dma.local [hbm:s5], s20  }
0x9e: {  	_ =	swait.ge [sflag:s22], s20  }
0x9f: {  	s4 =	ssub.s32 $0x0, s20;
	[sflag:s22] =	ssyncset.done $0x0  }
0xa0: {  	[sflag:s22] =	ssyncadd.s32 s4;
	_ =	sdelay $0x1  }
0xa1: {  	s23 =	simm.s32 $0x1B8B  }
0xa2: {  	_ =	swait.ge [sflag:s23], $0x1  }
0xa3: {  	[sflag:s23] =	ssyncset.done $0x0  }
0xa4: {  	s25 =	simm.s32 $0x1B8E;
	s24 =	sld [smem:$0x3FFE];
	[sflag:s23] =	ssyncadd.s32 $0xFFFFFFFF  }
0xa5: {  	s26 =	simm.s32 $execute0_lowered;
	[smem:$0x3FD2] =	sst s25  }
0xa6: {  	s5 =	sshll.u32 s26, $0x1;
	_ =	strace $0x80000046;
	[dreg:$0x1] =	wrdreg $0xFFFFFFFF  }
0xa7: {  	s28 =	simm.s32 $_size_execute0_lowered;
	s3 =	sadd.s32 s3, s5;
	[dreg:$0x0] =	wrdreg $0x0  }
0xa8: {  	s5 =	sshll.u32 s28, $0x1;
	[dreg:$0x2] =	wrdreg s3  }
0xa9: {  	[dreg:$0x3] =	wrdreg s5  }
0xaa: {  	[dreg:$0x4] =	wrdreg $0xC0  }
0xab: {  	_ =	task [dreg:s7], $0x5FFFF  }
0xac: {  	[dreg:$0x1] =	wrdreg $0xFFFFFFFF  }
0xad: {  	[dreg:$0x0] =	wrdreg $0x60  }
0xae: {  	[dreg:$0x2] =	wrdreg s2  }
0xaf: {  	[dreg:$0x3] =	wrdreg s24  }
0xb0: {  	[dreg:$0x4] =	wrdreg $0x9  }
0xb1: {  	_ =	task.clear_ibuf [dreg:s7], $0x5FFFF;
	_ =	strace $0x90000046  }
0xb2: {  	s29 =	simm.s32 $0x9;
	_ =	strace $0x80000048  }
0xb3: {  	_ =	swait.ge [sflag:s29], $0x1  }
0xb4: {  	[sflag:s29] =	ssyncadd.s32 $0xFFFFFFFF  }
0xb5: {  	_ =	strace $0x90000048  }
0xb6: {  	_ =	sfence  }
0xb7: {  	s30 =	sld [smem:$0x0];
	_ =	sdelay $0x2  }
0xb8: {  	s31 =	sshll.u32 s1, $0xD;
	s1 =	sshrl.u32 s1, $0x2  }
0xb9: {  	s3 =	sand.u32 $0x4000, s31;
	s1 =	sadd.s32 s1, s30  }
0xba: {  	s0 =	sor.u32 s3, s0;
	s1 =	sshll.u32 s1, $0x11  }
0xbb: {  	s0 =	sor.u32 s1, s0  }
0xbc: {  	s0 =	sadd.s32 $0x8F2B, s0  }
0xbd: {  	[sflag:s0] =	ssyncadd.remote.s32 $0x1  }
0xbe: {  	_ =	sfence.sel $0xFFFF  }
0xbf: {  	[dreg:$0x0] =	wrdreg $0xFFFFFFFF;
	(pc) =	sbr.abs _section_cstart, $3  }
0xc0: {  	[dreg:$0x1] =	wrdreg $0xFFFFFFFF  }
0xc1: {  	_ =	task.clear_ibuf [dreg:s7], $0x2FFFF;
	_ =	strace $0x9FFFFFFF  }
0xc2: {  	(tm) =	ssettm $0x7FFFFFFF  }
0xc3: {  	_ =	shalt  }
tec
execute0_lowered:
.L_overlay_start_1:
0x0: {  	(tag) =	ssettag $0x1  }
0x1: {  	s2 =	rddreg [dreg:$0x0]  }
0x2: {  	s0 =	rddreg [dreg:$0x1]  }
0x3: {  	s1 =	srdreg.scid;
	s4 =	stileid.u32  }
0x4: {  	s3 =	simm.s32 $0x0;
	s12 =	simm.s32 $0x5;
	s14 =	simm.s32 $0x50  }
0x5: {  	s15 =	simm.s32 $0x8000;
	s16 =	simm.s32 $0xA800;
	s21 =	simm.s32 $0x1  }
0x6: {  	s22 =	simm.s32 $0x12000;
	s23 =	simm.s32 $0x2;
	s24 =	simm.s32 $0x14800  }
0x7: {  	s25 =	simm.s32 $0x3;
	s26 =	simm.s32 $0x4;
	s28 =	simm.s32 $0x0  }
0x8: {  	s1 =	sand.u32 $0x1, s1;
	s4 =	sshll.u32 s4, $0x1;
	[smem:$0x7FF] =	sst s3  }
0x9: {  	s6 =	sor.u32 s1, s4;
	_ =	strace $0x80000047;
	s4 =	sadd.s32 $0x22C00, s0  }
0xa: {  	s1 =	ssub.s32 $0x2, s1;
	s5 =	sshll.u32 s6, $0xB;
	s9 =	smul.u32 $0x138800, s6  }
0xb: {  	s30 =	sshrl.u32 s1, $0x1;
	s6 =	smul.u32 $0x2710, s6;
	s8 =	sadd.s32 s5, s0  }
0xc: {  	s5 =	sadd.s32 $0x49E00, s0;
	s0 =	ssub.s32 s1, s30;
	s31 =	sshrl.u32 s9, $0x3  }
0xd: {  	s7 =	sadd.s32 $0x12C00, s8;
	s8 =	sadd.s32 $0x2C00, s8;
	s1 =	sadd.s32 s5, s31  }
0xe: {  	s9 =	sadd.s32 $0x50, s6;
	s11 =	smax.u32 s0, $0x1;
	s10 =	sadd.s32 $0x26C00, s1  }
.LBB2_1:
0xf: {  	[tilespmem:s3], [sflag:$0x5] =	stream.linear.gather [hbm4b:s7+s3], $0x3E80, $0x38;
	[tilespmem:$0x17000] =	vst v63  }
0x10: {  	_ =	swait.ge [sflag:s12], $0x3E80  }
0x11: {  	[sflag:s12] =	ssyncset.done $0x0  }
0x12: {  	s0 =	simm.s32 $0x4000;
	[sflag:s12] =	ssyncadd.s32 $0xFFFFC180  }
0x13: {  	[tilespmem:s0], [sflag:$0x5] =	stream.linear.gather [hbm4b:s8+s3], $0x3E80, $0x38;
	[tilespmem:$0x17000] =	vst v63  }
0x14: {  	_ =	swait.ge [sflag:s12], $0x3E80  }
0x15: {  	[sflag:s12] =	ssyncset.done $0x0  }
0x16: {  	[sflag:s12] =	ssyncadd.s32 $0xFFFFC180  }
0x17: {  	[tilespmem:s15], [sflag:$0x1] =	stream.indirect.gather [hbm4b:s2+s14], $0x80, s3, s14, $0xb8;
	[tilespmem:$0x17000] =	vst v63  }
0x18: {  	_ = 	snop  }
0x19: {  	[tilespmem:s16], [sflag:$0x1] =	stream.indirect.gather [hbm4b:s4+s14], $0x80, s0, s14, $0xb8;
	[tilespmem:$0x17000] =	vst v63  }
0x1a: {  	s20 =	simm.s32 $0x80;
	s1 =	simm.s32 $0xD000  }
0x1b: {  	[tilespmem:s1], [sflag:$0x2] =	stream.indirect.gather [hbm4b:s2+s14], $0x80, s20, s14, $0xb8;
	[tilespmem:$0x17000] =	vst v63  }
0x1c: {  	s30 =	simm.s32 $0x4080;
	s31 =	simm.s32 $0xF800;
	s29 =	simm.s32 $0x0  }
0x1d: {  	[tilespmem:s31], [sflag:$0x2] =	stream.indirect.gather [hbm4b:s4+s14], $0x80, s30, s14, $0xb8;
	[tilespmem:$0x17000] =	vst v63  }
.LBB2_2:
0x1e: {  	_ =	swait.ge [sflag:s21], $0x2800  }
0x1f: {  	[sflag:s21] =	ssyncset.done $0x0  }
0x20: {  	[sflag:s21] =	ssyncadd.s32 $0xFFFFD800  }
0x21: {  	_ =	swait.ge [sflag:s21], $0x2800  }
0x22: {  	p0 =	seq.s32 s29, $0x0;
	[sflag:s21] =	ssyncset.done $0x0  }
0x23: {  	s0 =	simm.s32 @!p0 $0x3;
	[sflag:s21] =	ssyncadd.s32 $0xFFFFD800  }
0x24: {  	_ =	swait.ge @!p0 [sflag:s0], $0x2800  }
0x25: {  	[sflag:s0] =	ssyncset.done @!p0 $0x0  }
0x26: {  	s31 =	simm.s32 $0x8100;
	[sflag:s0] =	ssyncadd.s32 @!p0 $0xFFFFD800  }
0x27: {  	s0 =	simm.s32 $0xA900;
	v0 =	vld [tilespmem:s31+$0x80]  }
0x28: {  	v1 =	vld [tilespmem:s0+$0x80];
	_ =	sdelay $0x2  }
0x29: {  	v2 =	vld [tilespmem:s31+$0xFFFFFF80]  }
0x2a: {  	v3 =	vld [tilespmem:s0+$0xFFFFFF80]  }
0x2b: {  	v4 =	vld [tilespmem:s0+$0xFFFFFF00];
	v0 =	vmul.f32 v1, v0  }
0x2c: {  	s1 =	simm.s32 $0x12100;
	v1 =	vld [tilespmem:s31+$0xFFFFFF00]  }
0x2d: {  	[tilespmem:s1+$0x80] =	vst v0  }
0x2e: {  	v0 =	vld [tilespmem:s31+$0x90]  }
0x2f: {  	v2 =	vmul.f32 v3, v2;
	v3 =	vld [tilespmem:s0+$0x90]  }
0x30: {  	v5 =	vld [tilespmem:s31+$0x0]  }
0x31: {  	v6 =	vld [tilespmem:s0+$0x0];
	[tilespmem:s1+$0xFFFFFF80] =	vst v2;
	v1 =	vmul.f32 v4, v1  }
0x32: {  	v2 =	vld [tilespmem:s31+$0xFFFFFF90]  }
0x33: {  	v4 =	vld [tilespmem:s0+$0xFFFFFF90];
	[tilespmem:s1+$0xFFFFFF00] =	vst v1  }
0x34: {  	v1 =	vld [tilespmem:s31+$0xFFFFFF10];
	v0 =	vmul.f32 v3, v0  }
0x35: {  	v3 =	vld [tilespmem:s0+$0xFFFFFF10]  }
0x36: {  	v5 =	vmul.f32 v6, v5;
	[tilespmem:s1+$0x90] =	vst v0  }
0x37: {  	v0 =	vld [tilespmem:s31+$0xA0]  }
0x38: {  	[tilespmem:s1+$0x0] =	vst v5;
	v2 =	vmul.f32 v4, v2;
	v4 =	vld [tilespmem:s0+$0xA0]  }
0x39: {  	v5 =	vld [tilespmem:s31+$0x10]  }
0x3a: {  	v6 =	vld [tilespmem:s0+$0x10];
	[tilespmem:s1+$0xFFFFFF90] =	vst v2;
	v1 =	vmul.f32 v3, v1  }
0x3b: {  	v2 =	vld [tilespmem:s31+$0xFFFFFFA0]  }
0x3c: {  	v3 =	vld [tilespmem:s0+$0xFFFFFFA0];
	[tilespmem:s1+$0xFFFFFF10] =	vst v1  }
0x3d: {  	v1 =	vld [tilespmem:s31+$0xFFFFFF20];
	v0 =	vmul.f32 v4, v0  }
0x3e: {  	v4 =	vld [tilespmem:s0+$0xFFFFFF20]  }
0x3f: {  	v5 =	vmul.f32 v6, v5;
	[tilespmem:s1+$0xA0] =	vst v0  }
0x40: {  	v0 =	vld [tilespmem:s31+$0xB0]  }
0x41: {  	[tilespmem:s1+$0x10] =	vst v5;
	v2 =	vmul.f32 v3, v2;
	v3 =	vld [tilespmem:s0+$0xB0]  }
0x42: {  	v5 =	vld [tilespmem:s31+$0x20]  }
0x43: {  	[tilespmem:s1+$0xFFFFFFA0] =	vst v2;
	v2 =	vld [tilespmem:s0+$0x20];
	v1 =	vmul.f32 v4, v1  }
0x44: {  	v4 =	vld [tilespmem:s31+$0xFFFFFFB0]  }
0x45: {  	v6 =	vld [tilespmem:s0+$0xFFFFFFB0];
	[tilespmem:s1+$0xFFFFFF20] =	vst v1  }
0x46: {  	v1 =	vld [tilespmem:s31+$0xFFFFFF30];
	v0 =	vmul.f32 v3, v0  }
0x47: {  	v3 =	vld [tilespmem:s0+$0xFFFFFF30]  }
0x48: {  	v2 =	vmul.f32 v2, v5;
	[tilespmem:s1+$0xB0] =	vst v0  }
0x49: {  	v0 =	vld [tilespmem:s31+$0xC0]  }
0x4a: {  	v4 =	vmul.f32 v6, v4;
	[tilespmem:s1+$0x20] =	vst v2;
	v2 =	vld [tilespmem:s0+$0xC0]  }
0x4b: {  	v5 =	vld [tilespmem:s31+$0x30]  }
0x4c: {  	[tilespmem:s1+$0xFFFFFFB0] =	vst v4;
	v1 =	vmul.f32 v3, v1;
	v3 =	vld [tilespmem:s0+$0x30]  }
0x4d: {  	v4 =	vld [tilespmem:s31+$0xFFFFFFC0]  }
0x4e: {  	[tilespmem:s1+$0xFFFFFF30] =	vst v1;
	v1 =	vld [tilespmem:s0+$0xFFFFFFC0]  }
0x4f: {  	v6 =	vld [tilespmem:s31+$0xFFFFFF40];
	v0 =	vmul.f32 v2, v0  }
0x50: {  	v2 =	vld [tilespmem:s0+$0xFFFFFF40]  }
0x51: {  	v3 =	vmul.f32 v3, v5;
	[tilespmem:s1+$0xC0] =	vst v0  }
0x52: {  	v0 =	vld [tilespmem:s31+$0xD0]  }
0x53: {  	v1 =	vmul.f32 v1, v4;
	[tilespmem:s1+$0x30] =	vst v3;
	v3 =	vld [tilespmem:s0+$0xD0]  }
0x54: {  	v4 =	vld [tilespmem:s31+$0x40]  }
0x55: {  	v2 =	vmul.f32 v2, v6;
	[tilespmem:s1+$0xFFFFFFC0] =	vst v1;
	v1 =	vld [tilespmem:s0+$0x40]  }
0x56: {  	v5 =	vld [tilespmem:s31+$0xFFFFFFD0]  }
0x57: {  	[tilespmem:s1+$0xFFFFFF40] =	vst v2;
	v2 =	vld [tilespmem:s0+$0xFFFFFFD0]  }
0x58: {  	v6 =	vld [tilespmem:s31+$0xFFFFFF50];
	v0 =	vmul.f32 v3, v0  }
0x59: {  	v3 =	vld [tilespmem:s0+$0xFFFFFF50]  }
0x5a: {  	v1 =	vmul.f32 v1, v4;
	[tilespmem:s1+$0xD0] =	vst v0  }
0x5b: {  	v7 =	vld [tilespmem:s31+$0xE0]  }
0x5c: {  	v0 =	vmul.f32 v2, v5;
	v5 =	vld [tilespmem:s0+$0xE0];
	[tilespmem:s1+$0x40] =	vst v1  }
0x5d: {  	v1 =	vld [tilespmem:s31+$0x50]  }
0x5e: {  	v2 =	vmul.f32 v3, v6;
	[tilespmem:s1+$0xFFFFFFD0] =	vst v0;
	v4 =	vld [tilespmem:s0+$0x50]  }
0x5f: {  	v0 =	vld [tilespmem:s31+$0xFFFFFFE0]  }
0x60: {  	v3 =	vld [tilespmem:s0+$0xFFFFFFE0];
	[tilespmem:s1+$0xFFFFFF50] =	vst v2  }
0x61: {  	s30 =	sshll.u32 s29, $0x8;
	s18 =	simm.s32 $0x0;
	v2 =	vld [tilespmem:s31+$0xFFFFFF60];
	v6 =	vmul.f32 v5, v7  }
0x62: {  	s19 =	simm.s32 $0x8300;
	s20 =	simm.s32 $0xA900;
	s17 =	simm.s32 $0x12100;
	v5 =	vld [tilespmem:s0+$0xFFFFFF60]  }
.LBB2_3:
0x63: {  	v7 =	vld [tilespmem:s19+$0x80];
	v1 =	vmul.f32 v4, v1;
	[tilespmem:s1+$0xE0] =	vst v6  }
0x64: {  	v4 =	vld [tilespmem:s31+$0xF0]  }
0x65: {  	s20 =	sadd.s32 $0x200, s20;
	v0 =	vmul.f32 v3, v0;
	[tilespmem:s1+$0x50] =	vst v1;
	v1 =	vld [tilespmem:s0+$0xF0]  }
0x66: {  	v3 =	vld [tilespmem:s20+$0x80]  }
0x67: {  	v6 =	vld [tilespmem:s20+$0xFFFFFF00];
	v2 =	vmul.f32 v5, v2;
	[tilespmem:s1+$0xFFFFFFE0] =	vst v0  }
0x68: {  	v0 =	vld [tilespmem:s19+$0xFFFFFF80]  }
0x69: {  	v5 =	vld [tilespmem:s20+$0xFFFFFF80];
	[tilespmem:s1+$0xFFFFFF60] =	vst v2  }
0x6a: {  	v2 =	vld [tilespmem:s19+$0x0];
	v1 =	vmul.f32 v1, v4  }
0x6b: {  	v4 =	vld [tilespmem:s20+$0x0];
	v3 =	vmul.f32 v3, v7  }
0x6c: {  	s1 =	sadd.s32 $0x200, s1;
	v7 =	vld [tilespmem:s19+$0xFFFFFF00];
	[tilespmem:s17+$0xF0] =	vst v1  }
0x6d: {  	s18 =	sadd.s32 $0x4, s18;
	[tilespmem:s1+$0x80] =	vst v3;
	v1 =	vld [tilespmem:s31+$0x60]  }
0x6e: {  	p1 =	slt.u32 s18, $0x4C;
	v0 =	vmul.f32 v5, v0;
	v3 =	vld [tilespmem:s19+$0x90]  }
0x6f: {  	v5 =	vld [tilespmem:s20+$0x90]  }
0x70: {  	[tilespmem:s1+$0xFFFFFF80] =	vst v0;
	v0 =	vmul.f32 v4, v2;
	v2 =	vld [tilespmem:s0+$0x60]  }
0x71: {  	v4 =	vmul.f32 v6, v7;
	v6 =	vld [tilespmem:s19+$0xFFFFFF90]  }
0x72: {  	v7 =	vld [tilespmem:s20+$0xFFFFFF90];
	[tilespmem:s1+$0x0] =	vst v0  }
0x73: {  	[tilespmem:s1+$0xFFFFFF00] =	vst v4;
	v0 =	vld [tilespmem:s19+$0x10]  }
0x74: {  	v4 =	vld [tilespmem:s19+$0xFFFFFF10];
	v3 =	vmul.f32 v5, v3  }
0x75: {  	v5 =	vld [tilespmem:s20+$0xFFFFFF10];
	v1 =	vmul.f32 v2, v1  }
0x76: {  	v2 =	vld [tilespmem:s20+$0x10];
	[tilespmem:s1+$0x90] =	vst v3  }
0x77: {  	v3 =	vmul.f32 v7, v6;
	v6 =	vld [tilespmem:s19+$0xA0];
	[tilespmem:s17+$0x60] =	vst v1  }
0x78: {  	v1 =	vld [tilespmem:s20+$0xA0]  }
0x79: {  	[tilespmem:s1+$0xFFFFFF90] =	vst v3;
	v3 =	vld [tilespmem:s31+$0xFFFFFF70]  }
0x7a: {  	v4 =	vmul.f32 v5, v4;
	v5 =	vld [tilespmem:s19+$0xFFFFFFA0]  }
0x7b: {  	v7 =	vld [tilespmem:s20+$0xFFFFFFA0];
	v0 =	vmul.f32 v2, v0  }
0x7c: {  	[tilespmem:s1+$0xFFFFFF10] =	vst v4;
	v2 =	vld [tilespmem:s0+$0xFFFFFF70]  }
0x7d: {  	v4 =	vld [tilespmem:s19+$0xFFFFFF20];
	[tilespmem:s1+$0x10] =	vst v0;
	v0 =	vmul.f32 v1, v6  }
0x7e: {  	v1 =	vld [tilespmem:s20+$0xFFFFFF20]  }
0x7f: {  	v6 =	vld [tilespmem:s19+$0x20];
	[tilespmem:s1+$0xA0] =	vst v0  }
0x80: {  	v0 =	vmul.f32 v7, v5;
	v5 =	vld [tilespmem:s19+$0xB0]  }
0x81: {  	v7 =	vld [tilespmem:s20+$0xB0];
	v2 =	vmul.f32 v2, v3  }
0x82: {  	[tilespmem:s1+$0xFFFFFFA0] =	vst v0;
	v0 =	vld [tilespmem:s20+$0x20]  }
0x83: {  	v1 =	vmul.f32 v1, v4;
	v3 =	vld [tilespmem:s19+$0xFFFFFFB0];
	[tilespmem:s17+$0xFFFFFF70] =	vst v2  }
0x84: {  	v2 =	vld [tilespmem:s20+$0xFFFFFFB0]  }
0x85: {  	[tilespmem:s1+$0xFFFFFF20] =	vst v1;
	v1 =	vld [tilespmem:s31+$0xFFFFFFF0]  }
0x86: {  	v4 =	vld [tilespmem:s19+$0xFFFFFF30];
	v5 =	vmul.f32 v7, v5  }
0x87: {  	v7 =	vld [tilespmem:s20+$0xFFFFFF30];
	v0 =	vmul.f32 v0, v6  }
0x88: {  	[tilespmem:s1+$0xB0] =	vst v5;
	v5 =	vld [tilespmem:s0+$0xFFFFFFF0]  }
0x89: {  	v2 =	vmul.f32 v2, v3;
	[tilespmem:s1+$0x20] =	vst v0;
	v0 =	vld [tilespmem:s19+$0xC0]  }
0x8a: {  	v3 =	vld [tilespmem:s20+$0xC0]  }
0x8b: {  	[tilespmem:s1+$0xFFFFFFB0] =	vst v2;
	v2 =	vld [tilespmem:s19+$0x30]  }
0x8c: {  	v4 =	vmul.f32 v7, v4;
	v6 =	vld [tilespmem:s20+$0x30]  }
0x8d: {  	v7 =	vld [tilespmem:s19+$0xFFFFFFC0];
	v1 =	vmul.f32 v5, v1  }
0x8e: {  	[tilespmem:s1+$0xFFFFFF30] =	vst v4;
	v4 =	vld [tilespmem:s20+$0xFFFFFFC0]  }
0x8f: {  	v5 =	vld [tilespmem:s19+$0xFFFFFF40];
	v0 =	vmul.f32 v3, v0;
	[tilespmem:s17+$0xFFFFFFF0] =	vst v1  }
0x90: {  	v1 =	vld [tilespmem:s20+$0xFFFFFF40]  }
0x91: {  	v2 =	vmul.f32 v6, v2;
	[tilespmem:s1+$0xC0] =	vst v0;
	v3 =	vld [tilespmem:s31+$0x70];
	s31 =	smov.u32 s19  }
0x92: {  	v0 =	vld [tilespmem:s19+$0xD0]  }
0x93: {  	v4 =	vmul.f32 v4, v7;
	[tilespmem:s1+$0x30] =	vst v2;
	v2 =	vld [tilespmem:s20+$0xD0]  }
0x94: {  	v6 =	vld [tilespmem:s19+$0x40]  }
0x95: {  	v1 =	vmul.f32 v1, v5;
	[tilespmem:s1+$0xFFFFFFC0] =	vst v4;
	v4 =	vld [tilespmem:s20+$0x40]  }
0x96: {  	v5 =	vld [tilespmem:s19+$0xFFFFFFD0]  }
0x97: {  	[tilespmem:s1+$0xFFFFFF40] =	vst v1;
	v1 =	vld [tilespmem:s20+$0xFFFFFFD0]  }
0x98: {  	v7 =	vld [tilespmem:s19+$0xFFFFFF50];
	v0 =	vmul.f32 v2, v0  }
0x99: {  	v2 =	vld [tilespmem:s20+$0xFFFFFF50]  }
0x9a: {  	v4 =	vmul.f32 v4, v6;
	[tilespmem:s1+$0xD0] =	vst v0;
	v6 =	vld [tilespmem:s0+$0x70];
	s0 =	smov.u32 s20  }
0x9b: {  	v8 =	vld [tilespmem:s19+$0xE0]  }
0x9c: {  	v0 =	vmul.f32 v1, v5;
	[tilespmem:s1+$0x40] =	vst v4;
	v5 =	vld [tilespmem:s20+$0xE0]  }
0x9d: {  	v1 =	vld [tilespmem:s19+$0x50]  }
.Ltmp0:
0x9e: {  	v2 =	vmul.f32 v2, v7;
	[tilespmem:s1+$0xFFFFFFD0] =	vst v0;
	v4 =	vld [tilespmem:s20+$0x50];
	(pc) =	sbr.rel @p1 .LBB2_3-.Ltmp0, $4  }
0x9f: {  	v0 =	vld [tilespmem:s19+$0xFFFFFFE0];
	v7 =	vmul.f32 v6, v3  }
0xa0: {  	[tilespmem:s1+$0xFFFFFF50] =	vst v2;
	v3 =	vld [tilespmem:s20+$0xFFFFFFE0]  }
0xa1: {  	v2 =	vld [tilespmem:s19+$0xFFFFFF60];
	v6 =	vmul.f32 v5, v8;
	[tilespmem:s17+$0x70] =	vst v7;
	s17 =	smov.u32 s1  }
0xa2: {  	s19 =	sadd.s32 $0x200, s19;
	v5 =	vld [tilespmem:s20+$0xFFFFFF60]  }
0xa3: {  	v1 =	vmul.f32 v4, v1;
	_ =	sdelay $0x1  }
0xa4: {  	[tilespmem:s1+$0x50] =	vst v1  }
0xa5: {  	v1 =	vld [tilespmem:s31+$0x60]  }
0xa6: {  	v4 =	vld [tilespmem:s0+$0x60]  }
0xa7: {  	[tilespmem:s1+$0xE0] =	vst v6;
	v2 =	vmul.f32 v5, v2  }
0xa8: {  	v0 =	vmul.f32 v3, v0;
	v3 =	vld [tilespmem:s0+$0xF0]  }
0xa9: {  	v5 =	vld [tilespmem:s31+$0xF0];
	[tilespmem:s1+$0xFFFFFF60] =	vst v2  }
0xaa: {  	v2 =	vld [tilespmem:s31+$0xFFFFFF70]  }
0xab: {  	[tilespmem:s1+$0xFFFFFFE0] =	vst v0;
	v0 =	vmul.f32 v4, v1;
	v1 =	vld [tilespmem:s0+$0xFFFFFF70]  }
0xac: {  	v4 =	vld [tilespmem:s31+$0xFFFFFFF0]  }
0xad: {  	[tilespmem:s17+$0x60] =	vst v0;
	v0 =	vld [tilespmem:s0+$0xFFFFFFF0]  }
0xae: {  	v6 =	vld [tilespmem:s31+$0x70]  }
0xaf: {  	v7 =	vld [tilespmem:s0+$0x70];
	_ =	sdelay $0x1  }
0xb0: {  	v3 =	vmul.f32 v3, v5  }
0xb1: {  	v1 =	vmul.f32 v1, v2  }
0xb2: {  	[tilespmem:s17+$0xF0] =	vst v3;
	v0 =	vmul.f32 v0, v4  }
0xb3: {  	s31 =	smul.u32 $0xA0, s29;
	[tilespmem:s17+$0xFFFFFF70] =	vst v1;
	v1 =	vmul.f32 v7, v6  }
0xb4: {  	[tilespmem:s17+$0xFFFFFFF0] =	vst v0  }
0xb5: {  	s18 =	sadd.s32 $0x100, s30;
	s20 =	sadd.s32 s6, s31;
	[tilespmem:s17+$0x70] =	vst v1  }
0xb6: {  	[tilespmem:s15], [sflag:$0x1] =	stream.indirect.gather [hbm4b:s2+s14], $0x80, s18, s14, $0xb8;
	[tilespmem:$0x17000] =	vst v63  }
0xb7: {  	s19 =	sadd.s32 $0x4100, s30;
	s0 =	sshll.u32 s20, $0x4  }
0xb8: {  	[tilespmem:s16], [sflag:$0x1] =	stream.indirect.gather [hbm4b:s4+s14], $0x80, s19, s14, $0xb8;
	[tilespmem:$0x17000] =	vst v63  }
0xb9: {  	s0 =	sadd.s32 s5, s0  }
0xba: {  	[hbm4b:s0+s3] =	stream.linear.scatter [tilespmem:s22], [sflag:$0x3], $0x2800, $0x38;
	[tilespmem:$0x17000] =	vst v63  }
0xbb: {  	_ =	swait.ge [sflag:s23], $0x2800  }
0xbc: {  	[sflag:s23] =	ssyncset.done $0x0  }
0xbd: {  	[sflag:s23] =	ssyncadd.s32 $0xFFFFD800  }
0xbe: {  	_ =	swait.ge [sflag:s23], $0x2800  }
0xbf: {  	[sflag:s23] =	ssyncset.done $0x0  }
0xc0: {  	s0 =	simm.s32 @!p0 $0x4;
	[sflag:s23] =	ssyncadd.s32 $0xFFFFD800  }
0xc1: {  	_ =	swait.ge @!p0 [sflag:s0], $0x2800  }
0xc2: {  	[sflag:s0] =	ssyncset.done @!p0 $0x0  }
0xc3: {  	[sflag:s0] =	ssyncadd.s32 @!p0 $0xFFFFD800;
	s0 =	simm.s32 $0xD100  }
0xc4: {  	s1 =	simm.s32 $0xF900;
	v0 =	vld [tilespmem:s0+$0x80]  }
0xc5: {  	v1 =	vld [tilespmem:s1+$0x80];
	_ =	sdelay $0x2  }
0xc6: {  	v2 =	vld [tilespmem:s0+$0xFFFFFF80]  }
0xc7: {  	v3 =	vld [tilespmem:s1+$0xFFFFFF80]  }
0xc8: {  	v4 =	vld [tilespmem:s1+$0xFFFFFF00];
	v0 =	vmul.f32 v1, v0  }
0xc9: {  	s17 =	simm.s32 $0x14900;
	v1 =	vld [tilespmem:s0+$0xFFFFFF00]  }
0xca: {  	[tilespmem:s17+$0x80] =	vst v0  }
0xcb: {  	v0 =	vld [tilespmem:s0+$0x90]  }
0xcc: {  	v2 =	vmul.f32 v3, v2;
	v3 =	vld [tilespmem:s1+$0x90]  }
0xcd: {  	v5 =	vld [tilespmem:s0+$0x0]  }
0xce: {  	v6 =	vld [tilespmem:s1+$0x0];
	[tilespmem:s17+$0xFFFFFF80] =	vst v2;
	v1 =	vmul.f32 v4, v1  }
0xcf: {  	v2 =	vld [tilespmem:s0+$0xFFFFFF90]  }
0xd0: {  	v4 =	vld [tilespmem:s1+$0xFFFFFF90];
	[tilespmem:s17+$0xFFFFFF00] =	vst v1  }
0xd1: {  	v1 =	vld [tilespmem:s0+$0xFFFFFF10];
	v0 =	vmul.f32 v3, v0  }
0xd2: {  	v3 =	vld [tilespmem:s1+$0xFFFFFF10]  }
0xd3: {  	v5 =	vmul.f32 v6, v5;
	[tilespmem:s17+$0x90] =	vst v0  }
0xd4: {  	v0 =	vld [tilespmem:s0+$0xA0]  }
0xd5: {  	[tilespmem:s17+$0x0] =	vst v5;
	v2 =	vmul.f32 v4, v2;
	v4 =	vld [tilespmem:s1+$0xA0]  }
0xd6: {  	v5 =	vld [tilespmem:s0+$0x10]  }
0xd7: {  	v6 =	vld [tilespmem:s1+$0x10];
	[tilespmem:s17+$0xFFFFFF90] =	vst v2;
	v1 =	vmul.f32 v3, v1  }
0xd8: {  	v2 =	vld [tilespmem:s0+$0xFFFFFFA0]  }
0xd9: {  	v3 =	vld [tilespmem:s1+$0xFFFFFFA0];
	[tilespmem:s17+$0xFFFFFF10] =	vst v1  }
0xda: {  	v1 =	vld [tilespmem:s0+$0xFFFFFF20];
	v0 =	vmul.f32 v4, v0  }
0xdb: {  	v4 =	vld [tilespmem:s1+$0xFFFFFF20]  }
0xdc: {  	v5 =	vmul.f32 v6, v5;
	[tilespmem:s17+$0xA0] =	vst v0  }
0xdd: {  	v0 =	vld [tilespmem:s0+$0xB0]  }
0xde: {  	[tilespmem:s17+$0x10] =	vst v5;
	v2 =	vmul.f32 v3, v2;
	v3 =	vld [tilespmem:s1+$0xB0]  }
0xdf: {  	v5 =	vld [tilespmem:s0+$0x20]  }
0xe0: {  	[tilespmem:s17+$0xFFFFFFA0] =	vst v2;
	v2 =	vld [tilespmem:s1+$0x20];
	v1 =	vmul.f32 v4, v1  }
0xe1: {  	v4 =	vld [tilespmem:s0+$0xFFFFFFB0]  }
0xe2: {  	v6 =	vld [tilespmem:s1+$0xFFFFFFB0];
	[tilespmem:s17+$0xFFFFFF20] =	vst v1  }
0xe3: {  	v1 =	vld [tilespmem:s0+$0xFFFFFF30];
	v0 =	vmul.f32 v3, v0  }
0xe4: {  	v3 =	vld [tilespmem:s1+$0xFFFFFF30]  }
0xe5: {  	v2 =	vmul.f32 v2, v5;
	[tilespmem:s17+$0xB0] =	vst v0  }
0xe6: {  	v0 =	vld [tilespmem:s0+$0xC0]  }
0xe7: {  	v4 =	vmul.f32 v6, v4;
	[tilespmem:s17+$0x20] =	vst v2;
	v2 =	vld [tilespmem:s1+$0xC0]  }
0xe8: {  	v5 =	vld [tilespmem:s0+$0x30]  }
0xe9: {  	[tilespmem:s17+$0xFFFFFFB0] =	vst v4;
	v1 =	vmul.f32 v3, v1;
	v3 =	vld [tilespmem:s1+$0x30]  }
0xea: {  	v4 =	vld [tilespmem:s0+$0xFFFFFFC0]  }
0xeb: {  	[tilespmem:s17+$0xFFFFFF30] =	vst v1;
	v1 =	vld [tilespmem:s1+$0xFFFFFFC0]  }
0xec: {  	v6 =	vld [tilespmem:s0+$0xFFFFFF40];
	v0 =	vmul.f32 v2, v0  }
0xed: {  	v2 =	vld [tilespmem:s1+$0xFFFFFF40]  }
0xee: {  	v3 =	vmul.f32 v3, v5;
	[tilespmem:s17+$0xC0] =	vst v0  }
0xef: {  	v0 =	vld [tilespmem:s0+$0xD0]  }
0xf0: {  	v1 =	vmul.f32 v1, v4;
	[tilespmem:s17+$0x30] =	vst v3;
	v3 =	vld [tilespmem:s1+$0xD0]  }
0xf1: {  	v4 =	vld [tilespmem:s0+$0x40]  }
0xf2: {  	v2 =	vmul.f32 v2, v6;
	[tilespmem:s17+$0xFFFFFFC0] =	vst v1;
	v1 =	vld [tilespmem:s1+$0x40]  }
0xf3: {  	v5 =	vld [tilespmem:s0+$0xFFFFFFD0]  }
0xf4: {  	[tilespmem:s17+$0xFFFFFF40] =	vst v2;
	v2 =	vld [tilespmem:s1+$0xFFFFFFD0]  }
0xf5: {  	v6 =	vld [tilespmem:s0+$0xFFFFFF50];
	v0 =	vmul.f32 v3, v0  }
0xf6: {  	v3 =	vld [tilespmem:s1+$0xFFFFFF50]  }
0xf7: {  	v1 =	vmul.f32 v1, v4;
	[tilespmem:s17+$0xD0] =	vst v0  }
0xf8: {  	v7 =	vld [tilespmem:s0+$0xE0]  }
0xf9: {  	v0 =	vmul.f32 v2, v5;
	v5 =	vld [tilespmem:s1+$0xE0];
	[tilespmem:s17+$0x40] =	vst v1  }
0xfa: {  	v1 =	vld [tilespmem:s0+$0x50]  }
0xfb: {  	v2 =	vmul.f32 v3, v6;
	[tilespmem:s17+$0xFFFFFFD0] =	vst v0;
	v4 =	vld [tilespmem:s1+$0x50]  }
0xfc: {  	v0 =	vld [tilespmem:s0+$0xFFFFFFE0]  }
0xfd: {  	v3 =	vld [tilespmem:s1+$0xFFFFFFE0];
	[tilespmem:s17+$0xFFFFFF50] =	vst v2  }
0xfe: {  	s13 =	simm.s32 $0xF900;
	v2 =	vld [tilespmem:s0+$0xFFFFFF60];
	v6 =	vmul.f32 v5, v7  }
0xff: {  	s20 =	simm.s32 $0xD300;
	s18 =	simm.s32 $0x14900;
	s19 =	simm.s32 $0x0;
	v5 =	vld [tilespmem:s1+$0xFFFFFF60]  }
.LBB2_5:
0x100: {  	v7 =	vld [tilespmem:s20+$0x80];
	v1 =	vmul.f32 v4, v1;
	[tilespmem:s17+$0xE0] =	vst v6  }
0x101: {  	v4 =	vld [tilespmem:s0+$0xF0]  }
0x102: {  	s13 =	sadd.s32 $0x200, s13;
	v0 =	vmul.f32 v3, v0;
	[tilespmem:s17+$0x50] =	vst v1;
	v1 =	vld [tilespmem:s1+$0xF0]  }
0x103: {  	v3 =	vld [tilespmem:s13+$0x80]  }
0x104: {  	v6 =	vld [tilespmem:s13+$0xFFFFFF00];
	v2 =	vmul.f32 v5, v2;
	[tilespmem:s17+$0xFFFFFFE0] =	vst v0  }
0x105: {  	v0 =	vld [tilespmem:s20+$0xFFFFFF80]  }
0x106: {  	v5 =	vld [tilespmem:s13+$0xFFFFFF80];
	[tilespmem:s17+$0xFFFFFF60] =	vst v2  }
0x107: {  	v2 =	vld [tilespmem:s20+$0x0];
	v1 =	vmul.f32 v1, v4  }
0x108: {  	v4 =	vld [tilespmem:s13+$0x0];
	v3 =	vmul.f32 v3, v7  }
0x109: {  	s17 =	sadd.s32 $0x200, s17;
	v7 =	vld [tilespmem:s20+$0xFFFFFF00];
	[tilespmem:s18+$0xF0] =	vst v1  }
0x10a: {  	s19 =	sadd.s32 $0x4, s19;
	[tilespmem:s17+$0x80] =	vst v3;
	v1 =	vld [tilespmem:s0+$0x60]  }
0x10b: {  	p0 =	slt.u32 s19, $0x4C;
	v0 =	vmul.f32 v5, v0;
	v3 =	vld [tilespmem:s20+$0x90]  }
0x10c: {  	v5 =	vld [tilespmem:s13+$0x90]  }
0x10d: {  	[tilespmem:s17+$0xFFFFFF80] =	vst v0;
	v0 =	vmul.f32 v4, v2;
	v2 =	vld [tilespmem:s1+$0x60]  }
0x10e: {  	v4 =	vmul.f32 v6, v7;
	v6 =	vld [tilespmem:s20+$0xFFFFFF90]  }
0x10f: {  	v7 =	vld [tilespmem:s13+$0xFFFFFF90];
	[tilespmem:s17+$0x0] =	vst v0  }
0x110: {  	[tilespmem:s17+$0xFFFFFF00] =	vst v4;
	v0 =	vld [tilespmem:s20+$0x10]  }
0x111: {  	v4 =	vld [tilespmem:s20+$0xFFFFFF10];
	v3 =	vmul.f32 v5, v3  }
0x112: {  	v5 =	vld [tilespmem:s13+$0xFFFFFF10];
	v1 =	vmul.f32 v2, v1  }
0x113: {  	v2 =	vld [tilespmem:s13+$0x10];
	[tilespmem:s17+$0x90] =	vst v3  }
0x114: {  	v3 =	vmul.f32 v7, v6;
	v6 =	vld [tilespmem:s20+$0xA0];
	[tilespmem:s18+$0x60] =	vst v1  }
0x115: {  	v1 =	vld [tilespmem:s13+$0xA0]  }
0x116: {  	[tilespmem:s17+$0xFFFFFF90] =	vst v3;
	v3 =	vld [tilespmem:s0+$0xFFFFFF70]  }
0x117: {  	v4 =	vmul.f32 v5, v4;
	v5 =	vld [tilespmem:s20+$0xFFFFFFA0]  }
0x118: {  	v7 =	vld [tilespmem:s13+$0xFFFFFFA0];
	v0 =	vmul.f32 v2, v0  }
0x119: {  	[tilespmem:s17+$0xFFFFFF10] =	vst v4;
	v2 =	vld [tilespmem:s1+$0xFFFFFF70]  }
0x11a: {  	v4 =	vld [tilespmem:s20+$0xFFFFFF20];
	[tilespmem:s17+$0x10] =	vst v0;
	v0 =	vmul.f32 v1, v6  }
0x11b: {  	v1 =	vld [tilespmem:s13+$0xFFFFFF20]  }
0x11c: {  	v6 =	vld [tilespmem:s20+$0x20];
	[tilespmem:s17+$0xA0] =	vst v0  }
0x11d: {  	v0 =	vmul.f32 v7, v5;
	v5 =	vld [tilespmem:s20+$0xB0]  }
0x11e: {  	v7 =	vld [tilespmem:s13+$0xB0];
	v2 =	vmul.f32 v2, v3  }
0x11f: {  	[tilespmem:s17+$0xFFFFFFA0] =	vst v0;
	v0 =	vld [tilespmem:s13+$0x20]  }
0x120: {  	v1 =	vmul.f32 v1, v4;
	v3 =	vld [tilespmem:s20+$0xFFFFFFB0];
	[tilespmem:s18+$0xFFFFFF70] =	vst v2  }
0x121: {  	v2 =	vld [tilespmem:s13+$0xFFFFFFB0]  }
0x122: {  	[tilespmem:s17+$0xFFFFFF20] =	vst v1;
	v1 =	vld [tilespmem:s0+$0xFFFFFFF0]  }
0x123: {  	v4 =	vld [tilespmem:s20+$0xFFFFFF30];
	v5 =	vmul.f32 v7, v5  }
0x124: {  	v7 =	vld [tilespmem:s13+$0xFFFFFF30];
	v0 =	vmul.f32 v0, v6  }
0x125: {  	[tilespmem:s17+$0xB0] =	vst v5;
	v5 =	vld [tilespmem:s1+$0xFFFFFFF0]  }
0x126: {  	v2 =	vmul.f32 v2, v3;
	[tilespmem:s17+$0x20] =	vst v0;
	v0 =	vld [tilespmem:s20+$0xC0]  }
0x127: {  	v3 =	vld [tilespmem:s13+$0xC0]  }
0x128: {  	[tilespmem:s17+$0xFFFFFFB0] =	vst v2;
	v2 =	vld [tilespmem:s20+$0x30]  }
0x129: {  	v4 =	vmul.f32 v7, v4;
	v6 =	vld [tilespmem:s13+$0x30]  }
0x12a: {  	v7 =	vld [tilespmem:s20+$0xFFFFFFC0];
	v1 =	vmul.f32 v5, v1  }
0x12b: {  	[tilespmem:s17+$0xFFFFFF30] =	vst v4;
	v4 =	vld [tilespmem:s13+$0xFFFFFFC0]  }
0x12c: {  	v5 =	vld [tilespmem:s20+$0xFFFFFF40];
	v0 =	vmul.f32 v3, v0;
	[tilespmem:s18+$0xFFFFFFF0] =	vst v1  }
0x12d: {  	v1 =	vld [tilespmem:s13+$0xFFFFFF40]  }
0x12e: {  	v2 =	vmul.f32 v6, v2;
	[tilespmem:s17+$0xC0] =	vst v0;
	v3 =	vld [tilespmem:s0+$0x70];
	s0 =	smov.u32 s20  }
0x12f: {  	v0 =	vld [tilespmem:s20+$0xD0]  }
0x130: {  	v4 =	vmul.f32 v4, v7;
	[tilespmem:s17+$0x30] =	vst v2;
	v2 =	vld [tilespmem:s13+$0xD0]  }
0x131: {  	v6 =	vld [tilespmem:s20+$0x40]  }
0x132: {  	v1 =	vmul.f32 v1, v5;
	[tilespmem:s17+$0xFFFFFFC0] =	vst v4;
	v4 =	vld [tilespmem:s13+$0x40]  }
0x133: {  	v5 =	vld [tilespmem:s20+$0xFFFFFFD0]  }
0x134: {  	[tilespmem:s17+$0xFFFFFF40] =	vst v1;
	v1 =	vld [tilespmem:s13+$0xFFFFFFD0]  }
0x135: {  	v7 =	vld [tilespmem:s20+$0xFFFFFF50];
	v0 =	vmul.f32 v2, v0  }
0x136: {  	v2 =	vld [tilespmem:s13+$0xFFFFFF50]  }
0x137: {  	v4 =	vmul.f32 v4, v6;
	[tilespmem:s17+$0xD0] =	vst v0;
	v6 =	vld [tilespmem:s1+$0x70];
	s1 =	smov.u32 s13  }
0x138: {  	v8 =	vld [tilespmem:s20+$0xE0]  }
0x139: {  	v0 =	vmul.f32 v1, v5;
	[tilespmem:s17+$0x40] =	vst v4;
	v5 =	vld [tilespmem:s13+$0xE0]  }
0x13a: {  	v1 =	vld [tilespmem:s20+$0x50]  }
.Ltmp1:
0x13b: {  	v2 =	vmul.f32 v2, v7;
	[tilespmem:s17+$0xFFFFFFD0] =	vst v0;
	v4 =	vld [tilespmem:s13+$0x50];
	(pc) =	sbr.rel @p0 .LBB2_5-.Ltmp1, $4  }
0x13c: {  	v0 =	vld [tilespmem:s20+$0xFFFFFFE0];
	v7 =	vmul.f32 v6, v3  }
0x13d: {  	[tilespmem:s17+$0xFFFFFF50] =	vst v2;
	v3 =	vld [tilespmem:s13+$0xFFFFFFE0]  }
0x13e: {  	v2 =	vld [tilespmem:s20+$0xFFFFFF60];
	v6 =	vmul.f32 v5, v8;
	[tilespmem:s18+$0x70] =	vst v7;
	s18 =	smov.u32 s17  }
0x13f: {  	s20 =	sadd.s32 $0x200, s20;
	v5 =	vld [tilespmem:s13+$0xFFFFFF60]  }
0x140: {  	v1 =	vmul.f32 v4, v1;
	_ =	sdelay $0x1  }
0x141: {  	[tilespmem:s17+$0x50] =	vst v1  }
0x142: {  	v1 =	vld [tilespmem:s0+$0x60]  }
0x143: {  	v55 =	vld [tilespmem:s1+$0x60]  }
0x144: {  	[tilespmem:s17+$0xE0] =	vst v6;
	v0 =	vmul.f32 v3, v0  }
0x145: {  	v56 =	vld [tilespmem:s0+$0xF0]  }
0x146: {  	v57 =	vld [tilespmem:s1+$0xF0];
	v2 =	vmul.f32 v5, v2;
	[tilespmem:s17+$0xFFFFFFE0] =	vst v0  }
0x147: {  	v60 =	vld [tilespmem:s0+$0xFFFFFFF0]  }
0x148: {  	v61 =	vld [tilespmem:s1+$0xFFFFFFF0];
	[tilespmem:s17+$0xFFFFFF60] =	vst v2;
	v58 =	vmul.f32 v55, v1  }
0x149: {  	v2 =	vld [tilespmem:s0+$0xFFFFFF70]  }
0x14a: {  	v59 =	vld [tilespmem:s1+$0xFFFFFF70];
	[tilespmem:s18+$0x60] =	vst v58  }
0x14b: {  	v62 =	vld [tilespmem:s0+$0x70]  }
0x14c: {  	v7 =	vld [tilespmem:s1+$0x70];
	_ =	sdelay $0x1  }
0x14d: {  	v3 =	vmul.f32 v57, v56  }
0x14e: {  	v0 =	vmul.f32 v61, v60  }
0x14f: {  	[tilespmem:s18+$0xF0] =	vst v3;
	v1 =	vmul.f32 v59, v2  }
0x150: {  	[tilespmem:s18+$0xFFFFFFF0] =	vst v0;
	v63 =	vmul.f32 v7, v62  }
0x151: {  	p0 =	seq.s32 s29, $0x3D;
	[tilespmem:s18+$0xFFFFFF70] =	vst v1  }
0x152: {  	s13 =	simm.s32 @!p0 $0xD000;
	s0 =	sadd.s32 @!p0 $0x180, s30;
	s1 =	simm.s32 @!p0 $0x50;
	[tilespmem:s18+$0x70] =	vst v63  }
0x153: {  	[tilespmem:s13], [sflag:$0x2] =	stream.indirect.gather @!p0 [hbm4b:s2+s1], $0x80, s0, s1, $0xb8;
	[tilespmem:$0x17000] =	vst v63  }
0x154: {  	s29 =	sadd.s32 $0x1, s29;
	s0 =	sadd.s32 @!p0 $0x4180, s30;
	s13 =	simm.s32 @!p0 $0xF800  }
0x155: {  	[tilespmem:s13], [sflag:$0x2] =	stream.indirect.gather @!p0 [hbm4b:s4+s1], $0x80, s0, s1, $0xb8;
	[tilespmem:$0x17000] =	vst v63  }
0x156: {  	p0 =	sne.s32 s29, $0x3E  }
.Ltmp2:
0x157: {  	_ = 	snop;
	(pc) =	sbr.rel @p0 .LBB2_2-.Ltmp2, $4  }
0x158: {  	s31 =	sadd.s32 s31, s9  }
0x159: {  	s0 =	sshll.u32 s31, $0x4  }
0x15a: {  	s0 =	sadd.s32 s5, s0  }
0x15b: {  	[hbm4b:s0+s3] =	stream.linear.scatter [tilespmem:s24], [sflag:$0x4], $0x2800, $0x38;
	[tilespmem:$0x17000] =	vst v63  }
0x15c: {  	_ =	swait.ge [sflag:s21], $0x2800  }
0x15d: {  	[sflag:s21] =	ssyncset.done $0x0  }
0x15e: {  	[sflag:s21] =	ssyncadd.s32 $0xFFFFD800  }
0x15f: {  	_ =	swait.ge [sflag:s21], $0x2800  }
0x160: {  	[sflag:s21] =	ssyncset.done $0x0  }
0x161: {  	[sflag:s21] =	ssyncadd.s32 $0xFFFFD800  }
0x162: {  	_ =	swait.ge [sflag:s25], $0x2800  }
0x163: {  	[sflag:s25] =	ssyncset.done $0x0  }
0x164: {  	s0 =	simm.s32 $0x8100;
	[sflag:s25] =	ssyncadd.s32 $0xFFFFD800  }
0x165: {  	s1 =	simm.s32 $0xA900;
	v0 =	vld [tilespmem:s0+$0x80]  }
0x166: {  	v1 =	vld [tilespmem:s1+$0x80];
	_ =	sdelay $0x2  }
0x167: {  	v2 =	vld [tilespmem:s0+$0xFFFFFF80]  }
0x168: {  	v3 =	vld [tilespmem:s1+$0xFFFFFF80]  }
0x169: {  	v4 =	vld [tilespmem:s1+$0xFFFFFF00];
	v0 =	vmul.f32 v1, v0  }
0x16a: {  	s17 =	simm.s32 $0x12100;
	v1 =	vld [tilespmem:s0+$0xFFFFFF00]  }
0x16b: {  	[tilespmem:s17+$0x80] =	vst v0  }
0x16c: {  	v0 =	vld [tilespmem:s0+$0x90]  }
0x16d: {  	v2 =	vmul.f32 v3, v2;
	v3 =	vld [tilespmem:s1+$0x90]  }
0x16e: {  	v5 =	vld [tilespmem:s0+$0x0]  }
0x16f: {  	v6 =	vld [tilespmem:s1+$0x0];
	[tilespmem:s17+$0xFFFFFF80] =	vst v2;
	v1 =	vmul.f32 v4, v1  }
0x170: {  	v2 =	vld [tilespmem:s0+$0xFFFFFF90]  }
0x171: {  	v4 =	vld [tilespmem:s1+$0xFFFFFF90];
	[tilespmem:s17+$0xFFFFFF00] =	vst v1  }
0x172: {  	v1 =	vld [tilespmem:s0+$0xFFFFFF10];
	v0 =	vmul.f32 v3, v0  }
0x173: {  	v3 =	vld [tilespmem:s1+$0xFFFFFF10]  }
0x174: {  	v5 =	vmul.f32 v6, v5;
	[tilespmem:s17+$0x90] =	vst v0  }
0x175: {  	v0 =	vld [tilespmem:s0+$0xA0]  }
0x176: {  	[tilespmem:s17+$0x0] =	vst v5;
	v2 =	vmul.f32 v4, v2;
	v4 =	vld [tilespmem:s1+$0xA0]  }
0x177: {  	v5 =	vld [tilespmem:s0+$0x10]  }
0x178: {  	v6 =	vld [tilespmem:s1+$0x10];
	[tilespmem:s17+$0xFFFFFF90] =	vst v2;
	v1 =	vmul.f32 v3, v1  }
0x179: {  	v2 =	vld [tilespmem:s0+$0xFFFFFFA0]  }
0x17a: {  	v3 =	vld [tilespmem:s1+$0xFFFFFFA0];
	[tilespmem:s17+$0xFFFFFF10] =	vst v1  }
0x17b: {  	v1 =	vld [tilespmem:s0+$0xFFFFFF20];
	v0 =	vmul.f32 v4, v0  }
0x17c: {  	v4 =	vld [tilespmem:s1+$0xFFFFFF20]  }
0x17d: {  	v5 =	vmul.f32 v6, v5;
	[tilespmem:s17+$0xA0] =	vst v0  }
0x17e: {  	v0 =	vld [tilespmem:s0+$0xB0]  }
0x17f: {  	[tilespmem:s17+$0x10] =	vst v5;
	v2 =	vmul.f32 v3, v2;
	v3 =	vld [tilespmem:s1+$0xB0]  }
0x180: {  	v5 =	vld [tilespmem:s0+$0x20]  }
0x181: {  	[tilespmem:s17+$0xFFFFFFA0] =	vst v2;
	v2 =	vld [tilespmem:s1+$0x20];
	v1 =	vmul.f32 v4, v1  }
0x182: {  	v4 =	vld [tilespmem:s0+$0xFFFFFFB0]  }
0x183: {  	v6 =	vld [tilespmem:s1+$0xFFFFFFB0];
	[tilespmem:s17+$0xFFFFFF20] =	vst v1  }
0x184: {  	v1 =	vld [tilespmem:s0+$0xFFFFFF30];
	v0 =	vmul.f32 v3, v0  }
0x185: {  	v3 =	vld [tilespmem:s1+$0xFFFFFF30]  }
0x186: {  	v2 =	vmul.f32 v2, v5;
	[tilespmem:s17+$0xB0] =	vst v0  }
0x187: {  	v0 =	vld [tilespmem:s0+$0xC0]  }
0x188: {  	v4 =	vmul.f32 v6, v4;
	[tilespmem:s17+$0x20] =	vst v2;
	v2 =	vld [tilespmem:s1+$0xC0]  }
0x189: {  	v5 =	vld [tilespmem:s0+$0x30]  }
0x18a: {  	[tilespmem:s17+$0xFFFFFFB0] =	vst v4;
	v1 =	vmul.f32 v3, v1;
	v3 =	vld [tilespmem:s1+$0x30]  }
0x18b: {  	v4 =	vld [tilespmem:s0+$0xFFFFFFC0]  }
0x18c: {  	[tilespmem:s17+$0xFFFFFF30] =	vst v1;
	v1 =	vld [tilespmem:s1+$0xFFFFFFC0]  }
0x18d: {  	v6 =	vld [tilespmem:s0+$0xFFFFFF40];
	v0 =	vmul.f32 v2, v0  }
0x18e: {  	v2 =	vld [tilespmem:s1+$0xFFFFFF40]  }
0x18f: {  	v3 =	vmul.f32 v3, v5;
	[tilespmem:s17+$0xC0] =	vst v0  }
0x190: {  	v0 =	vld [tilespmem:s0+$0xD0]  }
0x191: {  	v1 =	vmul.f32 v1, v4;
	[tilespmem:s17+$0x30] =	vst v3;
	v3 =	vld [tilespmem:s1+$0xD0]  }
0x192: {  	v4 =	vld [tilespmem:s0+$0x40]  }
0x193: {  	v2 =	vmul.f32 v2, v6;
	[tilespmem:s17+$0xFFFFFFC0] =	vst v1;
	v1 =	vld [tilespmem:s1+$0x40]  }
0x194: {  	v5 =	vld [tilespmem:s0+$0xFFFFFFD0]  }
0x195: {  	[tilespmem:s17+$0xFFFFFF40] =	vst v2;
	v2 =	vld [tilespmem:s1+$0xFFFFFFD0]  }
0x196: {  	v6 =	vld [tilespmem:s0+$0xFFFFFF50];
	v0 =	vmul.f32 v3, v0  }
0x197: {  	v3 =	vld [tilespmem:s1+$0xFFFFFF50]  }
0x198: {  	v1 =	vmul.f32 v1, v4;
	[tilespmem:s17+$0xD0] =	vst v0  }
0x199: {  	v7 =	vld [tilespmem:s0+$0xE0]  }
0x19a: {  	v0 =	vmul.f32 v2, v5;
	v5 =	vld [tilespmem:s1+$0xE0];
	[tilespmem:s17+$0x40] =	vst v1  }
0x19b: {  	v1 =	vld [tilespmem:s0+$0x50]  }
0x19c: {  	v2 =	vmul.f32 v3, v6;
	[tilespmem:s17+$0xFFFFFFD0] =	vst v0;
	v4 =	vld [tilespmem:s1+$0x50]  }
0x19d: {  	v0 =	vld [tilespmem:s0+$0xFFFFFFE0]  }
0x19e: {  	v3 =	vld [tilespmem:s1+$0xFFFFFFE0];
	[tilespmem:s17+$0xFFFFFF50] =	vst v2  }
0x19f: {  	s19 =	simm.s32 $0x0;
	v2 =	vld [tilespmem:s0+$0xFFFFFF60];
	v6 =	vmul.f32 v5, v7  }
0x1a0: {  	s20 =	simm.s32 $0x8300;
	s13 =	simm.s32 $0xA900;
	s18 =	simm.s32 $0x12100;
	v5 =	vld [tilespmem:s1+$0xFFFFFF60]  }
.LBB2_8:
0x1a1: {  	v7 =	vld [tilespmem:s20+$0x80];
	v1 =	vmul.f32 v4, v1;
	[tilespmem:s17+$0xE0] =	vst v6  }
0x1a2: {  	v4 =	vld [tilespmem:s0+$0xF0]  }
0x1a3: {  	s13 =	sadd.s32 $0x200, s13;
	v0 =	vmul.f32 v3, v0;
	[tilespmem:s17+$0x50] =	vst v1;
	v1 =	vld [tilespmem:s1+$0xF0]  }
0x1a4: {  	v3 =	vld [tilespmem:s13+$0x80]  }
0x1a5: {  	v6 =	vld [tilespmem:s13+$0xFFFFFF00];
	v2 =	vmul.f32 v5, v2;
	[tilespmem:s17+$0xFFFFFFE0] =	vst v0  }
0x1a6: {  	v0 =	vld [tilespmem:s20+$0xFFFFFF80]  }
0x1a7: {  	v5 =	vld [tilespmem:s13+$0xFFFFFF80];
	[tilespmem:s17+$0xFFFFFF60] =	vst v2  }
0x1a8: {  	v2 =	vld [tilespmem:s20+$0x0];
	v1 =	vmul.f32 v1, v4  }
0x1a9: {  	v4 =	vld [tilespmem:s13+$0x0];
	v3 =	vmul.f32 v3, v7  }
0x1aa: {  	s17 =	sadd.s32 $0x200, s17;
	v7 =	vld [tilespmem:s20+$0xFFFFFF00];
	[tilespmem:s18+$0xF0] =	vst v1  }
0x1ab: {  	s19 =	sadd.s32 $0x4, s19;
	[tilespmem:s17+$0x80] =	vst v3;
	v1 =	vld [tilespmem:s0+$0x60]  }
0x1ac: {  	p0 =	slt.u32 s19, $0x4C;
	v0 =	vmul.f32 v5, v0;
	v3 =	vld [tilespmem:s20+$0x90]  }
0x1ad: {  	v5 =	vld [tilespmem:s13+$0x90]  }
0x1ae: {  	[tilespmem:s17+$0xFFFFFF80] =	vst v0;
	v0 =	vmul.f32 v4, v2;
	v2 =	vld [tilespmem:s1+$0x60]  }
0x1af: {  	v4 =	vmul.f32 v6, v7;
	v6 =	vld [tilespmem:s20+$0xFFFFFF90]  }
0x1b0: {  	v7 =	vld [tilespmem:s13+$0xFFFFFF90];
	[tilespmem:s17+$0x0] =	vst v0  }
0x1b1: {  	[tilespmem:s17+$0xFFFFFF00] =	vst v4;
	v0 =	vld [tilespmem:s20+$0x10]  }
0x1b2: {  	v4 =	vld [tilespmem:s20+$0xFFFFFF10];
	v3 =	vmul.f32 v5, v3  }
0x1b3: {  	v5 =	vld [tilespmem:s13+$0xFFFFFF10];
	v1 =	vmul.f32 v2, v1  }
0x1b4: {  	v2 =	vld [tilespmem:s13+$0x10];
	[tilespmem:s17+$0x90] =	vst v3  }
0x1b5: {  	v3 =	vmul.f32 v7, v6;
	v6 =	vld [tilespmem:s20+$0xA0];
	[tilespmem:s18+$0x60] =	vst v1  }
0x1b6: {  	v1 =	vld [tilespmem:s13+$0xA0]  }
0x1b7: {  	[tilespmem:s17+$0xFFFFFF90] =	vst v3;
	v3 =	vld [tilespmem:s0+$0xFFFFFF70]  }
0x1b8: {  	v4 =	vmul.f32 v5, v4;
	v5 =	vld [tilespmem:s20+$0xFFFFFFA0]  }
0x1b9: {  	v7 =	vld [tilespmem:s13+$0xFFFFFFA0];
	v0 =	vmul.f32 v2, v0  }
0x1ba: {  	[tilespmem:s17+$0xFFFFFF10] =	vst v4;
	v2 =	vld [tilespmem:s1+$0xFFFFFF70]  }
0x1bb: {  	v4 =	vld [tilespmem:s20+$0xFFFFFF20];
	[tilespmem:s17+$0x10] =	vst v0;
	v0 =	vmul.f32 v1, v6  }
0x1bc: {  	v1 =	vld [tilespmem:s13+$0xFFFFFF20]  }
0x1bd: {  	v6 =	vld [tilespmem:s20+$0x20];
	[tilespmem:s17+$0xA0] =	vst v0  }
0x1be: {  	v0 =	vmul.f32 v7, v5;
	v5 =	vld [tilespmem:s20+$0xB0]  }
0x1bf: {  	v7 =	vld [tilespmem:s13+$0xB0];
	v2 =	vmul.f32 v2, v3  }
0x1c0: {  	[tilespmem:s17+$0xFFFFFFA0] =	vst v0;
	v0 =	vld [tilespmem:s13+$0x20]  }
0x1c1: {  	v1 =	vmul.f32 v1, v4;
	v3 =	vld [tilespmem:s20+$0xFFFFFFB0];
	[tilespmem:s18+$0xFFFFFF70] =	vst v2  }
0x1c2: {  	v2 =	vld [tilespmem:s13+$0xFFFFFFB0]  }
0x1c3: {  	[tilespmem:s17+$0xFFFFFF20] =	vst v1;
	v1 =	vld [tilespmem:s0+$0xFFFFFFF0]  }
0x1c4: {  	v4 =	vld [tilespmem:s20+$0xFFFFFF30];
	v5 =	vmul.f32 v7, v5  }
0x1c5: {  	v7 =	vld [tilespmem:s13+$0xFFFFFF30];
	v0 =	vmul.f32 v0, v6  }
0x1c6: {  	[tilespmem:s17+$0xB0] =	vst v5;
	v5 =	vld [tilespmem:s1+$0xFFFFFFF0]  }
0x1c7: {  	v2 =	vmul.f32 v2, v3;
	[tilespmem:s17+$0x20] =	vst v0;
	v0 =	vld [tilespmem:s20+$0xC0]  }
0x1c8: {  	v3 =	vld [tilespmem:s13+$0xC0]  }
0x1c9: {  	[tilespmem:s17+$0xFFFFFFB0] =	vst v2;
	v2 =	vld [tilespmem:s20+$0x30]  }
0x1ca: {  	v4 =	vmul.f32 v7, v4;
	v6 =	vld [tilespmem:s13+$0x30]  }
0x1cb: {  	v7 =	vld [tilespmem:s20+$0xFFFFFFC0];
	v1 =	vmul.f32 v5, v1  }
0x1cc: {  	[tilespmem:s17+$0xFFFFFF30] =	vst v4;
	v4 =	vld [tilespmem:s13+$0xFFFFFFC0]  }
0x1cd: {  	v5 =	vld [tilespmem:s20+$0xFFFFFF40];
	v0 =	vmul.f32 v3, v0;
	[tilespmem:s18+$0xFFFFFFF0] =	vst v1  }
0x1ce: {  	v1 =	vld [tilespmem:s13+$0xFFFFFF40]  }
0x1cf: {  	v2 =	vmul.f32 v6, v2;
	[tilespmem:s17+$0xC0] =	vst v0;
	v3 =	vld [tilespmem:s0+$0x70];
	s0 =	smov.u32 s20  }
0x1d0: {  	v0 =	vld [tilespmem:s20+$0xD0]  }
0x1d1: {  	v4 =	vmul.f32 v4, v7;
	[tilespmem:s17+$0x30] =	vst v2;
	v2 =	vld [tilespmem:s13+$0xD0]  }
0x1d2: {  	v6 =	vld [tilespmem:s20+$0x40]  }
0x1d3: {  	v1 =	vmul.f32 v1, v5;
	[tilespmem:s17+$0xFFFFFFC0] =	vst v4;
	v4 =	vld [tilespmem:s13+$0x40]  }
0x1d4: {  	v5 =	vld [tilespmem:s20+$0xFFFFFFD0]  }
0x1d5: {  	[tilespmem:s17+$0xFFFFFF40] =	vst v1;
	v1 =	vld [tilespmem:s13+$0xFFFFFFD0]  }
0x1d6: {  	v7 =	vld [tilespmem:s20+$0xFFFFFF50];
	v0 =	vmul.f32 v2, v0  }
0x1d7: {  	v2 =	vld [tilespmem:s13+$0xFFFFFF50]  }
0x1d8: {  	v4 =	vmul.f32 v4, v6;
	[tilespmem:s17+$0xD0] =	vst v0;
	v6 =	vld [tilespmem:s1+$0x70];
	s1 =	smov.u32 s13  }
0x1d9: {  	v8 =	vld [tilespmem:s20+$0xE0]  }
0x1da: {  	v0 =	vmul.f32 v1, v5;
	[tilespmem:s17+$0x40] =	vst v4;
	v5 =	vld [tilespmem:s13+$0xE0]  }
0x1db: {  	v1 =	vld [tilespmem:s20+$0x50]  }
.Ltmp3:
0x1dc: {  	v2 =	vmul.f32 v2, v7;
	[tilespmem:s17+$0xFFFFFFD0] =	vst v0;
	v4 =	vld [tilespmem:s13+$0x50];
	(pc) =	sbr.rel @p0 .LBB2_8-.Ltmp3, $4  }
0x1dd: {  	v0 =	vld [tilespmem:s20+$0xFFFFFFE0];
	v7 =	vmul.f32 v6, v3  }
0x1de: {  	[tilespmem:s17+$0xFFFFFF50] =	vst v2;
	v3 =	vld [tilespmem:s13+$0xFFFFFFE0]  }
0x1df: {  	v2 =	vld [tilespmem:s20+$0xFFFFFF60];
	v6 =	vmul.f32 v5, v8;
	[tilespmem:s18+$0x70] =	vst v7;
	s18 =	smov.u32 s17  }
0x1e0: {  	s20 =	sadd.s32 $0x200, s20;
	v5 =	vld [tilespmem:s13+$0xFFFFFF60]  }
0x1e1: {  	v1 =	vmul.f32 v4, v1;
	_ =	sdelay $0x1  }
0x1e2: {  	[tilespmem:s17+$0x50] =	vst v1  }
0x1e3: {  	v1 =	vld [tilespmem:s0+$0x60]  }
0x1e4: {  	v55 =	vld [tilespmem:s1+$0x60]  }
0x1e5: {  	[tilespmem:s17+$0xE0] =	vst v6;
	v0 =	vmul.f32 v3, v0  }
0x1e6: {  	v56 =	vld [tilespmem:s0+$0xF0]  }
0x1e7: {  	v57 =	vld [tilespmem:s1+$0xF0];
	v2 =	vmul.f32 v5, v2;
	[tilespmem:s17+$0xFFFFFFE0] =	vst v0  }
0x1e8: {  	v60 =	vld [tilespmem:s0+$0xFFFFFFF0]  }
0x1e9: {  	v61 =	vld [tilespmem:s1+$0xFFFFFFF0];
	[tilespmem:s17+$0xFFFFFF60] =	vst v2;
	v58 =	vmul.f32 v55, v1  }
0x1ea: {  	v2 =	vld [tilespmem:s0+$0xFFFFFF70]  }
0x1eb: {  	v59 =	vld [tilespmem:s1+$0xFFFFFF70];
	[tilespmem:s18+$0x60] =	vst v58  }
0x1ec: {  	v62 =	vld [tilespmem:s0+$0x70]  }
0x1ed: {  	v7 =	vld [tilespmem:s1+$0x70];
	_ =	sdelay $0x1  }
0x1ee: {  	v3 =	vmul.f32 v57, v56  }
0x1ef: {  	v0 =	vmul.f32 v61, v60  }
0x1f0: {  	[tilespmem:s18+$0xF0] =	vst v3;
	v1 =	vmul.f32 v59, v2  }
0x1f1: {  	[tilespmem:s18+$0xFFFFFFF0] =	vst v0;
	v63 =	vmul.f32 v7, v62  }
0x1f2: {  	[tilespmem:s18+$0xFFFFFF70] =	vst v1  }
0x1f3: {  	s28 =	sadd.s32 $0x1, s28;
	[tilespmem:s18+$0x70] =	vst v63  }
0x1f4: {  	[hbm4b:s10+s3] =	stream.linear.scatter [tilespmem:s22], [sflag:$0x3], $0x2800, $0x38;
	[tilespmem:$0x17000] =	vst v63  }
0x1f5: {  	p0 =	sne.s32 s28, s11;
	_ =	swait.ge [sflag:s25], $0x2800  }
.Ltmp4:
0x1f6: {  	[sflag:s25] =	ssyncset.done $0x0;
	(pc) =	sbr.rel @p0 .LBB2_1-.Ltmp4, $4  }
0x1f7: {  	[sflag:s25] =	ssyncadd.s32 $0xFFFFD800  }
0x1f8: {  	_ =	swait.ge [sflag:s26], $0x2800  }
0x1f9: {  	[sflag:s26] =	ssyncset.done $0x0  }
0x1fa: {  	[sflag:s26] =	ssyncadd.s32 $0xFFFFD800  }
0x1fb: {  	_ =	sfence.sel $0x180000  }
0x1fc: {  	[bflag:$0x0] =	sbarrier.arrive $0xFFFF  }
0x1fd: {  	_ =	strace $0x90000047  }
0x1fe: {  	s0 =	stileid.u32;
	[bflag:$0x2] =	sbarrier.arrive $0xFFFF  }
0x1ff: {  	p0 =	sne.s32 s0, $0x0;
	s0 =	rddreg [dreg:$0x2]  }
0x200: {  	s0 =	sadd.s32 @!p0 $0x100000, s0  }
0x201: {  	[sflag:s0] =	ssyncadd.tile.s32 @!p0 $0x1;
	_ =	shalt  }
.Lfunc_end2:
_tile_overlayer_lowered:
.L_overlay_start_2:
0x202: {  	(tag) =	ssettag $0x2  }
0x203: {  	s0 =	rddreg [dreg:$0x0];
	s2 =	stileid.u32  }
0x204: {  	s1 =	rddreg [dreg:$0x1];
	p0 =	sne.s32 s2, $0x0  }
0x205: {  	s3 =	rddreg [dreg:$0x2];
	[bflag:$0x3] =	sbarrier.arrive $0xFFFF;
	s2 =	simm.s32 @!p0 $0x1C05  }
0x206: {  	[timem:s3], [sflag:s2] =	dma.local @!p0 [hbm:s0], s1  }
0x207: {  	s0 =	simm.s32 @!p0 $0x5  }
0x208: {  	_ =	swait.ge @!p0 [sflag:s0], s1  }
0x209: {  	s1 =	ssub.s32 @!p0 $0x0, s1;
	[sflag:s0] =	ssyncset.done @!p0 $0x0  }
0x20a: {  	[sflag:s0] =	ssyncadd.s32 @!p0 s1  }
0x20b: {  	[bflag:$0x3] =	sbarrier.arrive $0xFFFF  }
0x20c: {  	_ =	shalt  }

</sc_bundles>
